<compile_context>
chip_gen: v7x
topology: tpu7x:2x2x1
jax: 0.10.2.dev20260603
libtpu: 0.0.44.dev20260713+nightly
codegen_flags: <defaults>
</compile_context>

<pallas_src>
import jax
import jax.numpy as jnp
from jax import lax
from jax.experimental import pallas as pl
from jax.experimental.pallas import tpu as pltpu
from jax.experimental.pallas import tpu_sc as plsc

N = 10000
E = 320000
D_IN = 128

NC = 2
NS = 16
NW = NC * NS
K = 128
NB = 8
CH = 80
EPAD = NW * K * CH
ROWS = EPAD // K
NP = 10240
SLAB = NP // NS
NSL = N // NS


def _edge_loop(wid, srcr, dstr, src_idx, dst_idx, rows, tab_sh, acc_sh,
               cnt_sh, ones_v, semI, semG, semS, semC, with_counts):
    base = wid * CH

    def group(g, carry):
        row0 = base + g * NB
        didx = []
        for t in range(NB):
            didx.append(pltpu.async_copy(srcr.at[row0 + t], src_idx[t], semI))
            didx.append(pltpu.async_copy(dstr.at[row0 + t], dst_idx[t], semI))
        for d in didx:
            d.wait()
        dg = [pltpu.async_copy(tab_sh.at[src_idx[t]], rows[t], semG)
              for t in range(NB)]
        for d in dg:
            d.wait()
        ds = [pltpu.async_copy(rows[t], acc_sh.at[dst_idx[t]], semS, add=True)
              for t in range(NB)]
        if with_counts:
            ds += [pltpu.async_copy(ones_v, cnt_sh.at[dst_idx[t]], semC,
                                    add=True)
                   for t in range(NB)]
        for d in ds:
            d.wait()
        return carry

    lax.fori_loop(0, CH // NB, group, 0)


def _seg1_body(table, srcr, dstr, zrows, ones, acc_out, cnt_out,
               src_idx, dst_idx, rows, ones_v, acc_sh, cnt_sh, tab_sh,
               semI, semG, semS, semC):
    c = lax.axis_index("c")
    s = lax.axis_index("s")
    wid = c * NS + s

    pltpu.sync_copy(zrows, acc_sh.at[pl.ds(s * SLAB, SLAB)])
    pltpu.sync_copy(zrows, cnt_sh.at[pl.ds(s * SLAB, SLAB)])
    pltpu.sync_copy(ones, ones_v)
    pltpu.sync_copy(table.at[pl.ds(s * NSL, NSL)],
                    tab_sh.at[pl.ds(s * NSL, NSL)])
    plsc.subcore_barrier()

    _edge_loop(wid, srcr, dstr, src_idx, dst_idx, rows, tab_sh, acc_sh,
               cnt_sh, ones_v, semI, semG, semS, semC, True)

    plsc.subcore_barrier()
    pltpu.sync_copy(acc_sh.at[pl.ds(s * SLAB, SLAB)],
                    acc_out.at[c, pl.ds(s * SLAB, SLAB)])
    pltpu.sync_copy(cnt_sh.at[pl.ds(s * SLAB, SLAB)],
                    cnt_out.at[c, pl.ds(s * SLAB, SLAB)])


def _seg2_body(acc1, cnt1, xr1, srcr, dstr, zrows,
               cat_out,
               src_idx, dst_idx, rows, a0b, a1b, c0b, c1b, xb, hb, cnb,
               acc_sh, tab_sh, semI, semG, semS):
    c = lax.axis_index("c")
    s = lax.axis_index("s")
    wid = c * NS + s
    r0 = s * NSL

    pltpu.sync_copy(zrows, acc_sh.at[pl.ds(s * SLAB, SLAB)])
    pltpu.sync_copy(acc1.at[0, pl.ds(r0, NSL)], a0b)
    pltpu.sync_copy(acc1.at[1, pl.ds(r0, NSL)], a1b)
    pltpu.sync_copy(cnt1.at[0, pl.ds(r0, NSL)], c0b)
    pltpu.sync_copy(cnt1.at[1, pl.ds(r0, NSL)], c1b)
    pltpu.sync_copy(xr1.at[pl.ds(r0, NSL)], xb)

    def stage(r, carry):
        cn = jnp.maximum(c0b[r] + c1b[r], 1.0)
        hb[r] = jnp.maximum((a0b[r] + a1b[r]) / cn + xb[r], 0.0)
        cnb[r] = cn
        return carry

    lax.fori_loop(0, NSL, stage, 0)
    pltpu.sync_copy(hb, tab_sh.at[pl.ds(r0, NSL)])

    @pl.when(c == 0)
    def _():
        pltpu.sync_copy(hb, cat_out.at[pl.ds(2 * NP + r0, NSL)])
        pltpu.sync_copy(cnb, cat_out.at[pl.ds(2 * NP + N + r0, NSL)])

    plsc.subcore_barrier()

    _edge_loop(wid, srcr, dstr, src_idx, dst_idx, rows, tab_sh, acc_sh,
               None, None, semI, semG, semS, None, False)

    plsc.subcore_barrier()
    pltpu.sync_copy(acc_sh.at[pl.ds(s * SLAB, SLAB)],
                    cat_out.at[pl.ds(c * NP + s * SLAB, SLAB)])


_MESH = plsc.VectorSubcoreMesh(core_axis_name="c", subcore_axis_name="s",
                               num_cores=NC, num_subcores=NS)
_SC_PARAMS = pltpu.CompilerParams(use_tc_tiling_on_sc=False)

_seg1 = pl.kernel(
    _seg1_body,
    out_type=(jax.ShapeDtypeStruct((NC, NP, 16), jnp.float32),
              jax.ShapeDtypeStruct((NC, NP, 16), jnp.float32)),
    mesh=_MESH,
    scratch_types=[
        [pltpu.VMEM((K,), jnp.int32) for _ in range(NB)],
        [pltpu.VMEM((K,), jnp.int32) for _ in range(NB)],
        [pltpu.VMEM((K, 16), jnp.float32) for _ in range(NB)],
        pltpu.VMEM((K, 16), jnp.float32),
        pltpu.VMEM_SHARED((NP, 16), jnp.float32),
        pltpu.VMEM_SHARED((NP, 16), jnp.float32),
        pltpu.VMEM_SHARED((N, 16), jnp.float32),
        pltpu.SemaphoreType.DMA,
        pltpu.SemaphoreType.DMA,
        pltpu.SemaphoreType.DMA,
        pltpu.SemaphoreType.DMA,
    ],
    compiler_params=_SC_PARAMS)

_seg2 = pl.kernel(
    _seg2_body,
    out_type=jax.ShapeDtypeStruct((2 * NP + 2 * N, 16), jnp.float32),
    mesh=_MESH,
    scratch_types=[
        [pltpu.VMEM((K,), jnp.int32) for _ in range(NB)],
        [pltpu.VMEM((K,), jnp.int32) for _ in range(NB)],
        [pltpu.VMEM((K, 16), jnp.float32) for _ in range(NB)],
        pltpu.VMEM((NSL, 16), jnp.float32),
        pltpu.VMEM((NSL, 16), jnp.float32),
        pltpu.VMEM((NSL, 16), jnp.float32),
        pltpu.VMEM((NSL, 16), jnp.float32),
        pltpu.VMEM((NSL, 16), jnp.float32),
        pltpu.VMEM((NSL, 16), jnp.float32),
        pltpu.VMEM((NSL, 16), jnp.float32),
        pltpu.VMEM_SHARED((NP, 16), jnp.float32),
        pltpu.VMEM_SHARED((N, 16), jnp.float32),
        pltpu.SemaphoreType.DMA,
        pltpu.SemaphoreType.DMA,
        pltpu.SemaphoreType.DMA,
    ],
    compiler_params=_SC_PARAMS)



def _pre_a_body(x_ref, wl_ref, t1_ref):
    t1_ref[...] = jnp.dot(x_ref[...], wl_ref[...],
                          preferred_element_type=jnp.float32)


def _pre_b_body(x_ref, wr_ref, b1_ref, xr1_ref):
    xr1_ref[...] = (jnp.dot(x_ref[...], wr_ref[...],
                            preferred_element_type=jnp.float32)
                    + b1_ref[...])


def _post_body(cat_ref, wr2_ref, b2_ref, wl2_ref,
               wf1_ref, bf1_ref, wf2_ref, bf2_ref, wf3_ref, bf3_ref,
               out_ref):
    a0 = cat_ref[pl.ds(0, N // 8), :]
    a1 = cat_ref[pl.ds(NP // 8, N // 8), :]
    h1 = cat_ref[pl.ds(2 * NP // 8, N // 8), :]
    cn = cat_ref[pl.ds((2 * NP + N) // 8, N // 8), :]
    agg2 = (a0 + a1) / cn
    r2 = jnp.dot(h1, wr2_ref[...],
                 preferred_element_type=jnp.float32) + b2_ref[...]
    h2 = jnp.maximum(
        jnp.dot(agg2, wl2_ref[...], preferred_element_type=jnp.float32)
        + r2, 0.0)
    h3 = jnp.maximum(
        jnp.dot(h2, wf1_ref[...], preferred_element_type=jnp.float32)
        + bf1_ref[...], 0.0)
    h4 = jnp.maximum(
        jnp.dot(h3, wf2_ref[...], preferred_element_type=jnp.float32)
        + bf2_ref[...], 0.0)
    out_ref[...] = (jnp.dot(h4, wf3_ref[...],
                            preferred_element_type=jnp.float32)
                    + bf3_ref[...])


def kernel(x, edge_index, Wl1, Wr1, b1, Wl2, Wr2, b2,
           Wf1, bf1, Wf2, bf2, Wf3, bf3):
    src = edge_index[0]
    dst = edge_index[1]
    pad = EPAD - E
    srcr = jnp.concatenate(
        [src, jnp.zeros((pad,), jnp.int32)]).reshape(ROWS, K)
    dstr = jnp.concatenate(
        [dst, jnp.full((pad,), N, jnp.int32)]).reshape(ROWS, K)

    zrows = jnp.zeros((SLAB, 16), jnp.float32)
    ones = jnp.ones((K, 16), jnp.float32)

    t1 = pl.pallas_call(
        _pre_a_body,
        out_shape=jax.ShapeDtypeStruct((N, 16), jnp.float32),
    )(x, Wl1)
    xr1 = pl.pallas_call(
        _pre_b_body,
        out_shape=jax.ShapeDtypeStruct((N, 16), jnp.float32),
    )(x, Wr1, b1.reshape(1, 16))

    acc1, cnt1 = _seg1(t1, srcr, dstr, zrows, ones)
    cat = _seg2(acc1, cnt1, xr1, srcr, dstr, zrows)

    eye8 = jnp.eye(8, dtype=jnp.float32)
    outp = pl.pallas_call(
        _post_body,
        out_shape=jax.ShapeDtypeStruct((N // 8, 512), jnp.float32),
    )(cat.reshape((2 * NP + 2 * N) // 8, 128),
      jnp.kron(eye8, Wr2), jnp.tile(b2.reshape(1, 32), (1, 8)),
      jnp.kron(eye8, Wl2),
      jnp.kron(eye8, Wf1), jnp.tile(bf1.reshape(1, 64), (1, 8)),
      jnp.kron(eye8, Wf2), jnp.tile(bf2.reshape(1, 128), (1, 8)),
      jnp.kron(eye8, Wf3), jnp.tile(bf3.reshape(1, 64), (1, 8)))
    return outp.reshape(N, 64)

# --- scband reference (transcript-rebuilt; emitter-appended) ---
"""Pipeline reference for scband-graph-sage-77086073028678 (READ-ONLY COPY).

The authoritative reference and input builder live on the scoring server;
editing this copy changes nothing except your own understanding.
"""

import jax, jax.numpy as jnp
import numpy as np

N = 10000
E = 320000
D_IN = 128
N_CLASSES = 64


def _glorot(key, shape):
    fan_in = shape[0]
    s = 1.0 / np.sqrt(fan_in)
    return jax.random.uniform(key, shape, minval=-s, maxval=s, dtype=jnp.float32)


def setup_inputs(seed: int = 0) -> dict:
    key = jax.random.key(seed)
    ks = jax.random.split(key, 16)
    x = jax.random.normal(ks[0], (N, D_IN), dtype=jnp.float32)
    edge_index = jax.random.randint(ks[1], (2, E), 0, N, dtype=jnp.int32)
    # SAGEConv1: 128 -> 16 (lin_l for aggregated neighbors, lin_r for root)
    Wl1 = _glorot(ks[2], (D_IN, 16)); Wr1 = _glorot(ks[3], (D_IN, 16)); b1 = jnp.zeros((16,), jnp.float32)
    # SAGEConv2: 16 -> 32
    Wl2 = _glorot(ks[4], (16, 32)); Wr2 = _glorot(ks[5], (16, 32)); b2 = jnp.zeros((32,), jnp.float32)
    # fc1: 32 -> 64, fc2: 64 -> 128, fc3: 128 -> num_classes
    Wf1 = _glorot(ks[6], (32, 64)); bf1 = jnp.zeros((64,), jnp.float32)
    Wf2 = _glorot(ks[7], (64, 128)); bf2 = jnp.zeros((128,), jnp.float32)
    Wf3 = _glorot(ks[8], (128, N_CLASSES)); bf3 = jnp.zeros((N_CLASSES,), jnp.float32)
    return {"x": x, "edge_index": edge_index,
            "Wl1": Wl1, "Wr1": Wr1, "b1": b1,
            "Wl2": Wl2, "Wr2": Wr2, "b2": b2,
            "Wf1": Wf1, "bf1": bf1, "Wf2": Wf2, "bf2": bf2, "Wf3": Wf3, "bf3": bf3}


def _sage_conv(x, src, dst, Wl, Wr, b):
    # PyG SAGEConv with mean aggregation: out = lin_l(mean_{j in N(i)} x_j) + lin_r(x_i) + bias
    msg = jnp.take(x, src, axis=0)
    agg_sum = jax.ops.segment_sum(msg, dst, num_segments=N)
    cnt = jax.ops.segment_sum(jnp.ones((src.shape[0],), x.dtype), dst, num_segments=N)
    agg = agg_sum / jnp.clip(cnt, 1.0, None)[:, None]
    return agg @ Wl + x @ Wr + b


def reference(x, edge_index, Wl1, Wr1, b1, Wl2, Wr2, b2, Wf1, bf1, Wf2, bf2, Wf3, bf3):
    src = edge_index[0]
    dst = edge_index[1]
    h = jax.nn.relu(_sage_conv(x, src, dst, Wl1, Wr1, b1))
    h = jax.nn.relu(_sage_conv(h, src, dst, Wl2, Wr2, b2))
    h = jax.nn.relu(h @ Wf1 + bf1)
    # dropout is identity in eval mode (deterministic reference)
    h = jax.nn.relu(h @ Wf2 + bf2)
    h = h @ Wf3 + bf3
    return h

if __name__ == "__main__":
    import jax
    _d = setup_inputs()
    print(jax.jit(kernel)(*tuple(_d.values())))

</pallas_src>

<mosaic_0001>
#map = affine_map<(d0, d1) -> (0, 0)>
#map1 = affine_map<(d0, d1) -> (0, 0, 0)>
module attributes {stable_mosaic.version = 14 : i64} {
  func.func @_seg1_body(%arg0: i32, %arg1: i32, %arg2: memref<10000x16xf32, #tpu.memory_space<hbm>>, %arg3: memref<2560x128xi32, #tpu.memory_space<hbm>>, %arg4: memref<2560x128xi32, #tpu.memory_space<hbm>>, %arg5: memref<640x16xf32, #tpu.memory_space<hbm>>, %arg6: memref<128x16xf32, #tpu.memory_space<hbm>>, %arg7: memref<2x10240x16xf32, #tpu.memory_space<hbm>>, %arg8: memref<2x10240x16xf32, #tpu.memory_space<hbm>>, %arg9: memref<128xi32, #tpu.memory_space<vmem>>, %arg10: memref<128xi32, #tpu.memory_space<vmem>>, %arg11: memref<128xi32, #tpu.memory_space<vmem>>, %arg12: memref<128xi32, #tpu.memory_space<vmem>>, %arg13: memref<128xi32, #tpu.memory_space<vmem>>, %arg14: memref<128xi32, #tpu.memory_space<vmem>>, %arg15: memref<128xi32, #tpu.memory_space<vmem>>, %arg16: memref<128xi32, #tpu.memory_space<vmem>>, %arg17: memref<128xi32, #tpu.memory_space<vmem>>, %arg18: memref<128xi32, #tpu.memory_space<vmem>>, %arg19: memref<128xi32, #tpu.memory_space<vmem>>, %arg20: memref<128xi32, #tpu.memory_space<vmem>>, %arg21: memref<128xi32, #tpu.memory_space<vmem>>, %arg22: memref<128xi32, #tpu.memory_space<vmem>>, %arg23: memref<128xi32, #tpu.memory_space<vmem>>, %arg24: memref<128xi32, #tpu.memory_space<vmem>>, %arg25: memref<128x16xf32, #tpu.memory_space<vmem>>, %arg26: memref<128x16xf32, #tpu.memory_space<vmem>>, %arg27: memref<128x16xf32, #tpu.memory_space<vmem>>, %arg28: memref<128x16xf32, #tpu.memory_space<vmem>>, %arg29: memref<128x16xf32, #tpu.memory_space<vmem>>, %arg30: memref<128x16xf32, #tpu.memory_space<vmem>>, %arg31: memref<128x16xf32, #tpu.memory_space<vmem>>, %arg32: memref<128x16xf32, #tpu.memory_space<vmem>>, %arg33: memref<128x16xf32, #tpu.memory_space<vmem>>, %arg34: memref<10240x16xf32, #tpu.memory_space<vmem_shared>>, %arg35: memref<10240x16xf32, #tpu.memory_space<vmem_shared>>, %arg36: memref<10000x16xf32, #tpu.memory_space<vmem_shared>>, %arg37: memref<!tpu.dma_semaphore, #tpu.memory_space<semaphore_mem>>, %arg38: memref<!tpu.dma_semaphore, #tpu.memory_space<semaphore_mem>>, %arg39: memref<!tpu.dma_semaphore, #tpu.memory_space<semaphore_mem>>, %arg40: memref<!tpu.dma_semaphore, #tpu.memory_space<semaphore_mem>>) attributes {dimension_semantics = [#tpu.dimension_semantics<core_parallel>, #tpu.dimension_semantics<subcore_parallel>], iteration_bounds = array<i64: 2, 16>, scalar_prefetch = 0 : i64, scratch_operands = 32 : i64, tpu.core_type = #tpu.core_type<sc_vector_subcore>, window_params = [{transform_indices = #map}, {transform_indices = #map}, {transform_indices = #map}, {transform_indices = #map}, {transform_indices = #map}, {transform_indices = #map1}, {transform_indices = #map1}]} {
    %mul3A = arith.constant 16 : i32
    %mul3A_0 = arith.muli %arg0, %mul3A : i32
    %add3A = arith.addi %mul3A_0, %arg1 : i32
    %mul3A_1 = arith.constant 640 : i32
    %mul3A_2 = arith.muli %arg1, %mul3A_1 : i32
    "tpu.region"() ({
      %run_scoped3A = tpu.sem_alloc : memref<!tpu.dma_semaphore, #tpu.memory_space<semaphore_mem>>
      %dma_start3A = arith.constant 0 : i32
      %dma_start3A_25 = tpu.memref_slice %arg34[%mul3A_2, %dma_start3A] : memref<10240x16xf32, #tpu.memory_space<vmem_shared>> -> memref<640x16xf32, #tpu.memory_space<vmem_shared>>
      tpu.enqueue_dma source(%arg5 : memref<640x16xf32, #tpu.memory_space<hbm>>) target(%dma_start3A_25 : memref<640x16xf32, #tpu.memory_space<vmem_shared>>) target_semaphore(%run_scoped3A : memref<!tpu.dma_semaphore, #tpu.memory_space<semaphore_mem>>)
      %dma_wait3A = arith.constant 0 : i32
      %dma_wait3A_26 = tpu.memref_slice %arg34[%mul3A_2, %dma_wait3A] : memref<10240x16xf32, #tpu.memory_space<vmem_shared>> -> memref<640x16xf32, #tpu.memory_space<vmem_shared>>
      tpu.wait_dma2 semaphore(%run_scoped3A : memref<!tpu.dma_semaphore, #tpu.memory_space<semaphore_mem>>) src(%arg5 : memref<640x16xf32, #tpu.memory_space<hbm>>) dst(%dma_wait3A_26 : memref<640x16xf32, #tpu.memory_space<vmem_shared>>)
      tpu.yield
    }) : () -> ()
    %mul3A_3 = arith.constant 640 : i32
    %mul3A_4 = arith.muli %arg1, %mul3A_3 : i32
    "tpu.region"() ({
      %run_scoped3A = tpu.sem_alloc : memref<!tpu.dma_semaphore, #tpu.memory_space<semaphore_mem>>
      %dma_start3A = arith.constant 0 : i32
      %dma_start3A_25 = tpu.memref_slice %arg35[%mul3A_4, %dma_start3A] : memref<10240x16xf32, #tpu.memory_space<vmem_shared>> -> memref<640x16xf32, #tpu.memory_space<vmem_shared>>
      tpu.enqueue_dma source(%arg5 : memref<640x16xf32, #tpu.memory_space<hbm>>) target(%dma_start3A_25 : memref<640x16xf32, #tpu.memory_space<vmem_shared>>) target_semaphore(%run_scoped3A : memref<!tpu.dma_semaphore, #tpu.memory_space<semaphore_mem>>)
      %dma_wait3A = arith.constant 0 : i32
      %dma_wait3A_26 = tpu.memref_slice %arg35[%mul3A_4, %dma_wait3A] : memref<10240x16xf32, #tpu.memory_space<vmem_shared>> -> memref<640x16xf32, #tpu.memory_space<vmem_shared>>
      tpu.wait_dma2 semaphore(%run_scoped3A : memref<!tpu.dma_semaphore, #tpu.memory_space<semaphore_mem>>) src(%arg5 : memref<640x16xf32, #tpu.memory_space<hbm>>) dst(%dma_wait3A_26 : memref<640x16xf32, #tpu.memory_space<vmem_shared>>)
      tpu.yield
    }) : () -> ()
    "tpu.region"() ({
      %run_scoped3A = tpu.sem_alloc : memref<!tpu.dma_semaphore, #tpu.memory_space<semaphore_mem>>
      tpu.enqueue_dma source(%arg6 : memref<128x16xf32, #tpu.memory_space<hbm>>) target(%arg33 : memref<128x16xf32, #tpu.memory_space<vmem>>) target_semaphore(%run_scoped3A : memref<!tpu.dma_semaphore, #tpu.memory_space<semaphore_mem>>)
      tpu.wait_dma2 semaphore(%run_scoped3A : memref<!tpu.dma_semaphore, #tpu.memory_space<semaphore_mem>>) src(%arg6 : memref<128x16xf32, #tpu.memory_space<hbm>>) dst(%arg33 : memref<128x16xf32, #tpu.memory_space<vmem>>)
      tpu.yield
    }) : () -> ()
    %mul3A_5 = arith.constant 625 : i32
    %mul3A_6 = arith.muli %arg1, %mul3A_5 : i32
    %mul3A_7 = arith.constant 625 : i32
    %mul3A_8 = arith.muli %arg1, %mul3A_7 : i32
    "tpu.region"() ({
      %run_scoped3A = tpu.sem_alloc : memref<!tpu.dma_semaphore, #tpu.memory_space<semaphore_mem>>
      %dma_start3A = arith.constant 0 : i32
      %dma_start3A_25 = tpu.memref_slice %arg36[%mul3A_8, %dma_start3A] : memref<10000x16xf32, #tpu.memory_space<vmem_shared>> -> memref<625x16xf32, #tpu.memory_space<vmem_shared>>
      %dma_start3A_26 = arith.constant 0 : i32
      %dma_start3A_27 = tpu.memref_slice %arg2[%mul3A_6, %dma_start3A_26] : memref<10000x16xf32, #tpu.memory_space<hbm>> -> memref<625x16xf32, #tpu.memory_space<hbm>>
      tpu.enqueue_dma source(%dma_start3A_27 : memref<625x16xf32, #tpu.memory_space<hbm>>) target(%dma_start3A_25 : memref<625x16xf32, #tpu.memory_space<vmem_shared>>) target_semaphore(%run_scoped3A : memref<!tpu.dma_semaphore, #tpu.memory_space<semaphore_mem>>)
      %dma_wait3A = arith.constant 0 : i32
      %dma_wait3A_28 = tpu.memref_slice %arg36[%mul3A_8, %dma_wait3A] : memref<10000x16xf32, #tpu.memory_space<vmem_shared>> -> memref<625x16xf32, #tpu.memory_space<vmem_shared>>
      %dma_wait3A_29 = arith.constant 0 : i32
      %dma_wait3A_30 = tpu.memref_slice %arg2[%mul3A_6, %dma_wait3A_29] : memref<10000x16xf32, #tpu.memory_space<hbm>> -> memref<625x16xf32, #tpu.memory_space<hbm>>
      tpu.wait_dma2 semaphore(%run_scoped3A : memref<!tpu.dma_semaphore, #tpu.memory_space<semaphore_mem>>) src(%dma_wait3A_30 : memref<625x16xf32, #tpu.memory_space<hbm>>) dst(%dma_wait3A_28 : memref<625x16xf32, #tpu.memory_space<vmem_shared>>)
      tpu.yield
    }) : () -> ()
    %barrier3A = arith.constant 0 : index
    tpu.barrier barrier_id(%barrier3A)
    %mul3A_9 = arith.constant 80 : i32
    %mul3A_10 = arith.muli %add3A, %mul3A_9 : i32
    %scan3A = arith.constant 0 : i32
    %scan3A_11 = arith.constant 0 : i32
    %scan3A_12 = arith.constant 10 : i32
    %scan3A_13 = arith.addi %scan3A_11, %scan3A_12 : i32
    %scan3A_14 = arith.constant 1 : i32
    scf.for %scan3A_25 = %scan3A_11 to %scan3A_13 step %scan3A_14  : i32 {
      %mul3A_26 = arith.constant 8 : i32
      %mul3A_27 = arith.muli %scan3A_25, %mul3A_26 : i32
      %add3A_28 = arith.addi %mul3A_10, %mul3A_27 : i32
      %add3A_29 = arith.constant 0 : i32
      %add3A_30 = arith.addi %add3A_28, %add3A_29 : i32
      %dma_start3A = arith.constant 0 : i32
      %dma_start3A_31 = tpu.memref_slice %arg3[%add3A_30, %dma_start3A] : memref<2560x128xi32, #tpu.memory_space<hbm>> -> memref<1x128xi32, #tpu.memory_space<hbm>>
      %dma_start3A_32 = tpu.memref_squeeze %dma_start3A_31 : memref<1x128xi32, #tpu.memory_space<hbm>> -> memref<128xi32, #tpu.memory_space<hbm>>
      %dma_start3A_33 = arith.constant 0 : i32
      %dma_start3A_34 = tpu.memref_slice %arg3[%add3A_30, %dma_start3A_33] : memref<2560x128xi32, #tpu.memory_space<hbm>> -> memref<1x128xi32, #tpu.memory_space<hbm>>
      %dma_start3A_35 = tpu.memref_squeeze %dma_start3A_34 : memref<1x128xi32, #tpu.memory_space<hbm>> -> memref<128xi32, #tpu.memory_space<hbm>>
      tpu.enqueue_dma source(%dma_start3A_35 : memref<128xi32, #tpu.memory_space<hbm>>) target(%arg9 : memref<128xi32, #tpu.memory_space<vmem>>) target_semaphore(%arg37 : memref<!tpu.dma_semaphore, #tpu.memory_space<semaphore_mem>>)
      %add3A_36 = arith.constant 0 : i32
      %add3A_37 = arith.addi %add3A_28, %add3A_36 : i32
      %dma_start3A_38 = arith.constant 0 : i32
      %dma_start3A_39 = tpu.memref_slice %arg4[%add3A_37, %dma_start3A_38] : memref<2560x128xi32, #tpu.memory_space<hbm>> -> memref<1x128xi32, #tpu.memory_space<hbm>>
      %dma_start3A_40 = tpu.memref_squeeze %dma_start3A_39 : memref<1x128xi32, #tpu.memory_space<hbm>> -> memref<128xi32, #tpu.memory_space<hbm>>
      %dma_start3A_41 = arith.constant 0 : i32
      %dma_start3A_42 = tpu.memref_slice %arg4[%add3A_37, %dma_start3A_41] : memref<2560x128xi32, #tpu.memory_space<hbm>> -> memref<1x128xi32, #tpu.memory_space<hbm>>
      %dma_start3A_43 = tpu.memref_squeeze %dma_start3A_42 : memref<1x128xi32, #tpu.memory_space<hbm>> -> memref<128xi32, #tpu.memory_space<hbm>>
      tpu.enqueue_dma source(%dma_start3A_43 : memref<128xi32, #tpu.memory_space<hbm>>) target(%arg17 : memref<128xi32, #tpu.memory_space<vmem>>) target_semaphore(%arg37 : memref<!tpu.dma_semaphore, #tpu.memory_space<semaphore_mem>>)
      %add3A_44 = arith.constant 1 : i32
      %add3A_45 = arith.addi %add3A_28, %add3A_44 : i32
      %dma_start3A_46 = arith.constant 0 : i32
      %dma_start3A_47 = tpu.memref_slice %arg3[%add3A_45, %dma_start3A_46] : memref<2560x128xi32, #tpu.memory_space<hbm>> -> memref<1x128xi32, #tpu.memory_space<hbm>>
      %dma_start3A_48 = tpu.memref_squeeze %dma_start3A_47 : memref<1x128xi32, #tpu.memory_space<hbm>> -> memref<128xi32, #tpu.memory_space<hbm>>
      %dma_start3A_49 = arith.constant 0 : i32
      %dma_start3A_50 = tpu.memref_slice %arg3[%add3A_45, %dma_start3A_49] : memref<2560x128xi32, #tpu.memory_space<hbm>> -> memref<1x128xi32, #tpu.memory_space<hbm>>
      %dma_start3A_51 = tpu.memref_squeeze %dma_start3A_50 : memref<1x128xi32, #tpu.memory_space<hbm>> -> memref<128xi32, #tpu.memory_space<hbm>>
      tpu.enqueue_dma source(%dma_start3A_51 : memref<128xi32, #tpu.memory_space<hbm>>) target(%arg10 : memref<128xi32, #tpu.memory_space<vmem>>) target_semaphore(%arg37 : memref<!tpu.dma_semaphore, #tpu.memory_space<semaphore_mem>>)
      %add3A_52 = arith.constant 1 : i32
      %add3A_53 = arith.addi %add3A_28, %add3A_52 : i32
      %dma_start3A_54 = arith.constant 0 : i32
      %dma_start3A_55 = tpu.memref_slice %arg4[%add3A_53, %dma_start3A_54] : memref<2560x128xi32, #tpu.memory_space<hbm>> -> memref<1x128xi32, #tpu.memory_space<hbm>>
      %dma_start3A_56 = tpu.memref_squeeze %dma_start3A_55 : memref<1x128xi32, #tpu.memory_space<hbm>> -> memref<128xi32, #tpu.memory_space<hbm>>
      %dma_start3A_57 = arith.constant 0 : i32
      %dma_start3A_58 = tpu.memref_slice %arg4[%add3A_53, %dma_start3A_57] : memref<2560x128xi32, #tpu.memory_space<hbm>> -> memref<1x128xi32, #tpu.memory_space<hbm>>
      %dma_start3A_59 = tpu.memref_squeeze %dma_start3A_58 : memref<1x128xi32, #tpu.memory_space<hbm>> -> memref<128xi32, #tpu.memory_space<hbm>>
      tpu.enqueue_dma source(%dma_start3A_59 : memref<128xi32, #tpu.memory_space<hbm>>) target(%arg18 : memref<128xi32, #tpu.memory_space<vmem>>) target_semaphore(%arg37 : memref<!tpu.dma_semaphore, #tpu.memory_space<semaphore_mem>>)
      %add3A_60 = arith.constant 2 : i32
      %add3A_61 = arith.addi %add3A_28, %add3A_60 : i32
      %dma_start3A_62 = arith.constant 0 : i32
      %dma_start3A_63 = tpu.memref_slice %arg3[%add3A_61, %dma_start3A_62] : memref<2560x128xi32, #tpu.memory_space<hbm>> -> memref<1x128xi32, #tpu.memory_space<hbm>>
      %dma_start3A_64 = tpu.memref_squeeze %dma_start3A_63 : memref<1x128xi32, #tpu.memory_space<hbm>> -> memref<128xi32, #tpu.memory_space<hbm>>
      %dma_start3A_65 = arith.constant 0 : i32
      %dma_start3A_66 = tpu.memref_slice %arg3[%add3A_61, %dma_start3A_65] : memref<2560x128xi32, #tpu.memory_space<hbm>> -> memref<1x128xi32, #tpu.memory_space<hbm>>
      %dma_start3A_67 = tpu.memref_squeeze %dma_start3A_66 : memref<1x128xi32, #tpu.memory_space<hbm>> -> memref<128xi32, #tpu.memory_space<hbm>>
      tpu.enqueue_dma source(%dma_start3A_67 : memref<128xi32, #tpu.memory_space<hbm>>) target(%arg11 : memref<128xi32, #tpu.memory_space<vmem>>) target_semaphore(%arg37 : memref<!tpu.dma_semaphore, #tpu.memory_space<semaphore_mem>>)
      %add3A_68 = arith.constant 2 : i32
      %add3A_69 = arith.addi %add3A_28, %add3A_68 : i32
      %dma_start3A_70 = arith.constant 0 : i32
      %dma_start3A_71 = tpu.memref_slice %arg4[%add3A_69, %dma_start3A_70] : memref<2560x128xi32, #tpu.memory_space<hbm>> -> memref<1x128xi32, #tpu.memory_space<hbm>>
      %dma_start3A_72 = tpu.memref_squeeze %dma_start3A_71 : memref<1x128xi32, #tpu.memory_space<hbm>> -> memref<128xi32, #tpu.memory_space<hbm>>
      %dma_start3A_73 = arith.constant 0 : i32
      %dma_start3A_74 = tpu.memref_slice %arg4[%add3A_69, %dma_start3A_73] : memref<2560x128xi32, #tpu.memory_space<hbm>> -> memref<1x128xi32, #tpu.memory_space<hbm>>
      %dma_start3A_75 = tpu.memref_squeeze %dma_start3A_74 : memref<1x128xi32, #tpu.memory_space<hbm>> -> memref<128xi32, #tpu.memory_space<hbm>>
      tpu.enqueue_dma source(%dma_start3A_75 : memref<128xi32, #tpu.memory_space<hbm>>) target(%arg19 : memref<128xi32, #tpu.memory_space<vmem>>) target_semaphore(%arg37 : memref<!tpu.dma_semaphore, #tpu.memory_space<semaphore_mem>>)
      %add3A_76 = arith.constant 3 : i32
      %add3A_77 = arith.addi %add3A_28, %add3A_76 : i32
      %dma_start3A_78 = arith.constant 0 : i32
      %dma_start3A_79 = tpu.memref_slice %arg3[%add3A_77, %dma_start3A_78] : memref<2560x128xi32, #tpu.memory_space<hbm>> -> memref<1x128xi32, #tpu.memory_space<hbm>>
      %dma_start3A_80 = tpu.memref_squeeze %dma_start3A_79 : memref<1x128xi32, #tpu.memory_space<hbm>> -> memref<128xi32, #tpu.memory_space<hbm>>
      %dma_start3A_81 = arith.constant 0 : i32
      %dma_start3A_82 = tpu.memref_slice %arg3[%add3A_77, %dma_start3A_81] : memref<2560x128xi32, #tpu.memory_space<hbm>> -> memref<1x128xi32, #tpu.memory_space<hbm>>
      %dma_start3A_83 = tpu.memref_squeeze %dma_start3A_82 : memref<1x128xi32, #tpu.memory_space<hbm>> -> memref<128xi32, #tpu.memory_space<hbm>>
      tpu.enqueue_dma source(%dma_start3A_83 : memref<128xi32, #tpu.memory_space<hbm>>) target(%arg12 : memref<128xi32, #tpu.memory_space<vmem>>) target_semaphore(%arg37 : memref<!tpu.dma_semaphore, #tpu.memory_space<semaphore_mem>>)
      %add3A_84 = arith.constant 3 : i32
      %add3A_85 = arith.addi %add3A_28, %add3A_84 : i32
      %dma_start3A_86 = arith.constant 0 : i32
      %dma_start3A_87 = tpu.memref_slice %arg4[%add3A_85, %dma_start3A_86] : memref<2560x128xi32, #tpu.memory_space<hbm>> -> memref<1x128xi32, #tpu.memory_space<hbm>>
      %dma_start3A_88 = tpu.memref_squeeze %dma_start3A_87 : memref<1x128xi32, #tpu.memory_space<hbm>> -> memref<128xi32, #tpu.memory_space<hbm>>
      %dma_start3A_89 = arith.constant 0 : i32
      %dma_start3A_90 = tpu.memref_slice %arg4[%add3A_85, %dma_start3A_89] : memref<2560x128xi32, #tpu.memory_space<hbm>> -> memref<1x128xi32, #tpu.memory_space<hbm>>
      %dma_start3A_91 = tpu.memref_squeeze %dma_start3A_90 : memref<1x128xi32, #tpu.memory_space<hbm>> -> memref<128xi32, #tpu.memory_space<hbm>>
      tpu.enqueue_dma source(%dma_start3A_91 : memref<128xi32, #tpu.memory_space<hbm>>) target(%arg20 : memref<128xi32, #tpu.memory_space<vmem>>) target_semaphore(%arg37 : memref<!tpu.dma_semaphore, #tpu.memory_space<semaphore_mem>>)
      %add3A_92 = arith.constant 4 : i32
      %add3A_93 = arith.addi %add3A_28, %add3A_92 : i32
      %dma_start3A_94 = arith.constant 0 : i32
      %dma_start3A_95 = tpu.memref_slice %arg3[%add3A_93, %dma_start3A_94] : memref<2560x128xi32, #tpu.memory_space<hbm>> -> memref<1x128xi32, #tpu.memory_space<hbm>>
      %dma_start3A_96 = tpu.memref_squeeze %dma_start3A_95 : memref<1x128xi32, #tpu.memory_space<hbm>> -> memref<128xi32, #tpu.memory_space<hbm>>
      %dma_start3A_97 = arith.constant 0 : i32
      %dma_start3A_98 = tpu.memref_slice %arg3[%add3A_93, %dma_start3A_97] : memref<2560x128xi32, #tpu.memory_space<hbm>> -> memref<1x128xi32, #tpu.memory_space<hbm>>
      %dma_start3A_99 = tpu.memref_squeeze %dma_start3A_98 : memref<1x128xi32, #tpu.memory_space<hbm>> -> memref<128xi32, #tpu.memory_space<hbm>>
      tpu.enqueue_dma source(%dma_start3A_99 : memref<128xi32, #tpu.memory_space<hbm>>) target(%arg13 : memref<128xi32, #tpu.memory_space<vmem>>) target_semaphore(%arg37 : memref<!tpu.dma_semaphore, #tpu.memory_space<semaphore_mem>>)
      %add3A_100 = arith.constant 4 : i32
      %add3A_101 = arith.addi %add3A_28, %add3A_100 : i32
      %dma_start3A_102 = arith.constant 0 : i32
      %dma_start3A_103 = tpu.memref_slice %arg4[%add3A_101, %dma_start3A_102] : memref<2560x128xi32, #tpu.memory_space<hbm>> -> memref<1x128xi32, #tpu.memory_space<hbm>>
      %dma_start3A_104 = tpu.memref_squeeze %dma_start3A_103 : memref<1x128xi32, #tpu.memory_space<hbm>> -> memref<128xi32, #tpu.memory_space<hbm>>
      %dma_start3A_105 = arith.constant 0 : i32
      %dma_start3A_106 = tpu.memref_slice %arg4[%add3A_101, %dma_start3A_105] : memref<2560x128xi32, #tpu.memory_space<hbm>> -> memref<1x128xi32, #tpu.memory_space<hbm>>
      %dma_start3A_107 = tpu.memref_squeeze %dma_start3A_106 : memref<1x128xi32, #tpu.memory_space<hbm>> -> memref<128xi32, #tpu.memory_space<hbm>>
      tpu.enqueue_dma source(%dma_start3A_107 : memref<128xi32, #tpu.memory_space<hbm>>) target(%arg21 : memref<128xi32, #tpu.memory_space<vmem>>) target_semaphore(%arg37 : memref<!tpu.dma_semaphore, #tpu.memory_space<semaphore_mem>>)
      %add3A_108 = arith.constant 5 : i32
      %add3A_109 = arith.addi %add3A_28, %add3A_108 : i32
      %dma_start3A_110 = arith.constant 0 : i32
      %dma_start3A_111 = tpu.memref_slice %arg3[%add3A_109, %dma_start3A_110] : memref<2560x128xi32, #tpu.memory_space<hbm>> -> memref<1x128xi32, #tpu.memory_space<hbm>>
      %dma_start3A_112 = tpu.memref_squeeze %dma_start3A_111 : memref<1x128xi32, #tpu.memory_space<hbm>> -> memref<128xi32, #tpu.memory_space<hbm>>
      %dma_start3A_113 = arith.constant 0 : i32
      %dma_start3A_114 = tpu.memref_slice %arg3[%add3A_109, %dma_start3A_113] : memref<2560x128xi32, #tpu.memory_space<hbm>> -> memref<1x128xi32, #tpu.memory_space<hbm>>
      %dma_start3A_115 = tpu.memref_squeeze %dma_start3A_114 : memref<1x128xi32, #tpu.memory_space<hbm>> -> memref<128xi32, #tpu.memory_space<hbm>>
      tpu.enqueue_dma source(%dma_start3A_115 : memref<128xi32, #tpu.memory_space<hbm>>) target(%arg14 : memref<128xi32, #tpu.memory_space<vmem>>) target_semaphore(%arg37 : memref<!tpu.dma_semaphore, #tpu.memory_space<semaphore_mem>>)
      %add3A_116 = arith.constant 5 : i32
      %add3A_117 = arith.addi %add3A_28, %add3A_116 : i32
      %dma_start3A_118 = arith.constant 0 : i32
      %dma_start3A_119 = tpu.memref_slice %arg4[%add3A_117, %dma_start3A_118] : memref<2560x128xi32, #tpu.memory_space<hbm>> -> memref<1x128xi32, #tpu.memory_space<hbm>>
      %dma_start3A_120 = tpu.memref_squeeze %dma_start3A_119 : memref<1x128xi32, #tpu.memory_space<hbm>> -> memref<128xi32, #tpu.memory_space<hbm>>
      %dma_start3A_121 = arith.constant 0 : i32
      %dma_start3A_122 = tpu.memref_slice %arg4[%add3A_117, %dma_start3A_121] : memref<2560x128xi32, #tpu.memory_space<hbm>> -> memref<1x128xi32, #tpu.memory_space<hbm>>
      %dma_start3A_123 = tpu.memref_squeeze %dma_start3A_122 : memref<1x128xi32, #tpu.memory_space<hbm>> -> memref<128xi32, #tpu.memory_space<hbm>>
      tpu.enqueue_dma source(%dma_start3A_123 : memref<128xi32, #tpu.memory_space<hbm>>) target(%arg22 : memref<128xi32, #tpu.memory_space<vmem>>) target_semaphore(%arg37 : memref<!tpu.dma_semaphore, #tpu.memory_space<semaphore_mem>>)
      %add3A_124 = arith.constant 6 : i32
      %add3A_125 = arith.addi %add3A_28, %add3A_124 : i32
      %dma_start3A_126 = arith.constant 0 : i32
      %dma_start3A_127 = tpu.memref_slice %arg3[%add3A_125, %dma_start3A_126] : memref<2560x128xi32, #tpu.memory_space<hbm>> -> memref<1x128xi32, #tpu.memory_space<hbm>>
      %dma_start3A_128 = tpu.memref_squeeze %dma_start3A_127 : memref<1x128xi32, #tpu.memory_space<hbm>> -> memref<128xi32, #tpu.memory_space<hbm>>
      %dma_start3A_129 = arith.constant 0 : i32
      %dma_start3A_130 = tpu.memref_slice %arg3[%add3A_125, %dma_start3A_129] : memref<2560x128xi32, #tpu.memory_space<hbm>> -> memref<1x128xi32, #tpu.memory_space<hbm>>
      %dma_start3A_131 = tpu.memref_squeeze %dma_start3A_130 : memref<1x128xi32, #tpu.memory_space<hbm>> -> memref<128xi32, #tpu.memory_space<hbm>>
      tpu.enqueue_dma source(%dma_start3A_131 : memref<128xi32, #tpu.memory_space<hbm>>) target(%arg15 : memref<128xi32, #tpu.memory_space<vmem>>) target_semaphore(%arg37 : memref<!tpu.dma_semaphore, #tpu.memory_space<semaphore_mem>>)
      %add3A_132 = arith.constant 6 : i32
      %add3A_133 = arith.addi %add3A_28, %add3A_132 : i32
      %dma_start3A_134 = arith.constant 0 : i32
      %dma_start3A_135 = tpu.memref_slice %arg4[%add3A_133, %dma_start3A_134] : memref<2560x128xi32, #tpu.memory_space<hbm>> -> memref<1x128xi32, #tpu.memory_space<hbm>>
      %dma_start3A_136 = tpu.memref_squeeze %dma_start3A_135 : memref<1x128xi32, #tpu.memory_space<hbm>> -> memref<128xi32, #tpu.memory_space<hbm>>
      %dma_start3A_137 = arith.constant 0 : i32
      %dma_start3A_138 = tpu.memref_slice %arg4[%add3A_133, %dma_start3A_137] : memref<2560x128xi32, #tpu.memory_space<hbm>> -> memref<1x128xi32, #tpu.memory_space<hbm>>
      %dma_start3A_139 = tpu.memref_squeeze %dma_start3A_138 : memref<1x128xi32, #tpu.memory_space<hbm>> -> memref<128xi32, #tpu.memory_space<hbm>>
      tpu.enqueue_dma source(%dma_start3A_139 : memref<128xi32, #tpu.memory_space<hbm>>) target(%arg23 : memref<128xi32, #tpu.memory_space<vmem>>) target_semaphore(%arg37 : memref<!tpu.dma_semaphore, #tpu.memory_space<semaphore_mem>>)
      %add3A_140 = arith.constant 7 : i32
      %add3A_141 = arith.addi %add3A_28, %add3A_140 : i32
      %dma_start3A_142 = arith.constant 0 : i32
      %dma_start3A_143 = tpu.memref_slice %arg3[%add3A_141, %dma_start3A_142] : memref<2560x128xi32, #tpu.memory_space<hbm>> -> memref<1x128xi32, #tpu.memory_space<hbm>>
      %dma_start3A_144 = tpu.memref_squeeze %dma_start3A_143 : memref<1x128xi32, #tpu.memory_space<hbm>> -> memref<128xi32, #tpu.memory_space<hbm>>
      %dma_start3A_145 = arith.constant 0 : i32
      %dma_start3A_146 = tpu.memref_slice %arg3[%add3A_141, %dma_start3A_145] : memref<2560x128xi32, #tpu.memory_space<hbm>> -> memref<1x128xi32, #tpu.memory_space<hbm>>
      %dma_start3A_147 = tpu.memref_squeeze %dma_start3A_146 : memref<1x128xi32, #tpu.memory_space<hbm>> -> memref<128xi32, #tpu.memory_space<hbm>>
      tpu.enqueue_dma source(%dma_start3A_147 : memref<128xi32, #tpu.memory_space<hbm>>) target(%arg16 : memref<128xi32, #tpu.memory_space<vmem>>) target_semaphore(%arg37 : memref<!tpu.dma_semaphore, #tpu.memory_space<semaphore_mem>>)
      %add3A_148 = arith.constant 7 : i32
      %add3A_149 = arith.addi %add3A_28, %add3A_148 : i32
      %dma_start3A_150 = arith.constant 0 : i32
      %dma_start3A_151 = tpu.memref_slice %arg4[%add3A_149, %dma_start3A_150] : memref<2560x128xi32, #tpu.memory_space<hbm>> -> memref<1x128xi32, #tpu.memory_space<hbm>>
      %dma_start3A_152 = tpu.memref_squeeze %dma_start3A_151 : memref<1x128xi32, #tpu.memory_space<hbm>> -> memref<128xi32, #tpu.memory_space<hbm>>
      %dma_start3A_153 = arith.constant 0 : i32
      %dma_start3A_154 = tpu.memref_slice %arg4[%add3A_149, %dma_start3A_153] : memref<2560x128xi32, #tpu.memory_space<hbm>> -> memref<1x128xi32, #tpu.memory_space<hbm>>
      %dma_start3A_155 = tpu.memref_squeeze %dma_start3A_154 : memref<1x128xi32, #tpu.memory_space<hbm>> -> memref<128xi32, #tpu.memory_space<hbm>>
      tpu.enqueue_dma source(%dma_start3A_155 : memref<128xi32, #tpu.memory_space<hbm>>) target(%arg24 : memref<128xi32, #tpu.memory_space<vmem>>) target_semaphore(%arg37 : memref<!tpu.dma_semaphore, #tpu.memory_space<semaphore_mem>>)
      %dma_wait3A = arith.constant 0 : i32
      %dma_wait3A_156 = tpu.memref_slice %arg3[%add3A_30, %dma_wait3A] : memref<2560x128xi32, #tpu.memory_space<hbm>> -> memref<1x128xi32, #tpu.memory_space<hbm>>
      %dma_wait3A_157 = tpu.memref_squeeze %dma_wait3A_156 : memref<1x128xi32, #tpu.memory_space<hbm>> -> memref<128xi32, #tpu.memory_space<hbm>>
      %dma_wait3A_158 = arith.constant 0 : i32
      %dma_wait3A_159 = tpu.memref_slice %arg3[%add3A_30, %dma_wait3A_158] : memref<2560x128xi32, #tpu.memory_space<hbm>> -> memref<1x128xi32, #tpu.memory_space<hbm>>
      %dma_wait3A_160 = tpu.memref_squeeze %dma_wait3A_159 : memref<1x128xi32, #tpu.memory_space<hbm>> -> memref<128xi32, #tpu.memory_space<hbm>>
      tpu.wait_dma2 semaphore(%arg37 : memref<!tpu.dma_semaphore, #tpu.memory_space<semaphore_mem>>) src(%dma_wait3A_160 : memref<128xi32, #tpu.memory_space<hbm>>) dst(%arg9 : memref<128xi32, #tpu.memory_space<vmem>>)
      %dma_wait3A_161 = arith.constant 0 : i32
      %dma_wait3A_162 = tpu.memref_slice %arg4[%add3A_37, %dma_wait3A_161] : memref<2560x128xi32, #tpu.memory_space<hbm>> -> memref<1x128xi32, #tpu.memory_space<hbm>>
      %dma_wait3A_163 = tpu.memref_squeeze %dma_wait3A_162 : memref<1x128xi32, #tpu.memory_space<hbm>> -> memref<128xi32, #tpu.memory_space<hbm>>
      %dma_wait3A_164 = arith.constant 0 : i32
      %dma_wait3A_165 = tpu.memref_slice %arg4[%add3A_37, %dma_wait3A_164] : memref<2560x128xi32, #tpu.memory_space<hbm>> -> memref<1x128xi32, #tpu.memory_space<hbm>>
      %dma_wait3A_166 = tpu.memref_squeeze %dma_wait3A_165 : memref<1x128xi32, #tpu.memory_space<hbm>> -> memref<128xi32, #tpu.memory_space<hbm>>
      tpu.wait_dma2 semaphore(%arg37 : memref<!tpu.dma_semaphore, #tpu.memory_space<semaphore_mem>>) src(%dma_wait3A_166 : memref<128xi32, #tpu.memory_space<hbm>>) dst(%arg17 : memref<128xi32, #tpu.memory_space<vmem>>)
      %dma_wait3A_167 = arith.constant 0 : i32
      %dma_wait3A_168 = tpu.memref_slice %arg3[%add3A_45, %dma_wait3A_167] : memref<2560x128xi32, #tpu.memory_space<hbm>> -> memref<1x128xi32, #tpu.memory_space<hbm>>
      %dma_wait3A_169 = tpu.memref_squeeze %dma_wait3A_168 : memref<1x128xi32, #tpu.memory_space<hbm>> -> memref<128xi32, #tpu.memory_space<hbm>>
      %dma_wait3A_170 = arith.constant 0 : i32
      %dma_wait3A_171 = tpu.memref_slice %arg3[%add3A_45, %dma_wait3A_170] : memref<2560x128xi32, #tpu.memory_space<hbm>> -> memref<1x128xi32, #tpu.memory_space<hbm>>
      %dma_wait3A_172 = tpu.memref_squeeze %dma_wait3A_171 : memref<1x128xi32, #tpu.memory_space<hbm>> -> memref<128xi32, #tpu.memory_space<hbm>>
      tpu.wait_dma2 semaphore(%arg37 : memref<!tpu.dma_semaphore, #tpu.memory_space<semaphore_mem>>) src(%dma_wait3A_172 : memref<128xi32, #tpu.memory_space<hbm>>) dst(%arg10 : memref<128xi32, #tpu.memory_space<vmem>>)
      %dma_wait3A_173 = arith.constant 0 : i32
      %dma_wait3A_174 = tpu.memref_slice %arg4[%add3A_53, %dma_wait3A_173] : memref<2560x128xi32, #tpu.memory_space<hbm>> -> memref<1x128xi32, #tpu.memory_space<hbm>>
      %dma_wait3A_175 = tpu.memref_squeeze %dma_wait3A_174 : memref<1x128xi32, #tpu.memory_space<hbm>> -> memref<128xi32, #tpu.memory_space<hbm>>
      %dma_wait3A_176 = arith.constant 0 : i32
      %dma_wait3A_177 = tpu.memref_slice %arg4[%add3A_53, %dma_wait3A_176] : memref<2560x128xi32, #tpu.memory_space<hbm>> -> memref<1x128xi32, #tpu.memory_space<hbm>>
      %dma_wait3A_178 = tpu.memref_squeeze %dma_wait3A_177 : memref<1x128xi32, #tpu.memory_space<hbm>> -> memref<128xi32, #tpu.memory_space<hbm>>
      tpu.wait_dma2 semaphore(%arg37 : memref<!tpu.dma_semaphore, #tpu.memory_space<semaphore_mem>>) src(%dma_wait3A_178 : memref<128xi32, #tpu.memory_space<hbm>>) dst(%arg18 : memref<128xi32, #tpu.memory_space<vmem>>)
      %dma_wait3A_179 = arith.constant 0 : i32
      %dma_wait3A_180 = tpu.memref_slice %arg3[%add3A_61, %dma_wait3A_179] : memref<2560x128xi32, #tpu.memory_space<hbm>> -> memref<1x128xi32, #tpu.memory_space<hbm>>
      %dma_wait3A_181 = tpu.memref_squeeze %dma_wait3A_180 : memref<1x128xi32, #tpu.memory_space<hbm>> -> memref<128xi32, #tpu.memory_space<hbm>>
      %dma_wait3A_182 = arith.constant 0 : i32
      %dma_wait3A_183 = tpu.memref_slice %arg3[%add3A_61, %dma_wait3A_182] : memref<2560x128xi32, #tpu.memory_space<hbm>> -> memref<1x128xi32, #tpu.memory_space<hbm>>
      %dma_wait3A_184 = tpu.memref_squeeze %dma_wait3A_183 : memref<1x128xi32, #tpu.memory_space<hbm>> -> memref<128xi32, #tpu.memory_space<hbm>>
      tpu.wait_dma2 semaphore(%arg37 : memref<!tpu.dma_semaphore, #tpu.memory_space<semaphore_mem>>) src(%dma_wait3A_184 : memref<128xi32, #tpu.memory_space<hbm>>) dst(%arg11 : memref<128xi32, #tpu.memory_space<vmem>>)
      %dma_wait3A_185 = arith.constant 0 : i32
      %dma_wait3A_186 = tpu.memref_slice %arg4[%add3A_69, %dma_wait3A_185] : memref<2560x128xi32, #tpu.memory_space<hbm>> -> memref<1x128xi32, #tpu.memory_space<hbm>>
      %dma_wait3A_187 = tpu.memref_squeeze %dma_wait3A_186 : memref<1x128xi32, #tpu.memory_space<hbm>> -> memref<128xi32, #tpu.memory_space<hbm>>
      %dma_wait3A_188 = arith.constant 0 : i32
      %dma_wait3A_189 = tpu.memref_slice %arg4[%add3A_69, %dma_wait3A_188] : memref<2560x128xi32, #tpu.memory_space<hbm>> -> memref<1x128xi32, #tpu.memory_space<hbm>>
      %dma_wait3A_190 = tpu.memref_squeeze %dma_wait3A_189 : memref<1x128xi32, #tpu.memory_space<hbm>> -> memref<128xi32, #tpu.memory_space<hbm>>
      tpu.wait_dma2 semaphore(%arg37 : memref<!tpu.dma_semaphore, #tpu.memory_space<semaphore_mem>>) src(%dma_wait3A_190 : memref<128xi32, #tpu.memory_space<hbm>>) dst(%arg19 : memref<128xi32, #tpu.memory_space<vmem>>)
      %dma_wait3A_191 = arith.constant 0 : i32
      %dma_wait3A_192 = tpu.memref_slice %arg3[%add3A_77, %dma_wait3A_191] : memref<2560x128xi32, #tpu.memory_space<hbm>> -> memref<1x128xi32, #tpu.memory_space<hbm>>
      %dma_wait3A_193 = tpu.memref_squeeze %dma_wait3A_192 : memref<1x128xi32, #tpu.memory_space<hbm>> -> memref<128xi32, #tpu.memory_space<hbm>>
      %dma_wait3A_194 = arith.constant 0 : i32
      %dma_wait3A_195 = tpu.memref_slice %arg3[%add3A_77, %dma_wait3A_194] : memref<2560x128xi32, #tpu.memory_space<hbm>> -> memref<1x128xi32, #tpu.memory_space<hbm>>
      %dma_wait3A_196 = tpu.memref_squeeze %dma_wait3A_195 : memref<1x128xi32, #tpu.memory_space<hbm>> -> memref<128xi32, #tpu.memory_space<hbm>>
      tpu.wait_dma2 semaphore(%arg37 : memref<!tpu.dma_semaphore, #tpu.memory_space<semaphore_mem>>) src(%dma_wait3A_196 : memref<128xi32, #tpu.memory_space<hbm>>) dst(%arg12 : memref<128xi32, #tpu.memory_space<vmem>>)
      %dma_wait3A_197 = arith.constant 0 : i32
      %dma_wait3A_198 = tpu.memref_slice %arg4[%add3A_85, %dma_wait3A_197] : memref<2560x128xi32, #tpu.memory_space<hbm>> -> memref<1x128xi32, #tpu.memory_space<hbm>>
      %dma_wait3A_199 = tpu.memref_squeeze %dma_wait3A_198 : memref<1x128xi32, #tpu.memory_space<hbm>> -> memref<128xi32, #tpu.memory_space<hbm>>
      %dma_wait3A_200 = arith.constant 0 : i32
      %dma_wait3A_201 = tpu.memref_slice %arg4[%add3A_85, %dma_wait3A_200] : memref<2560x128xi32, #tpu.memory_space<hbm>> -> memref<1x128xi32, #tpu.memory_space<hbm>>
      %dma_wait3A_202 = tpu.memref_squeeze %dma_wait3A_201 : memref<1x128xi32, #tpu.memory_space<hbm>> -> memref<128xi32, #tpu.memory_space<hbm>>
      tpu.wait_dma2 semaphore(%arg37 : memref<!tpu.dma_semaphore, #tpu.memory_space<semaphore_mem>>) src(%dma_wait3A_202 : memref<128xi32, #tpu.memory_space<hbm>>) dst(%arg20 : memref<128xi32, #tpu.memory_space<vmem>>)
      %dma_wait3A_203 = arith.constant 0 : i32
      %dma_wait3A_204 = tpu.memref_slice %arg3[%add3A_93, %dma_wait3A_203] : memref<2560x128xi32, #tpu.memory_space<hbm>> -> memref<1x128xi32, #tpu.memory_space<hbm>>
      %dma_wait3A_205 = tpu.memref_squeeze %dma_wait3A_204 : memref<1x128xi32, #tpu.memory_space<hbm>> -> memref<128xi32, #tpu.memory_space<hbm>>
      %dma_wait3A_206 = arith.constant 0 : i32
      %dma_wait3A_207 = tpu.memref_slice %arg3[%add3A_93, %dma_wait3A_206] : memref<2560x128xi32, #tpu.memory_space<hbm>> -> memref<1x128xi32, #tpu.memory_space<hbm>>
      %dma_wait3A_208 = tpu.memref_squeeze %dma_wait3A_207 : memref<1x128xi32, #tpu.memory_space<hbm>> -> memref<128xi32, #tpu.memory_space<hbm>>
      tpu.wait_dma2 semaphore(%arg37 : memref<!tpu.dma_semaphore, #tpu.memory_space<semaphore_mem>>) src(%dma_wait3A_208 : memref<128xi32, #tpu.memory_space<hbm>>) dst(%arg13 : memref<128xi32, #tpu.memory_space<vmem>>)
      %dma_wait3A_209 = arith.constant 0 : i32
      %dma_wait3A_210 = tpu.memref_slice %arg4[%add3A_101, %dma_wait3A_209] : memref<2560x128xi32, #tpu.memory_space<hbm>> -> memref<1x128xi32, #tpu.memory_space<hbm>>
      %dma_wait3A_211 = tpu.memref_squeeze %dma_wait3A_210 : memref<1x128xi32, #tpu.memory_space<hbm>> -> memref<128xi32, #tpu.memory_space<hbm>>
      %dma_wait3A_212 = arith.constant 0 : i32
      %dma_wait3A_213 = tpu.memref_slice %arg4[%add3A_101, %dma_wait3A_212] : memref<2560x128xi32, #tpu.memory_space<hbm>> -> memref<1x128xi32, #tpu.memory_space<hbm>>
      %dma_wait3A_214 = tpu.memref_squeeze %dma_wait3A_213 : memref<1x128xi32, #tpu.memory_space<hbm>> -> memref<128xi32, #tpu.memory_space<hbm>>
      tpu.wait_dma2 semaphore(%arg37 : memref<!tpu.dma_semaphore, #tpu.memory_space<semaphore_mem>>) src(%dma_wait3A_214 : memref<128xi32, #tpu.memory_space<hbm>>) dst(%arg21 : memref<128xi32, #tpu.memory_space<vmem>>)
      %dma_wait3A_215 = arith.constant 0 : i32
      %dma_wait3A_216 = tpu.memref_slice %arg3[%add3A_109, %dma_wait3A_215] : memref<2560x128xi32, #tpu.memory_space<hbm>> -> memref<1x128xi32, #tpu.memory_space<hbm>>
      %dma_wait3A_217 = tpu.memref_squeeze %dma_wait3A_216 : memref<1x128xi32, #tpu.memory_space<hbm>> -> memref<128xi32, #tpu.memory_space<hbm>>
      %dma_wait3A_218 = arith.constant 0 : i32
      %dma_wait3A_219 = tpu.memref_slice %arg3[%add3A_109, %dma_wait3A_218] : memref<2560x128xi32, #tpu.memory_space<hbm>> -> memref<1x128xi32, #tpu.memory_space<hbm>>
      %dma_wait3A_220 = tpu.memref_squeeze %dma_wait3A_219 : memref<1x128xi32, #tpu.memory_space<hbm>> -> memref<128xi32, #tpu.memory_space<hbm>>
      tpu.wait_dma2 semaphore(%arg37 : memref<!tpu.dma_semaphore, #tpu.memory_space<semaphore_mem>>) src(%dma_wait3A_220 : memref<128xi32, #tpu.memory_space<hbm>>) dst(%arg14 : memref<128xi32, #tpu.memory_space<vmem>>)
      %dma_wait3A_221 = arith.constant 0 : i32
      %dma_wait3A_222 = tpu.memref_slice %arg4[%add3A_117, %dma_wait3A_221] : memref<2560x128xi32, #tpu.memory_space<hbm>> -> memref<1x128xi32, #tpu.memory_space<hbm>>
      %dma_wait3A_223 = tpu.memref_squeeze %dma_wait3A_222 : memref<1x128xi32, #tpu.memory_space<hbm>> -> memref<128xi32, #tpu.memory_space<hbm>>
      %dma_wait3A_224 = arith.constant 0 : i32
      %dma_wait3A_225 = tpu.memref_slice %arg4[%add3A_117, %dma_wait3A_224] : memref<2560x128xi32, #tpu.memory_space<hbm>> -> memref<1x128xi32, #tpu.memory_space<hbm>>
      %dma_wait3A_226 = tpu.memref_squeeze %dma_wait3A_225 : memref<1x128xi32, #tpu.memory_space<hbm>> -> memref<128xi32, #tpu.memory_space<hbm>>
      tpu.wait_dma2 semaphore(%arg37 : memref<!tpu.dma_semaphore, #tpu.memory_space<semaphore_mem>>) src(%dma_wait3A_226 : memref<128xi32, #tpu.memory_space<hbm>>) dst(%arg22 : memref<128xi32, #tpu.memory_space<vmem>>)
      %dma_wait3A_227 = arith.constant 0 : i32
      %dma_wait3A_228 = tpu.memref_slice %arg3[%add3A_125, %dma_wait3A_227] : memref<2560x128xi32, #tpu.memory_space<hbm>> -> memref<1x128xi32, #tpu.memory_space<hbm>>
      %dma_wait3A_229 = tpu.memref_squeeze %dma_wait3A_228 : memref<1x128xi32, #tpu.memory_space<hbm>> -> memref<128xi32, #tpu.memory_space<hbm>>
      %dma_wait3A_230 = arith.constant 0 : i32
      %dma_wait3A_231 = tpu.memref_slice %arg3[%add3A_125, %dma_wait3A_230] : memref<2560x128xi32, #tpu.memory_space<hbm>> -> memref<1x128xi32, #tpu.memory_space<hbm>>
      %dma_wait3A_232 = tpu.memref_squeeze %dma_wait3A_231 : memref<1x128xi32, #tpu.memory_space<hbm>> -> memref<128xi32, #tpu.memory_space<hbm>>
      tpu.wait_dma2 semaphore(%arg37 : memref<!tpu.dma_semaphore, #tpu.memory_space<semaphore_mem>>) src(%dma_wait3A_232 : memref<128xi32, #tpu.memory_space<hbm>>) dst(%arg15 : memref<128xi32, #tpu.memory_space<vmem>>)
      %dma_wait3A_233 = arith.constant 0 : i32
      %dma_wait3A_234 = tpu.memref_slice %arg4[%add3A_133, %dma_wait3A_233] : memref<2560x128xi32, #tpu.memory_space<hbm>> -> memref<1x128xi32, #tpu.memory_space<hbm>>
      %dma_wait3A_235 = tpu.memref_squeeze %dma_wait3A_234 : memref<1x128xi32, #tpu.memory_space<hbm>> -> memref<128xi32, #tpu.memory_space<hbm>>
      %dma_wait3A_236 = arith.constant 0 : i32
      %dma_wait3A_237 = tpu.memref_slice %arg4[%add3A_133, %dma_wait3A_236] : memref<2560x128xi32, #tpu.memory_space<hbm>> -> memref<1x128xi32, #tpu.memory_space<hbm>>
      %dma_wait3A_238 = tpu.memref_squeeze %dma_wait3A_237 : memref<1x128xi32, #tpu.memory_space<hbm>> -> memref<128xi32, #tpu.memory_space<hbm>>
      tpu.wait_dma2 semaphore(%arg37 : memref<!tpu.dma_semaphore, #tpu.memory_space<semaphore_mem>>) src(%dma_wait3A_238 : memref<128xi32, #tpu.memory_space<hbm>>) dst(%arg23 : memref<128xi32, #tpu.memory_space<vmem>>)
      %dma_wait3A_239 = arith.constant 0 : i32
      %dma_wait3A_240 = tpu.memref_slice %arg3[%add3A_141, %dma_wait3A_239] : memref<2560x128xi32, #tpu.memory_space<hbm>> -> memref<1x128xi32, #tpu.memory_space<hbm>>
      %dma_wait3A_241 = tpu.memref_squeeze %dma_wait3A_240 : memref<1x128xi32, #tpu.memory_space<hbm>> -> memref<128xi32, #tpu.memory_space<hbm>>
      %dma_wait3A_242 = arith.constant 0 : i32
      %dma_wait3A_243 = tpu.memref_slice %arg3[%add3A_141, %dma_wait3A_242] : memref<2560x128xi32, #tpu.memory_space<hbm>> -> memref<1x128xi32, #tpu.memory_space<hbm>>
      %dma_wait3A_244 = tpu.memref_squeeze %dma_wait3A_243 : memref<1x128xi32, #tpu.memory_space<hbm>> -> memref<128xi32, #tpu.memory_space<hbm>>
      tpu.wait_dma2 semaphore(%arg37 : memref<!tpu.dma_semaphore, #tpu.memory_space<semaphore_mem>>) src(%dma_wait3A_244 : memref<128xi32, #tpu.memory_space<hbm>>) dst(%arg16 : memref<128xi32, #tpu.memory_space<vmem>>)
      %dma_wait3A_245 = arith.constant 0 : i32
      %dma_wait3A_246 = tpu.memref_slice %arg4[%add3A_149, %dma_wait3A_245] : memref<2560x128xi32, #tpu.memory_space<hbm>> -> memref<1x128xi32, #tpu.memory_space<hbm>>
      %dma_wait3A_247 = tpu.memref_squeeze %dma_wait3A_246 : memref<1x128xi32, #tpu.memory_space<hbm>> -> memref<128xi32, #tpu.memory_space<hbm>>
      %dma_wait3A_248 = arith.constant 0 : i32
      %dma_wait3A_249 = tpu.memref_slice %arg4[%add3A_149, %dma_wait3A_248] : memref<2560x128xi32, #tpu.memory_space<hbm>> -> memref<1x128xi32, #tpu.memory_space<hbm>>
      %dma_wait3A_250 = tpu.memref_squeeze %dma_wait3A_249 : memref<1x128xi32, #tpu.memory_space<hbm>> -> memref<128xi32, #tpu.memory_space<hbm>>
      tpu.wait_dma2 semaphore(%arg37 : memref<!tpu.dma_semaphore, #tpu.memory_space<semaphore_mem>>) src(%dma_wait3A_250 : memref<128xi32, #tpu.memory_space<hbm>>) dst(%arg24 : memref<128xi32, #tpu.memory_space<vmem>>)
      %dma_start3A_251 = arith.constant 0 : i32
      %dma_start3A_252 = arith.constant 0 : i32
      %dma_start3A_253 = tpu.memref_slice %arg36[%dma_start3A_251, %dma_start3A_252] : memref<10000x16xf32, #tpu.memory_space<vmem_shared>> -> memref<10000x16xf32, #tpu.memory_space<vmem_shared>>
      tpu.enqueue_indirect_dma source(%dma_start3A_253 : memref<10000x16xf32, #tpu.memory_space<vmem_shared>>) target(%arg25 : memref<128x16xf32, #tpu.memory_space<vmem>>) offsets(%arg9 : memref<128xi32, #tpu.memory_space<vmem>>) semaphore(%arg38 : memref<!tpu.dma_semaphore, #tpu.memory_space<semaphore_mem>>)
      %dma_start3A_254 = arith.constant 0 : i32
      %dma_start3A_255 = arith.constant 0 : i32
      %dma_start3A_256 = tpu.memref_slice %arg36[%dma_start3A_254, %dma_start3A_255] : memref<10000x16xf32, #tpu.memory_space<vmem_shared>> -> memref<10000x16xf32, #tpu.memory_space<vmem_shared>>
      tpu.enqueue_indirect_dma source(%dma_start3A_256 : memref<10000x16xf32, #tpu.memory_space<vmem_shared>>) target(%arg26 : memref<128x16xf32, #tpu.memory_space<vmem>>) offsets(%arg10 : memref<128xi32, #tpu.memory_space<vmem>>) semaphore(%arg38 : memref<!tpu.dma_semaphore, #tpu.memory_space<semaphore_mem>>)
      %dma_start3A_257 = arith.constant 0 : i32
      %dma_start3A_258 = arith.constant 0 : i32
      %dma_start3A_259 = tpu.memref_slice %arg36[%dma_start3A_257, %dma_start3A_258] : memref<10000x16xf32, #tpu.memory_space<vmem_shared>> -> memref<10000x16xf32, #tpu.memory_space<vmem_shared>>
      tpu.enqueue_indirect_dma source(%dma_start3A_259 : memref<10000x16xf32, #tpu.memory_space<vmem_shared>>) target(%arg27 : memref<128x16xf32, #tpu.memory_space<vmem>>) offsets(%arg11 : memref<128xi32, #tpu.memory_space<vmem>>) semaphore(%arg38 : memref<!tpu.dma_semaphore, #tpu.memory_space<semaphore_mem>>)
      %dma_start3A_260 = arith.constant 0 : i32
      %dma_start3A_261 = arith.constant 0 : i32
      %dma_start3A_262 = tpu.memref_slice %arg36[%dma_start3A_260, %dma_start3A_261] : memref<10000x16xf32, #tpu.memory_space<vmem_shared>> -> memref<10000x16xf32, #tpu.memory_space<vmem_shared>>
      tpu.enqueue_indirect_dma source(%dma_start3A_262 : memref<10000x16xf32, #tpu.memory_space<vmem_shared>>) target(%arg28 : memref<128x16xf32, #tpu.memory_space<vmem>>) offsets(%arg12 : memref<128xi32, #tpu.memory_space<vmem>>) semaphore(%arg38 : memref<!tpu.dma_semaphore, #tpu.memory_space<semaphore_mem>>)
      %dma_start3A_263 = arith.constant 0 : i32
      %dma_start3A_264 = arith.constant 0 : i32
      %dma_start3A_265 = tpu.memref_slice %arg36[%dma_start3A_263, %dma_start3A_264] : memref<10000x16xf32, #tpu.memory_space<vmem_shared>> -> memref<10000x16xf32, #tpu.memory_space<vmem_shared>>
      tpu.enqueue_indirect_dma source(%dma_start3A_265 : memref<10000x16xf32, #tpu.memory_space<vmem_shared>>) target(%arg29 : memref<128x16xf32, #tpu.memory_space<vmem>>) offsets(%arg13 : memref<128xi32, #tpu.memory_space<vmem>>) semaphore(%arg38 : memref<!tpu.dma_semaphore, #tpu.memory_space<semaphore_mem>>)
      %dma_start3A_266 = arith.constant 0 : i32
      %dma_start3A_267 = arith.constant 0 : i32
      %dma_start3A_268 = tpu.memref_slice %arg36[%dma_start3A_266, %dma_start3A_267] : memref<10000x16xf32, #tpu.memory_space<vmem_shared>> -> memref<10000x16xf32, #tpu.memory_space<vmem_shared>>
      tpu.enqueue_indirect_dma source(%dma_start3A_268 : memref<10000x16xf32, #tpu.memory_space<vmem_shared>>) target(%arg30 : memref<128x16xf32, #tpu.memory_space<vmem>>) offsets(%arg14 : memref<128xi32, #tpu.memory_space<vmem>>) semaphore(%arg38 : memref<!tpu.dma_semaphore, #tpu.memory_space<semaphore_mem>>)
      %dma_start3A_269 = arith.constant 0 : i32
      %dma_start3A_270 = arith.constant 0 : i32
      %dma_start3A_271 = tpu.memref_slice %arg36[%dma_start3A_269, %dma_start3A_270] : memref<10000x16xf32, #tpu.memory_space<vmem_shared>> -> memref<10000x16xf32, #tpu.memory_space<vmem_shared>>
      tpu.enqueue_indirect_dma source(%dma_start3A_271 : memref<10000x16xf32, #tpu.memory_space<vmem_shared>>) target(%arg31 : memref<128x16xf32, #tpu.memory_space<vmem>>) offsets(%arg15 : memref<128xi32, #tpu.memory_space<vmem>>) semaphore(%arg38 : memref<!tpu.dma_semaphore, #tpu.memory_space<semaphore_mem>>)
      %dma_start3A_272 = arith.constant 0 : i32
      %dma_start3A_273 = arith.constant 0 : i32
      %dma_start3A_274 = tpu.memref_slice %arg36[%dma_start3A_272, %dma_start3A_273] : memref<10000x16xf32, #tpu.memory_space<vmem_shared>> -> memref<10000x16xf32, #tpu.memory_space<vmem_shared>>
      tpu.enqueue_indirect_dma source(%dma_start3A_274 : memref<10000x16xf32, #tpu.memory_space<vmem_shared>>) target(%arg32 : memref<128x16xf32, #tpu.memory_space<vmem>>) offsets(%arg16 : memref<128xi32, #tpu.memory_space<vmem>>) semaphore(%arg38 : memref<!tpu.dma_semaphore, #tpu.memory_space<semaphore_mem>>)
      %dma_wait3A_275 = arith.constant 0 : i32
      %dma_wait3A_276 = arith.constant 0 : i32
      %dma_wait3A_277 = tpu.memref_slice %arg36[%dma_wait3A_275, %dma_wait3A_276] : memref<10000x16xf32, #tpu.memory_space<vmem_shared>> -> memref<10000x16xf32, #tpu.memory_space<vmem_shared>>
      tpu.wait_indirect_dma semaphore(%arg38 : memref<!tpu.dma_semaphore, #tpu.memory_space<semaphore_mem>>) src(%dma_wait3A_277 : memref<10000x16xf32, #tpu.memory_space<vmem_shared>>) dst(%arg25 : memref<128x16xf32, #tpu.memory_space<vmem>>)
      %dma_wait3A_278 = arith.constant 0 : i32
      %dma_wait3A_279 = arith.constant 0 : i32
      %dma_wait3A_280 = tpu.memref_slice %arg36[%dma_wait3A_278, %dma_wait3A_279] : memref<10000x16xf32, #tpu.memory_space<vmem_shared>> -> memref<10000x16xf32, #tpu.memory_space<vmem_shared>>
      tpu.wait_indirect_dma semaphore(%arg38 : memref<!tpu.dma_semaphore, #tpu.memory_space<semaphore_mem>>) src(%dma_wait3A_280 : memref<10000x16xf32, #tpu.memory_space<vmem_shared>>) dst(%arg26 : memref<128x16xf32, #tpu.memory_space<vmem>>)
      %dma_wait3A_281 = arith.constant 0 : i32
      %dma_wait3A_282 = arith.constant 0 : i32
      %dma_wait3A_283 = tpu.memref_slice %arg36[%dma_wait3A_281, %dma_wait3A_282] : memref<10000x16xf32, #tpu.memory_space<vmem_shared>> -> memref<10000x16xf32, #tpu.memory_space<vmem_shared>>
      tpu.wait_indirect_dma semaphore(%arg38 : memref<!tpu.dma_semaphore, #tpu.memory_space<semaphore_mem>>) src(%dma_wait3A_283 : memref<10000x16xf32, #tpu.memory_space<vmem_shared>>) dst(%arg27 : memref<128x16xf32, #tpu.memory_space<vmem>>)
      %dma_wait3A_284 = arith.constant 0 : i32
      %dma_wait3A_285 = arith.constant 0 : i32
      %dma_wait3A_286 = tpu.memref_slice %arg36[%dma_wait3A_284, %dma_wait3A_285] : memref<10000x16xf32, #tpu.memory_space<vmem_shared>> -> memref<10000x16xf32, #tpu.memory_space<vmem_shared>>
      tpu.wait_indirect_dma semaphore(%arg38 : memref<!tpu.dma_semaphore, #tpu.memory_space<semaphore_mem>>) src(%dma_wait3A_286 : memref<10000x16xf32, #tpu.memory_space<vmem_shared>>) dst(%arg28 : memref<128x16xf32, #tpu.memory_space<vmem>>)
      %dma_wait3A_287 = arith.constant 0 : i32
      %dma_wait3A_288 = arith.constant 0 : i32
      %dma_wait3A_289 = tpu.memref_slice %arg36[%dma_wait3A_287, %dma_wait3A_288] : memref<10000x16xf32, #tpu.memory_space<vmem_shared>> -> memref<10000x16xf32, #tpu.memory_space<vmem_shared>>
      tpu.wait_indirect_dma semaphore(%arg38 : memref<!tpu.dma_semaphore, #tpu.memory_space<semaphore_mem>>) src(%dma_wait3A_289 : memref<10000x16xf32, #tpu.memory_space<vmem_shared>>) dst(%arg29 : memref<128x16xf32, #tpu.memory_space<vmem>>)
      %dma_wait3A_290 = arith.constant 0 : i32
      %dma_wait3A_291 = arith.constant 0 : i32
      %dma_wait3A_292 = tpu.memref_slice %arg36[%dma_wait3A_290, %dma_wait3A_291] : memref<10000x16xf32, #tpu.memory_space<vmem_shared>> -> memref<10000x16xf32, #tpu.memory_space<vmem_shared>>
      tpu.wait_indirect_dma semaphore(%arg38 : memref<!tpu.dma_semaphore, #tpu.memory_space<semaphore_mem>>) src(%dma_wait3A_292 : memref<10000x16xf32, #tpu.memory_space<vmem_shared>>) dst(%arg30 : memref<128x16xf32, #tpu.memory_space<vmem>>)
      %dma_wait3A_293 = arith.constant 0 : i32
      %dma_wait3A_294 = arith.constant 0 : i32
      %dma_wait3A_295 = tpu.memref_slice %arg36[%dma_wait3A_293, %dma_wait3A_294] : memref<10000x16xf32, #tpu.memory_space<vmem_shared>> -> memref<10000x16xf32, #tpu.memory_space<vmem_shared>>
      tpu.wait_indirect_dma semaphore(%arg38 : memref<!tpu.dma_semaphore, #tpu.memory_space<semaphore_mem>>) src(%dma_wait3A_295 : memref<10000x16xf32, #tpu.memory_space<vmem_shared>>) dst(%arg31 : memref<128x16xf32, #tpu.memory_space<vmem>>)
      %dma_wait3A_296 = arith.constant 0 : i32
      %dma_wait3A_297 = arith.constant 0 : i32
      %dma_wait3A_298 = tpu.memref_slice %arg36[%dma_wait3A_296, %dma_wait3A_297] : memref<10000x16xf32, #tpu.memory_space<vmem_shared>> -> memref<10000x16xf32, #tpu.memory_space<vmem_shared>>
      tpu.wait_indirect_dma semaphore(%arg38 : memref<!tpu.dma_semaphore, #tpu.memory_space<semaphore_mem>>) src(%dma_wait3A_298 : memref<10000x16xf32, #tpu.memory_space<vmem_shared>>) dst(%arg32 : memref<128x16xf32, #tpu.memory_space<vmem>>)
      %dma_start3A_299 = arith.constant 0 : i32
      %dma_start3A_300 = arith.constant 0 : i32
      %dma_start3A_301 = tpu.memref_slice %arg34[%dma_start3A_299, %dma_start3A_300] : memref<10240x16xf32, #tpu.memory_space<vmem_shared>> -> memref<10240x16xf32, #tpu.memory_space<vmem_shared>>
      tpu.enqueue_indirect_dma source(%arg25 : memref<128x16xf32, #tpu.memory_space<vmem>>) target(%dma_start3A_301 : memref<10240x16xf32, #tpu.memory_space<vmem_shared>>) offsets(%arg17 : memref<128xi32, #tpu.memory_space<vmem>>) semaphore(%arg39 : memref<!tpu.dma_semaphore, #tpu.memory_space<semaphore_mem>>) {add = true}
      %dma_start3A_302 = arith.constant 0 : i32
      %dma_start3A_303 = arith.constant 0 : i32
      %dma_start3A_304 = tpu.memref_slice %arg34[%dma_start3A_302, %dma_start3A_303] : memref<10240x16xf32, #tpu.memory_space<vmem_shared>> -> memref<10240x16xf32, #tpu.memory_space<vmem_shared>>
      tpu.enqueue_indirect_dma source(%arg26 : memref<128x16xf32, #tpu.memory_space<vmem>>) target(%dma_start3A_304 : memref<10240x16xf32, #tpu.memory_space<vmem_shared>>) offsets(%arg18 : memref<128xi32, #tpu.memory_space<vmem>>) semaphore(%arg39 : memref<!tpu.dma_semaphore, #tpu.memory_space<semaphore_mem>>) {add = true}
      %dma_start3A_305 = arith.constant 0 : i32
      %dma_start3A_306 = arith.constant 0 : i32
      %dma_start3A_307 = tpu.memref_slice %arg34[%dma_start3A_305, %dma_start3A_306] : memref<10240x16xf32, #tpu.memory_space<vmem_shared>> -> memref<10240x16xf32, #tpu.memory_space<vmem_shared>>
      tpu.enqueue_indirect_dma source(%arg27 : memref<128x16xf32, #tpu.memory_space<vmem>>) target(%dma_start3A_307 : memref<10240x16xf32, #tpu.memory_space<vmem_shared>>) offsets(%arg19 : memref<128xi32, #tpu.memory_space<vmem>>) semaphore(%arg39 : memref<!tpu.dma_semaphore, #tpu.memory_space<semaphore_mem>>) {add = true}
      %dma_start3A_308 = arith.constant 0 : i32
      %dma_start3A_309 = arith.constant 0 : i32
      %dma_start3A_310 = tpu.memref_slice %arg34[%dma_start3A_308, %dma_start3A_309] : memref<10240x16xf32, #tpu.memory_space<vmem_shared>> -> memref<10240x16xf32, #tpu.memory_space<vmem_shared>>
      tpu.enqueue_indirect_dma source(%arg28 : memref<128x16xf32, #tpu.memory_space<vmem>>) target(%dma_start3A_310 : memref<10240x16xf32, #tpu.memory_space<vmem_shared>>) offsets(%arg20 : memref<128xi32, #tpu.memory_space<vmem>>) semaphore(%arg39 : memref<!tpu.dma_semaphore, #tpu.memory_space<semaphore_mem>>) {add = true}
      %dma_start3A_311 = arith.constant 0 : i32
      %dma_start3A_312 = arith.constant 0 : i32
      %dma_start3A_313 = tpu.memref_slice %arg34[%dma_start3A_311, %dma_start3A_312] : memref<10240x16xf32, #tpu.memory_space<vmem_shared>> -> memref<10240x16xf32, #tpu.memory_space<vmem_shared>>
      tpu.enqueue_indirect_dma source(%arg29 : memref<128x16xf32, #tpu.memory_space<vmem>>) target(%dma_start3A_313 : memref<10240x16xf32, #tpu.memory_space<vmem_shared>>) offsets(%arg21 : memref<128xi32, #tpu.memory_space<vmem>>) semaphore(%arg39 : memref<!tpu.dma_semaphore, #tpu.memory_space<semaphore_mem>>) {add = true}
      %dma_start3A_314 = arith.constant 0 : i32
      %dma_start3A_315 = arith.constant 0 : i32
      %dma_start3A_316 = tpu.memref_slice %arg34[%dma_start3A_314, %dma_start3A_315] : memref<10240x16xf32, #tpu.memory_space<vmem_shared>> -> memref<10240x16xf32, #tpu.memory_space<vmem_shared>>
      tpu.enqueue_indirect_dma source(%arg30 : memref<128x16xf32, #tpu.memory_space<vmem>>) target(%dma_start3A_316 : memref<10240x16xf32, #tpu.memory_space<vmem_shared>>) offsets(%arg22 : memref<128xi32, #tpu.memory_space<vmem>>) semaphore(%arg39 : memref<!tpu.dma_semaphore, #tpu.memory_space<semaphore_mem>>) {add = true}
      %dma_start3A_317 = arith.constant 0 : i32
      %dma_start3A_318 = arith.constant 0 : i32
      %dma_start3A_319 = tpu.memref_slice %arg34[%dma_start3A_317, %dma_start3A_318] : memref<10240x16xf32, #tpu.memory_space<vmem_shared>> -> memref<10240x16xf32, #tpu.memory_space<vmem_shared>>
      tpu.enqueue_indirect_dma source(%arg31 : memref<128x16xf32, #tpu.memory_space<vmem>>) target(%dma_start3A_319 : memref<10240x16xf32, #tpu.memory_space<vmem_shared>>) offsets(%arg23 : memref<128xi32, #tpu.memory_space<vmem>>) semaphore(%arg39 : memref<!tpu.dma_semaphore, #tpu.memory_space<semaphore_mem>>) {add = true}
      %dma_start3A_320 = arith.constant 0 : i32
      %dma_start3A_321 = arith.constant 0 : i32
      %dma_start3A_322 = tpu.memref_slice %arg34[%dma_start3A_320, %dma_start3A_321] : memref<10240x16xf32, #tpu.memory_space<vmem_shared>> -> memref<10240x16xf32, #tpu.memory_space<vmem_shared>>
      tpu.enqueue_indirect_dma source(%arg32 : memref<128x16xf32, #tpu.memory_space<vmem>>) target(%dma_start3A_322 : memref<10240x16xf32, #tpu.memory_space<vmem_shared>>) offsets(%arg24 : memref<128xi32, #tpu.memory_space<vmem>>) semaphore(%arg39 : memref<!tpu.dma_semaphore, #tpu.memory_space<semaphore_mem>>) {add = true}
      %dma_start3A_323 = arith.constant 0 : i32
      %dma_start3A_324 = arith.constant 0 : i32
      %dma_start3A_325 = tpu.memref_slice %arg35[%dma_start3A_323, %dma_start3A_324] : memref<10240x16xf32, #tpu.memory_space<vmem_shared>> -> memref<10240x16xf32, #tpu.memory_space<vmem_shared>>
      tpu.enqueue_indirect_dma source(%arg33 : memref<128x16xf32, #tpu.memory_space<vmem>>) target(%dma_start3A_325 : memref<10240x16xf32, #tpu.memory_space<vmem_shared>>) offsets(%arg17 : memref<128xi32, #tpu.memory_space<vmem>>) semaphore(%arg40 : memref<!tpu.dma_semaphore, #tpu.memory_space<semaphore_mem>>) {add = true}
      %dma_start3A_326 = arith.constant 0 : i32
      %dma_start3A_327 = arith.constant 0 : i32
      %dma_start3A_328 = tpu.memref_slice %arg35[%dma_start3A_326, %dma_start3A_327] : memref<10240x16xf32, #tpu.memory_space<vmem_shared>> -> memref<10240x16xf32, #tpu.memory_space<vmem_shared>>
      tpu.enqueue_indirect_dma source(%arg33 : memref<128x16xf32, #tpu.memory_space<vmem>>) target(%dma_start3A_328 : memref<10240x16xf32, #tpu.memory_space<vmem_shared>>) offsets(%arg18 : memref<128xi32, #tpu.memory_space<vmem>>) semaphore(%arg40 : memref<!tpu.dma_semaphore, #tpu.memory_space<semaphore_mem>>) {add = true}
      %dma_start3A_329 = arith.constant 0 : i32
      %dma_start3A_330 = arith.constant 0 : i32
      %dma_start3A_331 = tpu.memref_slice %arg35[%dma_start3A_329, %dma_start3A_330] : memref<10240x16xf32, #tpu.memory_space<vmem_shared>> -> memref<10240x16xf32, #tpu.memory_space<vmem_shared>>
      tpu.enqueue_indirect_dma source(%arg33 : memref<128x16xf32, #tpu.memory_space<vmem>>) target(%dma_start3A_331 : memref<10240x16xf32, #tpu.memory_space<vmem_shared>>) offsets(%arg19 : memref<128xi32, #tpu.memory_space<vmem>>) semaphore(%arg40 : memref<!tpu.dma_semaphore, #tpu.memory_space<semaphore_mem>>) {add = true}
      %dma_start3A_332 = arith.constant 0 : i32
      %dma_start3A_333 = arith.constant 0 : i32
      %dma_start3A_334 = tpu.memref_slice %arg35[%dma_start3A_332, %dma_start3A_333] : memref<10240x16xf32, #tpu.memory_space<vmem_shared>> -> memref<10240x16xf32, #tpu.memory_space<vmem_shared>>
      tpu.enqueue_indirect_dma source(%arg33 : memref<128x16xf32, #tpu.memory_space<vmem>>) target(%dma_start3A_334 : memref<10240x16xf32, #tpu.memory_space<vmem_shared>>) offsets(%arg20 : memref<128xi32, #tpu.memory_space<vmem>>) semaphore(%arg40 : memref<!tpu.dma_semaphore, #tpu.memory_space<semaphore_mem>>) {add = true}
      %dma_start3A_335 = arith.constant 0 : i32
      %dma_start3A_336 = arith.constant 0 : i32
      %dma_start3A_337 = tpu.memref_slice %arg35[%dma_start3A_335, %dma_start3A_336] : memref<10240x16xf32, #tpu.memory_space<vmem_shared>> -> memref<10240x16xf32, #tpu.memory_space<vmem_shared>>
      tpu.enqueue_indirect_dma source(%arg33 : memref<128x16xf32, #tpu.memory_space<vmem>>) target(%dma_start3A_337 : memref<10240x16xf32, #tpu.memory_space<vmem_shared>>) offsets(%arg21 : memref<128xi32, #tpu.memory_space<vmem>>) semaphore(%arg40 : memref<!tpu.dma_semaphore, #tpu.memory_space<semaphore_mem>>) {add = true}
      %dma_start3A_338 = arith.constant 0 : i32
      %dma_start3A_339 = arith.constant 0 : i32
      %dma_start3A_340 = tpu.memref_slice %arg35[%dma_start3A_338, %dma_start3A_339] : memref<10240x16xf32, #tpu.memory_space<vmem_shared>> -> memref<10240x16xf32, #tpu.memory_space<vmem_shared>>
      tpu.enqueue_indirect_dma source(%arg33 : memref<128x16xf32, #tpu.memory_space<vmem>>) target(%dma_start3A_340 : memref<10240x16xf32, #tpu.memory_space<vmem_shared>>) offsets(%arg22 : memref<128xi32, #tpu.memory_space<vmem>>) semaphore(%arg40 : memref<!tpu.dma_semaphore, #tpu.memory_space<semaphore_mem>>) {add = true}
      %dma_start3A_341 = arith.constant 0 : i32
      %dma_start3A_342 = arith.constant 0 : i32
      %dma_start3A_343 = tpu.memref_slice %arg35[%dma_start3A_341, %dma_start3A_342] : memref<10240x16xf32, #tpu.memory_space<vmem_shared>> -> memref<10240x16xf32, #tpu.memory_space<vmem_shared>>
      tpu.enqueue_indirect_dma source(%arg33 : memref<128x16xf32, #tpu.memory_space<vmem>>) target(%dma_start3A_343 : memref<10240x16xf32, #tpu.memory_space<vmem_shared>>) offsets(%arg23 : memref<128xi32, #tpu.memory_space<vmem>>) semaphore(%arg40 : memref<!tpu.dma_semaphore, #tpu.memory_space<semaphore_mem>>) {add = true}
      %dma_start3A_344 = arith.constant 0 : i32
      %dma_start3A_345 = arith.constant 0 : i32
      %dma_start3A_346 = tpu.memref_slice %arg35[%dma_start3A_344, %dma_start3A_345] : memref<10240x16xf32, #tpu.memory_space<vmem_shared>> -> memref<10240x16xf32, #tpu.memory_space<vmem_shared>>
      tpu.enqueue_indirect_dma source(%arg33 : memref<128x16xf32, #tpu.memory_space<vmem>>) target(%dma_start3A_346 : memref<10240x16xf32, #tpu.memory_space<vmem_shared>>) offsets(%arg24 : memref<128xi32, #tpu.memory_space<vmem>>) semaphore(%arg40 : memref<!tpu.dma_semaphore, #tpu.memory_space<semaphore_mem>>) {add = true}
      %dma_wait3A_347 = arith.constant 0 : i32
      %dma_wait3A_348 = arith.constant 0 : i32
      %dma_wait3A_349 = tpu.memref_slice %arg34[%dma_wait3A_347, %dma_wait3A_348] : memref<10240x16xf32, #tpu.memory_space<vmem_shared>> -> memref<10240x16xf32, #tpu.memory_space<vmem_shared>>
      tpu.wait_indirect_dma semaphore(%arg39 : memref<!tpu.dma_semaphore, #tpu.memory_space<semaphore_mem>>) src(%arg25 : memref<128x16xf32, #tpu.memory_space<vmem>>) dst(%dma_wait3A_349 : memref<10240x16xf32, #tpu.memory_space<vmem_shared>>)
      %dma_wait3A_350 = arith.constant 0 : i32
      %dma_wait3A_351 = arith.constant 0 : i32
      %dma_wait3A_352 = tpu.memref_slice %arg34[%dma_wait3A_350, %dma_wait3A_351] : memref<10240x16xf32, #tpu.memory_space<vmem_shared>> -> memref<10240x16xf32, #tpu.memory_space<vmem_shared>>
      tpu.wait_indirect_dma semaphore(%arg39 : memref<!tpu.dma_semaphore, #tpu.memory_space<semaphore_mem>>) src(%arg26 : memref<128x16xf32, #tpu.memory_space<vmem>>) dst(%dma_wait3A_352 : memref<10240x16xf32, #tpu.memory_space<vmem_shared>>)
      %dma_wait3A_353 = arith.constant 0 : i32
      %dma_wait3A_354 = arith.constant 0 : i32
      %dma_wait3A_355 = tpu.memref_slice %arg34[%dma_wait3A_353, %dma_wait3A_354] : memref<10240x16xf32, #tpu.memory_space<vmem_shared>> -> memref<10240x16xf32, #tpu.memory_space<vmem_shared>>
      tpu.wait_indirect_dma semaphore(%arg39 : memref<!tpu.dma_semaphore, #tpu.memory_space<semaphore_mem>>) src(%arg27 : memref<128x16xf32, #tpu.memory_space<vmem>>) dst(%dma_wait3A_355 : memref<10240x16xf32, #tpu.memory_space<vmem_shared>>)
      %dma_wait3A_356 = arith.constant 0 : i32
      %dma_wait3A_357 = arith.constant 0 : i32
      %dma_wait3A_358 = tpu.memref_slice %arg34[%dma_wait3A_356, %dma_wait3A_357] : memref<10240x16xf32, #tpu.memory_space<vmem_shared>> -> memref<10240x16xf32, #tpu.memory_space<vmem_shared>>
      tpu.wait_indirect_dma semaphore(%arg39 : memref<!tpu.dma_semaphore, #tpu.memory_space<semaphore_mem>>) src(%arg28 : memref<128x16xf32, #tpu.memory_space<vmem>>) dst(%dma_wait3A_358 : memref<10240x16xf32, #tpu.memory_space<vmem_shared>>)
      %dma_wait3A_359 = arith.constant 0 : i32
      %dma_wait3A_360 = arith.constant 0 : i32
      %dma_wait3A_361 = tpu.memref_slice %arg34[%dma_wait3A_359, %dma_wait3A_360] : memref<10240x16xf32, #tpu.memory_space<vmem_shared>> -> memref<10240x16xf32, #tpu.memory_space<vmem_shared>>
      tpu.wait_indirect_dma semaphore(%arg39 : memref<!tpu.dma_semaphore, #tpu.memory_space<semaphore_mem>>) src(%arg29 : memref<128x16xf32, #tpu.memory_space<vmem>>) dst(%dma_wait3A_361 : memref<10240x16xf32, #tpu.memory_space<vmem_shared>>)
      %dma_wait3A_362 = arith.constant 0 : i32
      %dma_wait3A_363 = arith.constant 0 : i32
      %dma_wait3A_364 = tpu.memref_slice %arg34[%dma_wait3A_362, %dma_wait3A_363] : memref<10240x16xf32, #tpu.memory_space<vmem_shared>> -> memref<10240x16xf32, #tpu.memory_space<vmem_shared>>
      tpu.wait_indirect_dma semaphore(%arg39 : memref<!tpu.dma_semaphore, #tpu.memory_space<semaphore_mem>>) src(%arg30 : memref<128x16xf32, #tpu.memory_space<vmem>>) dst(%dma_wait3A_364 : memref<10240x16xf32, #tpu.memory_space<vmem_shared>>)
      %dma_wait3A_365 = arith.constant 0 : i32
      %dma_wait3A_366 = arith.constant 0 : i32
      %dma_wait3A_367 = tpu.memref_slice %arg34[%dma_wait3A_365, %dma_wait3A_366] : memref<10240x16xf32, #tpu.memory_space<vmem_shared>> -> memref<10240x16xf32, #tpu.memory_space<vmem_shared>>
      tpu.wait_indirect_dma semaphore(%arg39 : memref<!tpu.dma_semaphore, #tpu.memory_space<semaphore_mem>>) src(%arg31 : memref<128x16xf32, #tpu.memory_space<vmem>>) dst(%dma_wait3A_367 : memref<10240x16xf32, #tpu.memory_space<vmem_shared>>)
      %dma_wait3A_368 = arith.constant 0 : i32
      %dma_wait3A_369 = arith.constant 0 : i32
      %dma_wait3A_370 = tpu.memref_slice %arg34[%dma_wait3A_368, %dma_wait3A_369] : memref<10240x16xf32, #tpu.memory_space<vmem_shared>> -> memref<10240x16xf32, #tpu.memory_space<vmem_shared>>
      tpu.wait_indirect_dma semaphore(%arg39 : memref<!tpu.dma_semaphore, #tpu.memory_space<semaphore_mem>>) src(%arg32 : memref<128x16xf32, #tpu.memory_space<vmem>>) dst(%dma_wait3A_370 : memref<10240x16xf32, #tpu.memory_space<vmem_shared>>)
      %dma_wait3A_371 = arith.constant 0 : i32
      %dma_wait3A_372 = arith.constant 0 : i32
      %dma_wait3A_373 = tpu.memref_slice %arg35[%dma_wait3A_371, %dma_wait3A_372] : memref<10240x16xf32, #tpu.memory_space<vmem_shared>> -> memref<10240x16xf32, #tpu.memory_space<vmem_shared>>
      tpu.wait_indirect_dma semaphore(%arg40 : memref<!tpu.dma_semaphore, #tpu.memory_space<semaphore_mem>>) src(%arg33 : memref<128x16xf32, #tpu.memory_space<vmem>>) dst(%dma_wait3A_373 : memref<10240x16xf32, #tpu.memory_space<vmem_shared>>)
      %dma_wait3A_374 = arith.constant 0 : i32
      %dma_wait3A_375 = arith.constant 0 : i32
      %dma_wait3A_376 = tpu.memref_slice %arg35[%dma_wait3A_374, %dma_wait3A_375] : memref<10240x16xf32, #tpu.memory_space<vmem_shared>> -> memref<10240x16xf32, #tpu.memory_space<vmem_shared>>
      tpu.wait_indirect_dma semaphore(%arg40 : memref<!tpu.dma_semaphore, #tpu.memory_space<semaphore_mem>>) src(%arg33 : memref<128x16xf32, #tpu.memory_space<vmem>>) dst(%dma_wait3A_376 : memref<10240x16xf32, #tpu.memory_space<vmem_shared>>)
      %dma_wait3A_377 = arith.constant 0 : i32
      %dma_wait3A_378 = arith.constant 0 : i32
      %dma_wait3A_379 = tpu.memref_slice %arg35[%dma_wait3A_377, %dma_wait3A_378] : memref<10240x16xf32, #tpu.memory_space<vmem_shared>> -> memref<10240x16xf32, #tpu.memory_space<vmem_shared>>
      tpu.wait_indirect_dma semaphore(%arg40 : memref<!tpu.dma_semaphore, #tpu.memory_space<semaphore_mem>>) src(%arg33 : memref<128x16xf32, #tpu.memory_space<vmem>>) dst(%dma_wait3A_379 : memref<10240x16xf32, #tpu.memory_space<vmem_shared>>)
      %dma_wait3A_380 = arith.constant 0 : i32
      %dma_wait3A_381 = arith.constant 0 : i32
      %dma_wait3A_382 = tpu.memref_slice %arg35[%dma_wait3A_380, %dma_wait3A_381] : memref<10240x16xf32, #tpu.memory_space<vmem_shared>> -> memref<10240x16xf32, #tpu.memory_space<vmem_shared>>
      tpu.wait_indirect_dma semaphore(%arg40 : memref<!tpu.dma_semaphore, #tpu.memory_space<semaphore_mem>>) src(%arg33 : memref<128x16xf32, #tpu.memory_space<vmem>>) dst(%dma_wait3A_382 : memref<10240x16xf32, #tpu.memory_space<vmem_shared>>)
      %dma_wait3A_383 = arith.constant 0 : i32
      %dma_wait3A_384 = arith.constant 0 : i32
      %dma_wait3A_385 = tpu.memref_slice %arg35[%dma_wait3A_383, %dma_wait3A_384] : memref<10240x16xf32, #tpu.memory_space<vmem_shared>> -> memref<10240x16xf32, #tpu.memory_space<vmem_shared>>
      tpu.wait_indirect_dma semaphore(%arg40 : memref<!tpu.dma_semaphore, #tpu.memory_space<semaphore_mem>>) src(%arg33 : memref<128x16xf32, #tpu.memory_space<vmem>>) dst(%dma_wait3A_385 : memref<10240x16xf32, #tpu.memory_space<vmem_shared>>)
      %dma_wait3A_386 = arith.constant 0 : i32
      %dma_wait3A_387 = arith.constant 0 : i32
      %dma_wait3A_388 = tpu.memref_slice %arg35[%dma_wait3A_386, %dma_wait3A_387] : memref<10240x16xf32, #tpu.memory_space<vmem_shared>> -> memref<10240x16xf32, #tpu.memory_space<vmem_shared>>
      tpu.wait_indirect_dma semaphore(%arg40 : memref<!tpu.dma_semaphore, #tpu.memory_space<semaphore_mem>>) src(%arg33 : memref<128x16xf32, #tpu.memory_space<vmem>>) dst(%dma_wait3A_388 : memref<10240x16xf32, #tpu.memory_space<vmem_shared>>)
      %dma_wait3A_389 = arith.constant 0 : i32
      %dma_wait3A_390 = arith.constant 0 : i32
      %dma_wait3A_391 = tpu.memref_slice %arg35[%dma_wait3A_389, %dma_wait3A_390] : memref<10240x16xf32, #tpu.memory_space<vmem_shared>> -> memref<10240x16xf32, #tpu.memory_space<vmem_shared>>
      tpu.wait_indirect_dma semaphore(%arg40 : memref<!tpu.dma_semaphore, #tpu.memory_space<semaphore_mem>>) src(%arg33 : memref<128x16xf32, #tpu.memory_space<vmem>>) dst(%dma_wait3A_391 : memref<10240x16xf32, #tpu.memory_space<vmem_shared>>)
      %dma_wait3A_392 = arith.constant 0 : i32
      %dma_wait3A_393 = arith.constant 0 : i32
      %dma_wait3A_394 = tpu.memref_slice %arg35[%dma_wait3A_392, %dma_wait3A_393] : memref<10240x16xf32, #tpu.memory_space<vmem_shared>> -> memref<10240x16xf32, #tpu.memory_space<vmem_shared>>
      tpu.wait_indirect_dma semaphore(%arg40 : memref<!tpu.dma_semaphore, #tpu.memory_space<semaphore_mem>>) src(%arg33 : memref<128x16xf32, #tpu.memory_space<vmem>>) dst(%dma_wait3A_394 : memref<10240x16xf32, #tpu.memory_space<vmem_shared>>)
    }
    %scan3A_15 = arith.constant 10 : i32
    %barrier3A_16 = arith.constant 0 : index
    tpu.barrier barrier_id(%barrier3A_16)
    %mul3A_17 = arith.constant 640 : i32
    %mul3A_18 = arith.muli %arg1, %mul3A_17 : i32
    %mul3A_19 = arith.constant 640 : i32
    %mul3A_20 = arith.muli %arg1, %mul3A_19 : i32
    "tpu.region"() ({
      %run_scoped3A = tpu.sem_alloc : memref<!tpu.dma_semaphore, #tpu.memory_space<semaphore_mem>>
      %dma_start3A = arith.constant 0 : i32
      %dma_start3A_25 = tpu.memref_slice %arg7[%arg0, %mul3A_20, %dma_start3A] : memref<2x10240x16xf32, #tpu.memory_space<hbm>> -> memref<1x640x16xf32, #tpu.memory_space<hbm>>
      %dma_start3A_26 = tpu.memref_squeeze %dma_start3A_25 : memref<1x640x16xf32, #tpu.memory_space<hbm>> -> memref<640x16xf32, #tpu.memory_space<hbm>>
      %dma_start3A_27 = arith.constant 0 : i32
      %dma_start3A_28 = tpu.memref_slice %arg34[%mul3A_18, %dma_start3A_27] : memref<10240x16xf32, #tpu.memory_space<vmem_shared>> -> memref<640x16xf32, #tpu.memory_space<vmem_shared>>
      tpu.enqueue_dma source(%dma_start3A_28 : memref<640x16xf32, #tpu.memory_space<vmem_shared>>) target(%dma_start3A_26 : memref<640x16xf32, #tpu.memory_space<hbm>>) target_semaphore(%run_scoped3A : memref<!tpu.dma_semaphore, #tpu.memory_space<semaphore_mem>>)
      %dma_wait3A = arith.constant 0 : i32
      %dma_wait3A_29 = tpu.memref_slice %arg7[%arg0, %mul3A_20, %dma_wait3A] : memref<2x10240x16xf32, #tpu.memory_space<hbm>> -> memref<1x640x16xf32, #tpu.memory_space<hbm>>
      %dma_wait3A_30 = tpu.memref_squeeze %dma_wait3A_29 : memref<1x640x16xf32, #tpu.memory_space<hbm>> -> memref<640x16xf32, #tpu.memory_space<hbm>>
      %dma_wait3A_31 = arith.constant 0 : i32
      %dma_wait3A_32 = tpu.memref_slice %arg34[%mul3A_18, %dma_wait3A_31] : memref<10240x16xf32, #tpu.memory_space<vmem_shared>> -> memref<640x16xf32, #tpu.memory_space<vmem_shared>>
      tpu.wait_dma2 semaphore(%run_scoped3A : memref<!tpu.dma_semaphore, #tpu.memory_space<semaphore_mem>>) src(%dma_wait3A_32 : memref<640x16xf32, #tpu.memory_space<vmem_shared>>) dst(%dma_wait3A_30 : memref<640x16xf32, #tpu.memory_space<hbm>>)
      tpu.yield
    }) : () -> ()
    %mul3A_21 = arith.constant 640 : i32
    %mul3A_22 = arith.muli %arg1, %mul3A_21 : i32
    %mul3A_23 = arith.constant 640 : i32
    %mul3A_24 = arith.muli %arg1, %mul3A_23 : i32
    "tpu.region"() ({
      %run_scoped3A = tpu.sem_alloc : memref<!tpu.dma_semaphore, #tpu.memory_space<semaphore_mem>>
      %dma_start3A = arith.constant 0 : i32
      %dma_start3A_25 = tpu.memref_slice %arg8[%arg0, %mul3A_24, %dma_start3A] : memref<2x10240x16xf32, #tpu.memory_space<hbm>> -> memref<1x640x16xf32, #tpu.memory_space<hbm>>
      %dma_start3A_26 = tpu.memref_squeeze %dma_start3A_25 : memref<1x640x16xf32, #tpu.memory_space<hbm>> -> memref<640x16xf32, #tpu.memory_space<hbm>>
      %dma_start3A_27 = arith.constant 0 : i32
      %dma_start3A_28 = tpu.memref_slice %arg35[%mul3A_22, %dma_start3A_27] : memref<10240x16xf32, #tpu.memory_space<vmem_shared>> -> memref<640x16xf32, #tpu.memory_space<vmem_shared>>
      tpu.enqueue_dma source(%dma_start3A_28 : memref<640x16xf32, #tpu.memory_space<vmem_shared>>) target(%dma_start3A_26 : memref<640x16xf32, #tpu.memory_space<hbm>>) target_semaphore(%run_scoped3A : memref<!tpu.dma_semaphore, #tpu.memory_space<semaphore_mem>>)
      %dma_wait3A = arith.constant 0 : i32
      %dma_wait3A_29 = tpu.memref_slice %arg8[%arg0, %mul3A_24, %dma_wait3A] : memref<2x10240x16xf32, #tpu.memory_space<hbm>> -> memref<1x640x16xf32, #tpu.memory_space<hbm>>
      %dma_wait3A_30 = tpu.memref_squeeze %dma_wait3A_29 : memref<1x640x16xf32, #tpu.memory_space<hbm>> -> memref<640x16xf32, #tpu.memory_space<hbm>>
      %dma_wait3A_31 = arith.constant 0 : i32
      %dma_wait3A_32 = tpu.memref_slice %arg35[%mul3A_22, %dma_wait3A_31] : memref<10240x16xf32, #tpu.memory_space<vmem_shared>> -> memref<640x16xf32, #tpu.memory_space<vmem_shared>>
      tpu.wait_dma2 semaphore(%run_scoped3A : memref<!tpu.dma_semaphore, #tpu.memory_space<semaphore_mem>>) src(%dma_wait3A_32 : memref<640x16xf32, #tpu.memory_space<vmem_shared>>) dst(%dma_wait3A_30 : memref<640x16xf32, #tpu.memory_space<hbm>>)
      tpu.yield
    }) : () -> ()
    return
  }
}

#map = affine_map<(d0, d1) -> (0, 0, 0)>
#map1 = affine_map<(d0, d1) -> (0, 0)>
module attributes {stable_mosaic.version = 14 : i64} {
  func.func @_seg2_body(%arg0: i32, %arg1: i32, %arg2: memref<2x10240x16xf32, #tpu.memory_space<hbm>>, %arg3: memref<2x10240x16xf32, #tpu.memory_space<hbm>>, %arg4: memref<10000x16xf32, #tpu.memory_space<hbm>>, %arg5: memref<2560x128xi32, #tpu.memory_space<hbm>>, %arg6: memref<2560x128xi32, #tpu.memory_space<hbm>>, %arg7: memref<640x16xf32, #tpu.memory_space<hbm>>, %arg8: memref<40480x16xf32, #tpu.memory_space<hbm>>, %arg9: memref<128xi32, #tpu.memory_space<vmem>>, %arg10: memref<128xi32, #tpu.memory_space<vmem>>, %arg11: memref<128xi32, #tpu.memory_space<vmem>>, %arg12: memref<128xi32, #tpu.memory_space<vmem>>, %arg13: memref<128xi32, #tpu.memory_space<vmem>>, %arg14: memref<128xi32, #tpu.memory_space<vmem>>, %arg15: memref<128xi32, #tpu.memory_space<vmem>>, %arg16: memref<128xi32, #tpu.memory_space<vmem>>, %arg17: memref<128xi32, #tpu.memory_space<vmem>>, %arg18: memref<128xi32, #tpu.memory_space<vmem>>, %arg19: memref<128xi32, #tpu.memory_space<vmem>>, %arg20: memref<128xi32, #tpu.memory_space<vmem>>, %arg21: memref<128xi32, #tpu.memory_space<vmem>>, %arg22: memref<128xi32, #tpu.memory_space<vmem>>, %arg23: memref<128xi32, #tpu.memory_space<vmem>>, %arg24: memref<128xi32, #tpu.memory_space<vmem>>, %arg25: memref<128x16xf32, #tpu.memory_space<vmem>>, %arg26: memref<128x16xf32, #tpu.memory_space<vmem>>, %arg27: memref<128x16xf32, #tpu.memory_space<vmem>>, %arg28: memref<128x16xf32, #tpu.memory_space<vmem>>, %arg29: memref<128x16xf32, #tpu.memory_space<vmem>>, %arg30: memref<128x16xf32, #tpu.memory_space<vmem>>, %arg31: memref<128x16xf32, #tpu.memory_space<vmem>>, %arg32: memref<128x16xf32, #tpu.memory_space<vmem>>, %arg33: memref<625x16xf32, #tpu.memory_space<vmem>>, %arg34: memref<625x16xf32, #tpu.memory_space<vmem>>, %arg35: memref<625x16xf32, #tpu.memory_space<vmem>>, %arg36: memref<625x16xf32, #tpu.memory_space<vmem>>, %arg37: memref<625x16xf32, #tpu.memory_space<vmem>>, %arg38: memref<625x16xf32, #tpu.memory_space<vmem>>, %arg39: memref<625x16xf32, #tpu.memory_space<vmem>>, %arg40: memref<10240x16xf32, #tpu.memory_space<vmem_shared>>, %arg41: memref<10000x16xf32, #tpu.memory_space<vmem_shared>>, %arg42: memref<!tpu.dma_semaphore, #tpu.memory_space<semaphore_mem>>, %arg43: memref<!tpu.dma_semaphore, #tpu.memory_space<semaphore_mem>>, %arg44: memref<!tpu.dma_semaphore, #tpu.memory_space<semaphore_mem>>) attributes {dimension_semantics = [#tpu.dimension_semantics<core_parallel>, #tpu.dimension_semantics<subcore_parallel>], iteration_bounds = array<i64: 2, 16>, scalar_prefetch = 0 : i64, scratch_operands = 36 : i64, tpu.core_type = #tpu.core_type<sc_vector_subcore>, window_params = [{transform_indices = #map}, {transform_indices = #map}, {transform_indices = #map1}, {transform_indices = #map1}, {transform_indices = #map1}, {transform_indices = #map1}, {transform_indices = #map1}]} {
    %mul3A = arith.constant 16 : i32
    %mul3A_0 = arith.muli %arg0, %mul3A : i32
    %add3A = arith.addi %mul3A_0, %arg1 : i32
    %mul3A_1 = arith.constant 625 : i32
    %mul3A_2 = arith.muli %arg1, %mul3A_1 : i32
    %mul3A_3 = arith.constant 640 : i32
    %mul3A_4 = arith.muli %arg1, %mul3A_3 : i32
    "tpu.region"() ({
      %run_scoped3A_31 = tpu.sem_alloc : memref<!tpu.dma_semaphore, #tpu.memory_space<semaphore_mem>>
      %dma_start3A = arith.constant 0 : i32
      %dma_start3A_32 = tpu.memref_slice %arg40[%mul3A_4, %dma_start3A] : memref<10240x16xf32, #tpu.memory_space<vmem_shared>> -> memref<640x16xf32, #tpu.memory_space<vmem_shared>>
      tpu.enqueue_dma source(%arg7 : memref<640x16xf32, #tpu.memory_space<hbm>>) target(%dma_start3A_32 : memref<640x16xf32, #tpu.memory_space<vmem_shared>>) target_semaphore(%run_scoped3A_31 : memref<!tpu.dma_semaphore, #tpu.memory_space<semaphore_mem>>)
      %dma_wait3A = arith.constant 0 : i32
      %dma_wait3A_33 = tpu.memref_slice %arg40[%mul3A_4, %dma_wait3A] : memref<10240x16xf32, #tpu.memory_space<vmem_shared>> -> memref<640x16xf32, #tpu.memory_space<vmem_shared>>
      tpu.wait_dma2 semaphore(%run_scoped3A_31 : memref<!tpu.dma_semaphore, #tpu.memory_space<semaphore_mem>>) src(%arg7 : memref<640x16xf32, #tpu.memory_space<hbm>>) dst(%dma_wait3A_33 : memref<640x16xf32, #tpu.memory_space<vmem_shared>>)
      tpu.yield
    }) : () -> ()
    %run_scoped3A = arith.constant 0 : i32
    "tpu.region"() ({
      %run_scoped3A_31 = tpu.sem_alloc : memref<!tpu.dma_semaphore, #tpu.memory_space<semaphore_mem>>
      %dma_start3A = arith.constant 0 : i32
      %dma_start3A_32 = tpu.memref_slice %arg2[%run_scoped3A, %mul3A_2, %dma_start3A] : memref<2x10240x16xf32, #tpu.memory_space<hbm>> -> memref<1x625x16xf32, #tpu.memory_space<hbm>>
      %dma_start3A_33 = tpu.memref_squeeze %dma_start3A_32 : memref<1x625x16xf32, #tpu.memory_space<hbm>> -> memref<625x16xf32, #tpu.memory_space<hbm>>
      %dma_start3A_34 = arith.constant 0 : i32
      %dma_start3A_35 = tpu.memref_slice %arg2[%run_scoped3A, %mul3A_2, %dma_start3A_34] : memref<2x10240x16xf32, #tpu.memory_space<hbm>> -> memref<1x625x16xf32, #tpu.memory_space<hbm>>
      %dma_start3A_36 = tpu.memref_squeeze %dma_start3A_35 : memref<1x625x16xf32, #tpu.memory_space<hbm>> -> memref<625x16xf32, #tpu.memory_space<hbm>>
      tpu.enqueue_dma source(%dma_start3A_36 : memref<625x16xf32, #tpu.memory_space<hbm>>) target(%arg33 : memref<625x16xf32, #tpu.memory_space<vmem>>) target_semaphore(%run_scoped3A_31 : memref<!tpu.dma_semaphore, #tpu.memory_space<semaphore_mem>>)
      %dma_wait3A = arith.constant 0 : i32
      %dma_wait3A_37 = tpu.memref_slice %arg2[%run_scoped3A, %mul3A_2, %dma_wait3A] : memref<2x10240x16xf32, #tpu.memory_space<hbm>> -> memref<1x625x16xf32, #tpu.memory_space<hbm>>
      %dma_wait3A_38 = tpu.memref_squeeze %dma_wait3A_37 : memref<1x625x16xf32, #tpu.memory_space<hbm>> -> memref<625x16xf32, #tpu.memory_space<hbm>>
      %dma_wait3A_39 = arith.constant 0 : i32
      %dma_wait3A_40 = tpu.memref_slice %arg2[%run_scoped3A, %mul3A_2, %dma_wait3A_39] : memref<2x10240x16xf32, #tpu.memory_space<hbm>> -> memref<1x625x16xf32, #tpu.memory_space<hbm>>
      %dma_wait3A_41 = tpu.memref_squeeze %dma_wait3A_40 : memref<1x625x16xf32, #tpu.memory_space<hbm>> -> memref<625x16xf32, #tpu.memory_space<hbm>>
      tpu.wait_dma2 semaphore(%run_scoped3A_31 : memref<!tpu.dma_semaphore, #tpu.memory_space<semaphore_mem>>) src(%dma_wait3A_41 : memref<625x16xf32, #tpu.memory_space<hbm>>) dst(%arg33 : memref<625x16xf32, #tpu.memory_space<vmem>>)
      tpu.yield
    }) : () -> ()
    %run_scoped3A_5 = arith.constant 1 : i32
    "tpu.region"() ({
      %run_scoped3A_31 = tpu.sem_alloc : memref<!tpu.dma_semaphore, #tpu.memory_space<semaphore_mem>>
      %dma_start3A = arith.constant 0 : i32
      %dma_start3A_32 = tpu.memref_slice %arg2[%run_scoped3A_5, %mul3A_2, %dma_start3A] : memref<2x10240x16xf32, #tpu.memory_space<hbm>> -> memref<1x625x16xf32, #tpu.memory_space<hbm>>
      %dma_start3A_33 = tpu.memref_squeeze %dma_start3A_32 : memref<1x625x16xf32, #tpu.memory_space<hbm>> -> memref<625x16xf32, #tpu.memory_space<hbm>>
      %dma_start3A_34 = arith.constant 0 : i32
      %dma_start3A_35 = tpu.memref_slice %arg2[%run_scoped3A_5, %mul3A_2, %dma_start3A_34] : memref<2x10240x16xf32, #tpu.memory_space<hbm>> -> memref<1x625x16xf32, #tpu.memory_space<hbm>>
      %dma_start3A_36 = tpu.memref_squeeze %dma_start3A_35 : memref<1x625x16xf32, #tpu.memory_space<hbm>> -> memref<625x16xf32, #tpu.memory_space<hbm>>
      tpu.enqueue_dma source(%dma_start3A_36 : memref<625x16xf32, #tpu.memory_space<hbm>>) target(%arg34 : memref<625x16xf32, #tpu.memory_space<vmem>>) target_semaphore(%run_scoped3A_31 : memref<!tpu.dma_semaphore, #tpu.memory_space<semaphore_mem>>)
      %dma_wait3A = arith.constant 0 : i32
      %dma_wait3A_37 = tpu.memref_slice %arg2[%run_scoped3A_5, %mul3A_2, %dma_wait3A] : memref<2x10240x16xf32, #tpu.memory_space<hbm>> -> memref<1x625x16xf32, #tpu.memory_space<hbm>>
      %dma_wait3A_38 = tpu.memref_squeeze %dma_wait3A_37 : memref<1x625x16xf32, #tpu.memory_space<hbm>> -> memref<625x16xf32, #tpu.memory_space<hbm>>
      %dma_wait3A_39 = arith.constant 0 : i32
      %dma_wait3A_40 = tpu.memref_slice %arg2[%run_scoped3A_5, %mul3A_2, %dma_wait3A_39] : memref<2x10240x16xf32, #tpu.memory_space<hbm>> -> memref<1x625x16xf32, #tpu.memory_space<hbm>>
      %dma_wait3A_41 = tpu.memref_squeeze %dma_wait3A_40 : memref<1x625x16xf32, #tpu.memory_space<hbm>> -> memref<625x16xf32, #tpu.memory_space<hbm>>
      tpu.wait_dma2 semaphore(%run_scoped3A_31 : memref<!tpu.dma_semaphore, #tpu.memory_space<semaphore_mem>>) src(%dma_wait3A_41 : memref<625x16xf32, #tpu.memory_space<hbm>>) dst(%arg34 : memref<625x16xf32, #tpu.memory_space<vmem>>)
      tpu.yield
    }) : () -> ()
    %run_scoped3A_6 = arith.constant 0 : i32
    "tpu.region"() ({
      %run_scoped3A_31 = tpu.sem_alloc : memref<!tpu.dma_semaphore, #tpu.memory_space<semaphore_mem>>
      %dma_start3A = arith.constant 0 : i32
      %dma_start3A_32 = tpu.memref_slice %arg3[%run_scoped3A_6, %mul3A_2, %dma_start3A] : memref<2x10240x16xf32, #tpu.memory_space<hbm>> -> memref<1x625x16xf32, #tpu.memory_space<hbm>>
      %dma_start3A_33 = tpu.memref_squeeze %dma_start3A_32 : memref<1x625x16xf32, #tpu.memory_space<hbm>> -> memref<625x16xf32, #tpu.memory_space<hbm>>
      %dma_start3A_34 = arith.constant 0 : i32
      %dma_start3A_35 = tpu.memref_slice %arg3[%run_scoped3A_6, %mul3A_2, %dma_start3A_34] : memref<2x10240x16xf32, #tpu.memory_space<hbm>> -> memref<1x625x16xf32, #tpu.memory_space<hbm>>
      %dma_start3A_36 = tpu.memref_squeeze %dma_start3A_35 : memref<1x625x16xf32, #tpu.memory_space<hbm>> -> memref<625x16xf32, #tpu.memory_space<hbm>>
      tpu.enqueue_dma source(%dma_start3A_36 : memref<625x16xf32, #tpu.memory_space<hbm>>) target(%arg35 : memref<625x16xf32, #tpu.memory_space<vmem>>) target_semaphore(%run_scoped3A_31 : memref<!tpu.dma_semaphore, #tpu.memory_space<semaphore_mem>>)
      %dma_wait3A = arith.constant 0 : i32
      %dma_wait3A_37 = tpu.memref_slice %arg3[%run_scoped3A_6, %mul3A_2, %dma_wait3A] : memref<2x10240x16xf32, #tpu.memory_space<hbm>> -> memref<1x625x16xf32, #tpu.memory_space<hbm>>
      %dma_wait3A_38 = tpu.memref_squeeze %dma_wait3A_37 : memref<1x625x16xf32, #tpu.memory_space<hbm>> -> memref<625x16xf32, #tpu.memory_space<hbm>>
      %dma_wait3A_39 = arith.constant 0 : i32
      %dma_wait3A_40 = tpu.memref_slice %arg3[%run_scoped3A_6, %mul3A_2, %dma_wait3A_39] : memref<2x10240x16xf32, #tpu.memory_space<hbm>> -> memref<1x625x16xf32, #tpu.memory_space<hbm>>
      %dma_wait3A_41 = tpu.memref_squeeze %dma_wait3A_40 : memref<1x625x16xf32, #tpu.memory_space<hbm>> -> memref<625x16xf32, #tpu.memory_space<hbm>>
      tpu.wait_dma2 semaphore(%run_scoped3A_31 : memref<!tpu.dma_semaphore, #tpu.memory_space<semaphore_mem>>) src(%dma_wait3A_41 : memref<625x16xf32, #tpu.memory_space<hbm>>) dst(%arg35 : memref<625x16xf32, #tpu.memory_space<vmem>>)
      tpu.yield
    }) : () -> ()
    %run_scoped3A_7 = arith.constant 1 : i32
    "tpu.region"() ({
      %run_scoped3A_31 = tpu.sem_alloc : memref<!tpu.dma_semaphore, #tpu.memory_space<semaphore_mem>>
      %dma_start3A = arith.constant 0 : i32
      %dma_start3A_32 = tpu.memref_slice %arg3[%run_scoped3A_7, %mul3A_2, %dma_start3A] : memref<2x10240x16xf32, #tpu.memory_space<hbm>> -> memref<1x625x16xf32, #tpu.memory_space<hbm>>
      %dma_start3A_33 = tpu.memref_squeeze %dma_start3A_32 : memref<1x625x16xf32, #tpu.memory_space<hbm>> -> memref<625x16xf32, #tpu.memory_space<hbm>>
      %dma_start3A_34 = arith.constant 0 : i32
      %dma_start3A_35 = tpu.memref_slice %arg3[%run_scoped3A_7, %mul3A_2, %dma_start3A_34] : memref<2x10240x16xf32, #tpu.memory_space<hbm>> -> memref<1x625x16xf32, #tpu.memory_space<hbm>>
      %dma_start3A_36 = tpu.memref_squeeze %dma_start3A_35 : memref<1x625x16xf32, #tpu.memory_space<hbm>> -> memref<625x16xf32, #tpu.memory_space<hbm>>
      tpu.enqueue_dma source(%dma_start3A_36 : memref<625x16xf32, #tpu.memory_space<hbm>>) target(%arg36 : memref<625x16xf32, #tpu.memory_space<vmem>>) target_semaphore(%run_scoped3A_31 : memref<!tpu.dma_semaphore, #tpu.memory_space<semaphore_mem>>)
      %dma_wait3A = arith.constant 0 : i32
      %dma_wait3A_37 = tpu.memref_slice %arg3[%run_scoped3A_7, %mul3A_2, %dma_wait3A] : memref<2x10240x16xf32, #tpu.memory_space<hbm>> -> memref<1x625x16xf32, #tpu.memory_space<hbm>>
      %dma_wait3A_38 = tpu.memref_squeeze %dma_wait3A_37 : memref<1x625x16xf32, #tpu.memory_space<hbm>> -> memref<625x16xf32, #tpu.memory_space<hbm>>
      %dma_wait3A_39 = arith.constant 0 : i32
      %dma_wait3A_40 = tpu.memref_slice %arg3[%run_scoped3A_7, %mul3A_2, %dma_wait3A_39] : memref<2x10240x16xf32, #tpu.memory_space<hbm>> -> memref<1x625x16xf32, #tpu.memory_space<hbm>>
      %dma_wait3A_41 = tpu.memref_squeeze %dma_wait3A_40 : memref<1x625x16xf32, #tpu.memory_space<hbm>> -> memref<625x16xf32, #tpu.memory_space<hbm>>
      tpu.wait_dma2 semaphore(%run_scoped3A_31 : memref<!tpu.dma_semaphore, #tpu.memory_space<semaphore_mem>>) src(%dma_wait3A_41 : memref<625x16xf32, #tpu.memory_space<hbm>>) dst(%arg36 : memref<625x16xf32, #tpu.memory_space<vmem>>)
      tpu.yield
    }) : () -> ()
    "tpu.region"() ({
      %run_scoped3A_31 = tpu.sem_alloc : memref<!tpu.dma_semaphore, #tpu.memory_space<semaphore_mem>>
      %dma_start3A = arith.constant 0 : i32
      %dma_start3A_32 = tpu.memref_slice %arg4[%mul3A_2, %dma_start3A] : memref<10000x16xf32, #tpu.memory_space<hbm>> -> memref<625x16xf32, #tpu.memory_space<hbm>>
      %dma_start3A_33 = arith.constant 0 : i32
      %dma_start3A_34 = tpu.memref_slice %arg4[%mul3A_2, %dma_start3A_33] : memref<10000x16xf32, #tpu.memory_space<hbm>> -> memref<625x16xf32, #tpu.memory_space<hbm>>
      tpu.enqueue_dma source(%dma_start3A_34 : memref<625x16xf32, #tpu.memory_space<hbm>>) target(%arg37 : memref<625x16xf32, #tpu.memory_space<vmem>>) target_semaphore(%run_scoped3A_31 : memref<!tpu.dma_semaphore, #tpu.memory_space<semaphore_mem>>)
      %dma_wait3A = arith.constant 0 : i32
      %dma_wait3A_35 = tpu.memref_slice %arg4[%mul3A_2, %dma_wait3A] : memref<10000x16xf32, #tpu.memory_space<hbm>> -> memref<625x16xf32, #tpu.memory_space<hbm>>
      %dma_wait3A_36 = arith.constant 0 : i32
      %dma_wait3A_37 = tpu.memref_slice %arg4[%mul3A_2, %dma_wait3A_36] : memref<10000x16xf32, #tpu.memory_space<hbm>> -> memref<625x16xf32, #tpu.memory_space<hbm>>
      tpu.wait_dma2 semaphore(%run_scoped3A_31 : memref<!tpu.dma_semaphore, #tpu.memory_space<semaphore_mem>>) src(%dma_wait3A_37 : memref<625x16xf32, #tpu.memory_space<hbm>>) dst(%arg37 : memref<625x16xf32, #tpu.memory_space<vmem>>)
      tpu.yield
    }) : () -> ()
    %scan3A = arith.constant 0 : i32
    %scan3A_8 = arith.constant 0 : i32
    %scan3A_9 = arith.constant 625 : i32
    %scan3A_10 = arith.addi %scan3A_8, %scan3A_9 : i32
    %scan3A_11 = arith.constant 1 : i32
    scf.for %scan3A_31 = %scan3A_8 to %scan3A_10 step %scan3A_11  : i32 {
      %get3A = arith.index_cast %scan3A_31 : i32 to index
      %get3A_32 = arith.constant 0 : index
      %get3A_33 = tpu.vector_load %arg35[%get3A, %get3A_32] {strides = array<i32>} : memref<625x16xf32, #tpu.memory_space<vmem>>, vector<1x16xf32>,
      %get3A_34 = vector.shape_cast %get3A_33 : vector<1x16xf32> to vector<16xf32>
      %get3A_35 = arith.index_cast %scan3A_31 : i32 to index
      %get3A_36 = arith.constant 0 : index
      %get3A_37 = tpu.vector_load %arg36[%get3A_35, %get3A_36] {strides = array<i32>} : memref<625x16xf32, #tpu.memory_space<vmem>>, vector<1x16xf32>,
      %get3A_38 = vector.shape_cast %get3A_37 : vector<1x16xf32> to vector<16xf32>
      %add3A_39 = arith.addf %get3A_34, %get3A_38 : vector<16xf32>
      %max3A = arith.constant 1.000000e+00 : f32
      %max3A_40 = vector.broadcast %max3A : f32 to vector<16xf32>
      %max3A_41 = arith.maximumf %add3A_39, %max3A_40 : vector<16xf32>
      %get3A_42 = arith.index_cast %scan3A_31 : i32 to index
      %get3A_43 = arith.constant 0 : index
      %get3A_44 = tpu.vector_load %arg33[%get3A_42, %get3A_43] {strides = array<i32>} : memref<625x16xf32, #tpu.memory_space<vmem>>, vector<1x16xf32>,
      %get3A_45 = vector.shape_cast %get3A_44 : vector<1x16xf32> to vector<16xf32>
      %get3A_46 = arith.index_cast %scan3A_31 : i32 to index
      %get3A_47 = arith.constant 0 : index
      %get3A_48 = tpu.vector_load %arg34[%get3A_46, %get3A_47] {strides = array<i32>} : memref<625x16xf32, #tpu.memory_space<vmem>>, vector<1x16xf32>,
      %get3A_49 = vector.shape_cast %get3A_48 : vector<1x16xf32> to vector<16xf32>
      %add3A_50 = arith.addf %get3A_45, %get3A_49 : vector<16xf32>
      %div3A = arith.divf %add3A_50, %max3A_41 : vector<16xf32>
      %get3A_51 = arith.index_cast %scan3A_31 : i32 to index
      %get3A_52 = arith.constant 0 : index
      %get3A_53 = tpu.vector_load %arg37[%get3A_51, %get3A_52] {strides = array<i32>} : memref<625x16xf32, #tpu.memory_space<vmem>>, vector<1x16xf32>,
      %get3A_54 = vector.shape_cast %get3A_53 : vector<1x16xf32> to vector<16xf32>
      %add3A_55 = arith.addf %div3A, %get3A_54 : vector<16xf32>
      %max3A_56 = arith.constant 0.000000e+00 : f32
      %max3A_57 = vector.broadcast %max3A_56 : f32 to vector<16xf32>
      %max3A_58 = arith.maximumf %add3A_55, %max3A_57 : vector<16xf32>
      %swap3A = arith.index_cast %scan3A_31 : i32 to index
      %swap3A_59 = arith.constant 0 : index
      %swap3A_60 = tpu.vector_load %arg38[%swap3A, %swap3A_59] {strides = array<i32>} : memref<625x16xf32, #tpu.memory_space<vmem>>, vector<1x16xf32>,
      %swap3A_61 = vector.shape_cast %swap3A_60 : vector<1x16xf32> to vector<16xf32>
      %swap3A_62 = vector.shape_cast %max3A_58 : vector<16xf32> to vector<1x16xf32>
      tpu.vector_store %arg38[%swap3A, %swap3A_59], %swap3A_62 {strides = array<i32>} : memref<625x16xf32, #tpu.memory_space<vmem>>, vector<1x16xf32>,
      %swap3A_63 = arith.index_cast %scan3A_31 : i32 to index
      %swap3A_64 = arith.constant 0 : index
      %swap3A_65 = tpu.vector_load %arg39[%swap3A_63, %swap3A_64] {strides = array<i32>} : memref<625x16xf32, #tpu.memory_space<vmem>>, vector<1x16xf32>,
      %swap3A_66 = vector.shape_cast %swap3A_65 : vector<1x16xf32> to vector<16xf32>
      %swap3A_67 = vector.shape_cast %max3A_41 : vector<16xf32> to vector<1x16xf32>
      tpu.vector_store %arg39[%swap3A_63, %swap3A_64], %swap3A_67 {strides = array<i32>} : memref<625x16xf32, #tpu.memory_space<vmem>>, vector<1x16xf32>,
    }
    %scan3A_12 = arith.constant 625 : i32
    "tpu.region"() ({
      %run_scoped3A_31 = tpu.sem_alloc : memref<!tpu.dma_semaphore, #tpu.memory_space<semaphore_mem>>
      %dma_start3A = arith.constant 0 : i32
      %dma_start3A_32 = tpu.memref_slice %arg41[%mul3A_2, %dma_start3A] : memref<10000x16xf32, #tpu.memory_space<vmem_shared>> -> memref<625x16xf32, #tpu.memory_space<vmem_shared>>
      %dma_start3A_33 = arith.constant 0 : i32
      %dma_start3A_34 = tpu.memref_slice %arg41[%mul3A_2, %dma_start3A_33] : memref<10000x16xf32, #tpu.memory_space<vmem_shared>> -> memref<625x16xf32, #tpu.memory_space<vmem_shared>>
      tpu.enqueue_dma source(%arg38 : memref<625x16xf32, #tpu.memory_space<vmem>>) target(%dma_start3A_34 : memref<625x16xf32, #tpu.memory_space<vmem_shared>>) target_semaphore(%run_scoped3A_31 : memref<!tpu.dma_semaphore, #tpu.memory_space<semaphore_mem>>)
      %dma_wait3A = arith.constant 0 : i32
      %dma_wait3A_35 = tpu.memref_slice %arg41[%mul3A_2, %dma_wait3A] : memref<10000x16xf32, #tpu.memory_space<vmem_shared>> -> memref<625x16xf32, #tpu.memory_space<vmem_shared>>
      %dma_wait3A_36 = arith.constant 0 : i32
      %dma_wait3A_37 = tpu.memref_slice %arg41[%mul3A_2, %dma_wait3A_36] : memref<10000x16xf32, #tpu.memory_space<vmem_shared>> -> memref<625x16xf32, #tpu.memory_space<vmem_shared>>
      tpu.wait_dma2 semaphore(%run_scoped3A_31 : memref<!tpu.dma_semaphore, #tpu.memory_space<semaphore_mem>>) src(%arg38 : memref<625x16xf32, #tpu.memory_space<vmem>>) dst(%dma_wait3A_37 : memref<625x16xf32, #tpu.memory_space<vmem_shared>>)
      tpu.yield
    }) : () -> ()
    %eq3A = arith.constant 0 : i32
    %eq3A_13 = arith.cmpi eq, %arg0, %eq3A : i32
    %convert_element_type3A = arith.extui %eq3A_13 : i1 to i32
    %cond3A = arith.constant 0 : i32
    %cond3A_14 = arith.cmpi ne, %convert_element_type3A, %cond3A : i32
    scf.if %cond3A_14 {
      %add3A_31 = arith.constant 20480 : i32
      %add3A_32 = arith.addi %add3A_31, %mul3A_2 : i32
      "tpu.region"() ({
        %run_scoped3A_35 = tpu.sem_alloc : memref<!tpu.dma_semaphore, #tpu.memory_space<semaphore_mem>>
        %dma_start3A = arith.constant 0 : i32
        %dma_start3A_36 = tpu.memref_slice %arg8[%add3A_32, %dma_start3A] : memref<40480x16xf32, #tpu.memory_space<hbm>> -> memref<625x16xf32, #tpu.memory_space<hbm>>
        %dma_start3A_37 = arith.constant 0 : i32
        %dma_start3A_38 = tpu.memref_slice %arg8[%add3A_32, %dma_start3A_37] : memref<40480x16xf32, #tpu.memory_space<hbm>> -> memref<625x16xf32, #tpu.memory_space<hbm>>
        tpu.enqueue_dma source(%arg38 : memref<625x16xf32, #tpu.memory_space<vmem>>) target(%dma_start3A_38 : memref<625x16xf32, #tpu.memory_space<hbm>>) target_semaphore(%run_scoped3A_35 : memref<!tpu.dma_semaphore, #tpu.memory_space<semaphore_mem>>)
        %dma_wait3A = arith.constant 0 : i32
        %dma_wait3A_39 = tpu.memref_slice %arg8[%add3A_32, %dma_wait3A] : memref<40480x16xf32, #tpu.memory_space<hbm>> -> memref<625x16xf32, #tpu.memory_space<hbm>>
        %dma_wait3A_40 = arith.constant 0 : i32
        %dma_wait3A_41 = tpu.memref_slice %arg8[%add3A_32, %dma_wait3A_40] : memref<40480x16xf32, #tpu.memory_space<hbm>> -> memref<625x16xf32, #tpu.memory_space<hbm>>
        tpu.wait_dma2 semaphore(%run_scoped3A_35 : memref<!tpu.dma_semaphore, #tpu.memory_space<semaphore_mem>>) src(%arg38 : memref<625x16xf32, #tpu.memory_space<vmem>>) dst(%dma_wait3A_41 : memref<625x16xf32, #tpu.memory_space<hbm>>)
        tpu.yield
      }) : () -> ()
      %add3A_33 = arith.constant 30480 : i32
      %add3A_34 = arith.addi %add3A_33, %mul3A_2 : i32
      "tpu.region"() ({
        %run_scoped3A_35 = tpu.sem_alloc : memref<!tpu.dma_semaphore, #tpu.memory_space<semaphore_mem>>
        %dma_start3A = arith.constant 0 : i32
        %dma_start3A_36 = tpu.memref_slice %arg8[%add3A_34, %dma_start3A] : memref<40480x16xf32, #tpu.memory_space<hbm>> -> memref<625x16xf32, #tpu.memory_space<hbm>>
        %dma_start3A_37 = arith.constant 0 : i32
        %dma_start3A_38 = tpu.memref_slice %arg8[%add3A_34, %dma_start3A_37] : memref<40480x16xf32, #tpu.memory_space<hbm>> -> memref<625x16xf32, #tpu.memory_space<hbm>>
        tpu.enqueue_dma source(%arg39 : memref<625x16xf32, #tpu.memory_space<vmem>>) target(%dma_start3A_38 : memref<625x16xf32, #tpu.memory_space<hbm>>) target_semaphore(%run_scoped3A_35 : memref<!tpu.dma_semaphore, #tpu.memory_space<semaphore_mem>>)
        %dma_wait3A = arith.constant 0 : i32
        %dma_wait3A_39 = tpu.memref_slice %arg8[%add3A_34, %dma_wait3A] : memref<40480x16xf32, #tpu.memory_space<hbm>> -> memref<625x16xf32, #tpu.memory_space<hbm>>
        %dma_wait3A_40 = arith.constant 0 : i32
        %dma_wait3A_41 = tpu.memref_slice %arg8[%add3A_34, %dma_wait3A_40] : memref<40480x16xf32, #tpu.memory_space<hbm>> -> memref<625x16xf32, #tpu.memory_space<hbm>>
        tpu.wait_dma2 semaphore(%run_scoped3A_35 : memref<!tpu.dma_semaphore, #tpu.memory_space<semaphore_mem>>) src(%arg39 : memref<625x16xf32, #tpu.memory_space<vmem>>) dst(%dma_wait3A_41 : memref<625x16xf32, #tpu.memory_space<hbm>>)
        tpu.yield
      }) : () -> ()
    } else {
    }
    %barrier3A = arith.constant 0 : index
    tpu.barrier barrier_id(%barrier3A)
    %mul3A_15 = arith.constant 80 : i32
    %mul3A_16 = arith.muli %add3A, %mul3A_15 : i32
    %scan3A_17 = arith.constant 0 : i32
    %scan3A_18 = arith.constant 0 : i32
    %scan3A_19 = arith.constant 10 : i32
    %scan3A_20 = arith.addi %scan3A_18, %scan3A_19 : i32
    %scan3A_21 = arith.constant 1 : i32
    scf.for %scan3A_31 = %scan3A_18 to %scan3A_20 step %scan3A_21  : i32 {
      %mul3A_32 = arith.constant 8 : i32
      %mul3A_33 = arith.muli %scan3A_31, %mul3A_32 : i32
      %add3A_34 = arith.addi %mul3A_16, %mul3A_33 : i32
      %add3A_35 = arith.constant 0 : i32
      %add3A_36 = arith.addi %add3A_34, %add3A_35 : i32
      %dma_start3A = arith.constant 0 : i32
      %dma_start3A_37 = tpu.memref_slice %arg5[%add3A_36, %dma_start3A] : memref<2560x128xi32, #tpu.memory_space<hbm>> -> memref<1x128xi32, #tpu.memory_space<hbm>>
      %dma_start3A_38 = tpu.memref_squeeze %dma_start3A_37 : memref<1x128xi32, #tpu.memory_space<hbm>> -> memref<128xi32, #tpu.memory_space<hbm>>
      %dma_start3A_39 = arith.constant 0 : i32
      %dma_start3A_40 = tpu.memref_slice %arg5[%add3A_36, %dma_start3A_39] : memref<2560x128xi32, #tpu.memory_space<hbm>> -> memref<1x128xi32, #tpu.memory_space<hbm>>
      %dma_start3A_41 = tpu.memref_squeeze %dma_start3A_40 : memref<1x128xi32, #tpu.memory_space<hbm>> -> memref<128xi32, #tpu.memory_space<hbm>>
      tpu.enqueue_dma source(%dma_start3A_41 : memref<128xi32, #tpu.memory_space<hbm>>) target(%arg9 : memref<128xi32, #tpu.memory_space<vmem>>) target_semaphore(%arg42 : memref<!tpu.dma_semaphore, #tpu.memory_space<semaphore_mem>>)
      %add3A_42 = arith.constant 0 : i32
      %add3A_43 = arith.addi %add3A_34, %add3A_42 : i32
      %dma_start3A_44 = arith.constant 0 : i32
      %dma_start3A_45 = tpu.memref_slice %arg6[%add3A_43, %dma_start3A_44] : memref<2560x128xi32, #tpu.memory_space<hbm>> -> memref<1x128xi32, #tpu.memory_space<hbm>>
      %dma_start3A_46 = tpu.memref_squeeze %dma_start3A_45 : memref<1x128xi32, #tpu.memory_space<hbm>> -> memref<128xi32, #tpu.memory_space<hbm>>
      %dma_start3A_47 = arith.constant 0 : i32
      %dma_start3A_48 = tpu.memref_slice %arg6[%add3A_43, %dma_start3A_47] : memref<2560x128xi32, #tpu.memory_space<hbm>> -> memref<1x128xi32, #tpu.memory_space<hbm>>
      %dma_start3A_49 = tpu.memref_squeeze %dma_start3A_48 : memref<1x128xi32, #tpu.memory_space<hbm>> -> memref<128xi32, #tpu.memory_space<hbm>>
      tpu.enqueue_dma source(%dma_start3A_49 : memref<128xi32, #tpu.memory_space<hbm>>) target(%arg17 : memref<128xi32, #tpu.memory_space<vmem>>) target_semaphore(%arg42 : memref<!tpu.dma_semaphore, #tpu.memory_space<semaphore_mem>>)
      %add3A_50 = arith.constant 1 : i32
      %add3A_51 = arith.addi %add3A_34, %add3A_50 : i32
      %dma_start3A_52 = arith.constant 0 : i32
      %dma_start3A_53 = tpu.memref_slice %arg5[%add3A_51, %dma_start3A_52] : memref<2560x128xi32, #tpu.memory_space<hbm>> -> memref<1x128xi32, #tpu.memory_space<hbm>>
      %dma_start3A_54 = tpu.memref_squeeze %dma_start3A_53 : memref<1x128xi32, #tpu.memory_space<hbm>> -> memref<128xi32, #tpu.memory_space<hbm>>
      %dma_start3A_55 = arith.constant 0 : i32
      %dma_start3A_56 = tpu.memref_slice %arg5[%add3A_51, %dma_start3A_55] : memref<2560x128xi32, #tpu.memory_space<hbm>> -> memref<1x128xi32, #tpu.memory_space<hbm>>
      %dma_start3A_57 = tpu.memref_squeeze %dma_start3A_56 : memref<1x128xi32, #tpu.memory_space<hbm>> -> memref<128xi32, #tpu.memory_space<hbm>>
      tpu.enqueue_dma source(%dma_start3A_57 : memref<128xi32, #tpu.memory_space<hbm>>) target(%arg10 : memref<128xi32, #tpu.memory_space<vmem>>) target_semaphore(%arg42 : memref<!tpu.dma_semaphore, #tpu.memory_space<semaphore_mem>>)
      %add3A_58 = arith.constant 1 : i32
      %add3A_59 = arith.addi %add3A_34, %add3A_58 : i32
      %dma_start3A_60 = arith.constant 0 : i32
      %dma_start3A_61 = tpu.memref_slice %arg6[%add3A_59, %dma_start3A_60] : memref<2560x128xi32, #tpu.memory_space<hbm>> -> memref<1x128xi32, #tpu.memory_space<hbm>>
      %dma_start3A_62 = tpu.memref_squeeze %dma_start3A_61 : memref<1x128xi32, #tpu.memory_space<hbm>> -> memref<128xi32, #tpu.memory_space<hbm>>
      %dma_start3A_63 = arith.constant 0 : i32
      %dma_start3A_64 = tpu.memref_slice %arg6[%add3A_59, %dma_start3A_63] : memref<2560x128xi32, #tpu.memory_space<hbm>> -> memref<1x128xi32, #tpu.memory_space<hbm>>
      %dma_start3A_65 = tpu.memref_squeeze %dma_start3A_64 : memref<1x128xi32, #tpu.memory_space<hbm>> -> memref<128xi32, #tpu.memory_space<hbm>>
      tpu.enqueue_dma source(%dma_start3A_65 : memref<128xi32, #tpu.memory_space<hbm>>) target(%arg18 : memref<128xi32, #tpu.memory_space<vmem>>) target_semaphore(%arg42 : memref<!tpu.dma_semaphore, #tpu.memory_space<semaphore_mem>>)
      %add3A_66 = arith.constant 2 : i32
      %add3A_67 = arith.addi %add3A_34, %add3A_66 : i32
      %dma_start3A_68 = arith.constant 0 : i32
      %dma_start3A_69 = tpu.memref_slice %arg5[%add3A_67, %dma_start3A_68] : memref<2560x128xi32, #tpu.memory_space<hbm>> -> memref<1x128xi32, #tpu.memory_space<hbm>>
      %dma_start3A_70 = tpu.memref_squeeze %dma_start3A_69 : memref<1x128xi32, #tpu.memory_space<hbm>> -> memref<128xi32, #tpu.memory_space<hbm>>
      %dma_start3A_71 = arith.constant 0 : i32
      %dma_start3A_72 = tpu.memref_slice %arg5[%add3A_67, %dma_start3A_71] : memref<2560x128xi32, #tpu.memory_space<hbm>> -> memref<1x128xi32, #tpu.memory_space<hbm>>
      %dma_start3A_73 = tpu.memref_squeeze %dma_start3A_72 : memref<1x128xi32, #tpu.memory_space<hbm>> -> memref<128xi32, #tpu.memory_space<hbm>>
      tpu.enqueue_dma source(%dma_start3A_73 : memref<128xi32, #tpu.memory_space<hbm>>) target(%arg11 : memref<128xi32, #tpu.memory_space<vmem>>) target_semaphore(%arg42 : memref<!tpu.dma_semaphore, #tpu.memory_space<semaphore_mem>>)
      %add3A_74 = arith.constant 2 : i32
      %add3A_75 = arith.addi %add3A_34, %add3A_74 : i32
      %dma_start3A_76 = arith.constant 0 : i32
      %dma_start3A_77 = tpu.memref_slice %arg6[%add3A_75, %dma_start3A_76] : memref<2560x128xi32, #tpu.memory_space<hbm>> -> memref<1x128xi32, #tpu.memory_space<hbm>>
      %dma_start3A_78 = tpu.memref_squeeze %dma_start3A_77 : memref<1x128xi32, #tpu.memory_space<hbm>> -> memref<128xi32, #tpu.memory_space<hbm>>
      %dma_start3A_79 = arith.constant 0 : i32
      %dma_start3A_80 = tpu.memref_slice %arg6[%add3A_75, %dma_start3A_79] : memref<2560x128xi32, #tpu.memory_space<hbm>> -> memref<1x128xi32, #tpu.memory_space<hbm>>
      %dma_start3A_81 = tpu.memref_squeeze %dma_start3A_80 : memref<1x128xi32, #tpu.memory_space<hbm>> -> memref<128xi32, #tpu.memory_space<hbm>>
      tpu.enqueue_dma source(%dma_start3A_81 : memref<128xi32, #tpu.memory_space<hbm>>) target(%arg19 : memref<128xi32, #tpu.memory_space<vmem>>) target_semaphore(%arg42 : memref<!tpu.dma_semaphore, #tpu.memory_space<semaphore_mem>>)
      %add3A_82 = arith.constant 3 : i32
      %add3A_83 = arith.addi %add3A_34, %add3A_82 : i32
      %dma_start3A_84 = arith.constant 0 : i32
      %dma_start3A_85 = tpu.memref_slice %arg5[%add3A_83, %dma_start3A_84] : memref<2560x128xi32, #tpu.memory_space<hbm>> -> memref<1x128xi32, #tpu.memory_space<hbm>>
      %dma_start3A_86 = tpu.memref_squeeze %dma_start3A_85 : memref<1x128xi32, #tpu.memory_space<hbm>> -> memref<128xi32, #tpu.memory_space<hbm>>
      %dma_start3A_87 = arith.constant 0 : i32
      %dma_start3A_88 = tpu.memref_slice %arg5[%add3A_83, %dma_start3A_87] : memref<2560x128xi32, #tpu.memory_space<hbm>> -> memref<1x128xi32, #tpu.memory_space<hbm>>
      %dma_start3A_89 = tpu.memref_squeeze %dma_start3A_88 : memref<1x128xi32, #tpu.memory_space<hbm>> -> memref<128xi32, #tpu.memory_space<hbm>>
      tpu.enqueue_dma source(%dma_start3A_89 : memref<128xi32, #tpu.memory_space<hbm>>) target(%arg12 : memref<128xi32, #tpu.memory_space<vmem>>) target_semaphore(%arg42 : memref<!tpu.dma_semaphore, #tpu.memory_space<semaphore_mem>>)
      %add3A_90 = arith.constant 3 : i32
      %add3A_91 = arith.addi %add3A_34, %add3A_90 : i32
      %dma_start3A_92 = arith.constant 0 : i32
      %dma_start3A_93 = tpu.memref_slice %arg6[%add3A_91, %dma_start3A_92] : memref<2560x128xi32, #tpu.memory_space<hbm>> -> memref<1x128xi32, #tpu.memory_space<hbm>>
      %dma_start3A_94 = tpu.memref_squeeze %dma_start3A_93 : memref<1x128xi32, #tpu.memory_space<hbm>> -> memref<128xi32, #tpu.memory_space<hbm>>
      %dma_start3A_95 = arith.constant 0 : i32
      %dma_start3A_96 = tpu.memref_slice %arg6[%add3A_91, %dma_start3A_95] : memref<2560x128xi32, #tpu.memory_space<hbm>> -> memref<1x128xi32, #tpu.memory_space<hbm>>
      %dma_start3A_97 = tpu.memref_squeeze %dma_start3A_96 : memref<1x128xi32, #tpu.memory_space<hbm>> -> memref<128xi32, #tpu.memory_space<hbm>>
      tpu.enqueue_dma source(%dma_start3A_97 : memref<128xi32, #tpu.memory_space<hbm>>) target(%arg20 : memref<128xi32, #tpu.memory_space<vmem>>) target_semaphore(%arg42 : memref<!tpu.dma_semaphore, #tpu.memory_space<semaphore_mem>>)
      %add3A_98 = arith.constant 4 : i32
      %add3A_99 = arith.addi %add3A_34, %add3A_98 : i32
      %dma_start3A_100 = arith.constant 0 : i32
      %dma_start3A_101 = tpu.memref_slice %arg5[%add3A_99, %dma_start3A_100] : memref<2560x128xi32, #tpu.memory_space<hbm>> -> memref<1x128xi32, #tpu.memory_space<hbm>>
      %dma_start3A_102 = tpu.memref_squeeze %dma_start3A_101 : memref<1x128xi32, #tpu.memory_space<hbm>> -> memref<128xi32, #tpu.memory_space<hbm>>
      %dma_start3A_103 = arith.constant 0 : i32
      %dma_start3A_104 = tpu.memref_slice %arg5[%add3A_99, %dma_start3A_103] : memref<2560x128xi32, #tpu.memory_space<hbm>> -> memref<1x128xi32, #tpu.memory_space<hbm>>
      %dma_start3A_105 = tpu.memref_squeeze %dma_start3A_104 : memref<1x128xi32, #tpu.memory_space<hbm>> -> memref<128xi32, #tpu.memory_space<hbm>>
      tpu.enqueue_dma source(%dma_start3A_105 : memref<128xi32, #tpu.memory_space<hbm>>) target(%arg13 : memref<128xi32, #tpu.memory_space<vmem>>) target_semaphore(%arg42 : memref<!tpu.dma_semaphore, #tpu.memory_space<semaphore_mem>>)
      %add3A_106 = arith.constant 4 : i32
      %add3A_107 = arith.addi %add3A_34, %add3A_106 : i32
      %dma_start3A_108 = arith.constant 0 : i32
      %dma_start3A_109 = tpu.memref_slice %arg6[%add3A_107, %dma_start3A_108] : memref<2560x128xi32, #tpu.memory_space<hbm>> -> memref<1x128xi32, #tpu.memory_space<hbm>>
      %dma_start3A_110 = tpu.memref_squeeze %dma_start3A_109 : memref<1x128xi32, #tpu.memory_space<hbm>> -> memref<128xi32, #tpu.memory_space<hbm>>
      %dma_start3A_111 = arith.constant 0 : i32
      %dma_start3A_112 = tpu.memref_slice %arg6[%add3A_107, %dma_start3A_111] : memref<2560x128xi32, #tpu.memory_space<hbm>> -> memref<1x128xi32, #tpu.memory_space<hbm>>
      %dma_start3A_113 = tpu.memref_squeeze %dma_start3A_112 : memref<1x128xi32, #tpu.memory_space<hbm>> -> memref<128xi32, #tpu.memory_space<hbm>>
      tpu.enqueue_dma source(%dma_start3A_113 : memref<128xi32, #tpu.memory_space<hbm>>) target(%arg21 : memref<128xi32, #tpu.memory_space<vmem>>) target_semaphore(%arg42 : memref<!tpu.dma_semaphore, #tpu.memory_space<semaphore_mem>>)
      %add3A_114 = arith.constant 5 : i32
      %add3A_115 = arith.addi %add3A_34, %add3A_114 : i32
      %dma_start3A_116 = arith.constant 0 : i32
      %dma_start3A_117 = tpu.memref_slice %arg5[%add3A_115, %dma_start3A_116] : memref<2560x128xi32, #tpu.memory_space<hbm>> -> memref<1x128xi32, #tpu.memory_space<hbm>>
      %dma_start3A_118 = tpu.memref_squeeze %dma_start3A_117 : memref<1x128xi32, #tpu.memory_space<hbm>> -> memref<128xi32, #tpu.memory_space<hbm>>
      %dma_start3A_119 = arith.constant 0 : i32
      %dma_start3A_120 = tpu.memref_slice %arg5[%add3A_115, %dma_start3A_119] : memref<2560x128xi32, #tpu.memory_space<hbm>> -> memref<1x128xi32, #tpu.memory_space<hbm>>
      %dma_start3A_121 = tpu.memref_squeeze %dma_start3A_120 : memref<1x128xi32, #tpu.memory_space<hbm>> -> memref<128xi32, #tpu.memory_space<hbm>>
      tpu.enqueue_dma source(%dma_start3A_121 : memref<128xi32, #tpu.memory_space<hbm>>) target(%arg14 : memref<128xi32, #tpu.memory_space<vmem>>) target_semaphore(%arg42 : memref<!tpu.dma_semaphore, #tpu.memory_space<semaphore_mem>>)
      %add3A_122 = arith.constant 5 : i32
      %add3A_123 = arith.addi %add3A_34, %add3A_122 : i32
      %dma_start3A_124 = arith.constant 0 : i32
      %dma_start3A_125 = tpu.memref_slice %arg6[%add3A_123, %dma_start3A_124] : memref<2560x128xi32, #tpu.memory_space<hbm>> -> memref<1x128xi32, #tpu.memory_space<hbm>>
      %dma_start3A_126 = tpu.memref_squeeze %dma_start3A_125 : memref<1x128xi32, #tpu.memory_space<hbm>> -> memref<128xi32, #tpu.memory_space<hbm>>
      %dma_start3A_127 = arith.constant 0 : i32
      %dma_start3A_128 = tpu.memref_slice %arg6[%add3A_123, %dma_start3A_127] : memref<2560x128xi32, #tpu.memory_space<hbm>> -> memref<1x128xi32, #tpu.memory_space<hbm>>
      %dma_start3A_129 = tpu.memref_squeeze %dma_start3A_128 : memref<1x128xi32, #tpu.memory_space<hbm>> -> memref<128xi32, #tpu.memory_space<hbm>>
      tpu.enqueue_dma source(%dma_start3A_129 : memref<128xi32, #tpu.memory_space<hbm>>) target(%arg22 : memref<128xi32, #tpu.memory_space<vmem>>) target_semaphore(%arg42 : memref<!tpu.dma_semaphore, #tpu.memory_space<semaphore_mem>>)
      %add3A_130 = arith.constant 6 : i32
      %add3A_131 = arith.addi %add3A_34, %add3A_130 : i32
      %dma_start3A_132 = arith.constant 0 : i32
      %dma_start3A_133 = tpu.memref_slice %arg5[%add3A_131, %dma_start3A_132] : memref<2560x128xi32, #tpu.memory_space<hbm>> -> memref<1x128xi32, #tpu.memory_space<hbm>>
      %dma_start3A_134 = tpu.memref_squeeze %dma_start3A_133 : memref<1x128xi32, #tpu.memory_space<hbm>> -> memref<128xi32, #tpu.memory_space<hbm>>
      %dma_start3A_135 = arith.constant 0 : i32
      %dma_start3A_136 = tpu.memref_slice %arg5[%add3A_131, %dma_start3A_135] : memref<2560x128xi32, #tpu.memory_space<hbm>> -> memref<1x128xi32, #tpu.memory_space<hbm>>
      %dma_start3A_137 = tpu.memref_squeeze %dma_start3A_136 : memref<1x128xi32, #tpu.memory_space<hbm>> -> memref<128xi32, #tpu.memory_space<hbm>>
      tpu.enqueue_dma source(%dma_start3A_137 : memref<128xi32, #tpu.memory_space<hbm>>) target(%arg15 : memref<128xi32, #tpu.memory_space<vmem>>) target_semaphore(%arg42 : memref<!tpu.dma_semaphore, #tpu.memory_space<semaphore_mem>>)
      %add3A_138 = arith.constant 6 : i32
      %add3A_139 = arith.addi %add3A_34, %add3A_138 : i32
      %dma_start3A_140 = arith.constant 0 : i32
      %dma_start3A_141 = tpu.memref_slice %arg6[%add3A_139, %dma_start3A_140] : memref<2560x128xi32, #tpu.memory_space<hbm>> -> memref<1x128xi32, #tpu.memory_space<hbm>>
      %dma_start3A_142 = tpu.memref_squeeze %dma_start3A_141 : memref<1x128xi32, #tpu.memory_space<hbm>> -> memref<128xi32, #tpu.memory_space<hbm>>
      %dma_start3A_143 = arith.constant 0 : i32
      %dma_start3A_144 = tpu.memref_slice %arg6[%add3A_139, %dma_start3A_143] : memref<2560x128xi32, #tpu.memory_space<hbm>> -> memref<1x128xi32, #tpu.memory_space<hbm>>
      %dma_start3A_145 = tpu.memref_squeeze %dma_start3A_144 : memref<1x128xi32, #tpu.memory_space<hbm>> -> memref<128xi32, #tpu.memory_space<hbm>>
      tpu.enqueue_dma source(%dma_start3A_145 : memref<128xi32, #tpu.memory_space<hbm>>) target(%arg23 : memref<128xi32, #tpu.memory_space<vmem>>) target_semaphore(%arg42 : memref<!tpu.dma_semaphore, #tpu.memory_space<semaphore_mem>>)
      %add3A_146 = arith.constant 7 : i32
      %add3A_147 = arith.addi %add3A_34, %add3A_146 : i32
      %dma_start3A_148 = arith.constant 0 : i32
      %dma_start3A_149 = tpu.memref_slice %arg5[%add3A_147, %dma_start3A_148] : memref<2560x128xi32, #tpu.memory_space<hbm>> -> memref<1x128xi32, #tpu.memory_space<hbm>>
      %dma_start3A_150 = tpu.memref_squeeze %dma_start3A_149 : memref<1x128xi32, #tpu.memory_space<hbm>> -> memref<128xi32, #tpu.memory_space<hbm>>
      %dma_start3A_151 = arith.constant 0 : i32
      %dma_start3A_152 = tpu.memref_slice %arg5[%add3A_147, %dma_start3A_151] : memref<2560x128xi32, #tpu.memory_space<hbm>> -> memref<1x128xi32, #tpu.memory_space<hbm>>
      %dma_start3A_153 = tpu.memref_squeeze %dma_start3A_152 : memref<1x128xi32, #tpu.memory_space<hbm>> -> memref<128xi32, #tpu.memory_space<hbm>>
      tpu.enqueue_dma source(%dma_start3A_153 : memref<128xi32, #tpu.memory_space<hbm>>) target(%arg16 : memref<128xi32, #tpu.memory_space<vmem>>) target_semaphore(%arg42 : memref<!tpu.dma_semaphore, #tpu.memory_space<semaphore_mem>>)
      %add3A_154 = arith.constant 7 : i32
      %add3A_155 = arith.addi %add3A_34, %add3A_154 : i32
      %dma_start3A_156 = arith.constant 0 : i32
      %dma_start3A_157 = tpu.memref_slice %arg6[%add3A_155, %dma_start3A_156] : memref<2560x128xi32, #tpu.memory_space<hbm>> -> memref<1x128xi32, #tpu.memory_space<hbm>>
      %dma_start3A_158 = tpu.memref_squeeze %dma_start3A_157 : memref<1x128xi32, #tpu.memory_space<hbm>> -> memref<128xi32, #tpu.memory_space<hbm>>
      %dma_start3A_159 = arith.constant 0 : i32
      %dma_start3A_160 = tpu.memref_slice %arg6[%add3A_155, %dma_start3A_159] : memref<2560x128xi32, #tpu.memory_space<hbm>> -> memref<1x128xi32, #tpu.memory_space<hbm>>
      %dma_start3A_161 = tpu.memref_squeeze %dma_start3A_160 : memref<1x128xi32, #tpu.memory_space<hbm>> -> memref<128xi32, #tpu.memory_space<hbm>>
      tpu.enqueue_dma source(%dma_start3A_161 : memref<128xi32, #tpu.memory_space<hbm>>) target(%arg24 : memref<128xi32, #tpu.memory_space<vmem>>) target_semaphore(%arg42 : memref<!tpu.dma_semaphore, #tpu.memory_space<semaphore_mem>>)
      %dma_wait3A = arith.constant 0 : i32
      %dma_wait3A_162 = tpu.memref_slice %arg5[%add3A_36, %dma_wait3A] : memref<2560x128xi32, #tpu.memory_space<hbm>> -> memref<1x128xi32, #tpu.memory_space<hbm>>
      %dma_wait3A_163 = tpu.memref_squeeze %dma_wait3A_162 : memref<1x128xi32, #tpu.memory_space<hbm>> -> memref<128xi32, #tpu.memory_space<hbm>>
      %dma_wait3A_164 = arith.constant 0 : i32
      %dma_wait3A_165 = tpu.memref_slice %arg5[%add3A_36, %dma_wait3A_164] : memref<2560x128xi32, #tpu.memory_space<hbm>> -> memref<1x128xi32, #tpu.memory_space<hbm>>
      %dma_wait3A_166 = tpu.memref_squeeze %dma_wait3A_165 : memref<1x128xi32, #tpu.memory_space<hbm>> -> memref<128xi32, #tpu.memory_space<hbm>>
      tpu.wait_dma2 semaphore(%arg42 : memref<!tpu.dma_semaphore, #tpu.memory_space<semaphore_mem>>) src(%dma_wait3A_166 : memref<128xi32, #tpu.memory_space<hbm>>) dst(%arg9 : memref<128xi32, #tpu.memory_space<vmem>>)
      %dma_wait3A_167 = arith.constant 0 : i32
      %dma_wait3A_168 = tpu.memref_slice %arg6[%add3A_43, %dma_wait3A_167] : memref<2560x128xi32, #tpu.memory_space<hbm>> -> memref<1x128xi32, #tpu.memory_space<hbm>>
      %dma_wait3A_169 = tpu.memref_squeeze %dma_wait3A_168 : memref<1x128xi32, #tpu.memory_space<hbm>> -> memref<128xi32, #tpu.memory_space<hbm>>
      %dma_wait3A_170 = arith.constant 0 : i32
      %dma_wait3A_171 = tpu.memref_slice %arg6[%add3A_43, %dma_wait3A_170] : memref<2560x128xi32, #tpu.memory_space<hbm>> -> memref<1x128xi32, #tpu.memory_space<hbm>>
      %dma_wait3A_172 = tpu.memref_squeeze %dma_wait3A_171 : memref<1x128xi32, #tpu.memory_space<hbm>> -> memref<128xi32, #tpu.memory_space<hbm>>
      tpu.wait_dma2 semaphore(%arg42 : memref<!tpu.dma_semaphore, #tpu.memory_space<semaphore_mem>>) src(%dma_wait3A_172 : memref<128xi32, #tpu.memory_space<hbm>>) dst(%arg17 : memref<128xi32, #tpu.memory_space<vmem>>)
      %dma_wait3A_173 = arith.constant 0 : i32
      %dma_wait3A_174 = tpu.memref_slice %arg5[%add3A_51, %dma_wait3A_173] : memref<2560x128xi32, #tpu.memory_space<hbm>> -> memref<1x128xi32, #tpu.memory_space<hbm>>
      %dma_wait3A_175 = tpu.memref_squeeze %dma_wait3A_174 : memref<1x128xi32, #tpu.memory_space<hbm>> -> memref<128xi32, #tpu.memory_space<hbm>>
      %dma_wait3A_176 = arith.constant 0 : i32
      %dma_wait3A_177 = tpu.memref_slice %arg5[%add3A_51, %dma_wait3A_176] : memref<2560x128xi32, #tpu.memory_space<hbm>> -> memref<1x128xi32, #tpu.memory_space<hbm>>
      %dma_wait3A_178 = tpu.memref_squeeze %dma_wait3A_177 : memref<1x128xi32, #tpu.memory_space<hbm>> -> memref<128xi32, #tpu.memory_space<hbm>>
      tpu.wait_dma2 semaphore(%arg42 : memref<!tpu.dma_semaphore, #tpu.memory_space<semaphore_mem>>) src(%dma_wait3A_178 : memref<128xi32, #tpu.memory_space<hbm>>) dst(%arg10 : memref<128xi32, #tpu.memory_space<vmem>>)
      %dma_wait3A_179 = arith.constant 0 : i32
      %dma_wait3A_180 = tpu.memref_slice %arg6[%add3A_59, %dma_wait3A_179] : memref<2560x128xi32, #tpu.memory_space<hbm>> -> memref<1x128xi32, #tpu.memory_space<hbm>>
      %dma_wait3A_181 = tpu.memref_squeeze %dma_wait3A_180 : memref<1x128xi32, #tpu.memory_space<hbm>> -> memref<128xi32, #tpu.memory_space<hbm>>
      %dma_wait3A_182 = arith.constant 0 : i32
      %dma_wait3A_183 = tpu.memref_slice %arg6[%add3A_59, %dma_wait3A_182] : memref<2560x128xi32, #tpu.memory_space<hbm>> -> memref<1x128xi32, #tpu.memory_space<hbm>>
      %dma_wait3A_184 = tpu.memref_squeeze %dma_wait3A_183 : memref<1x128xi32, #tpu.memory_space<hbm>> -> memref<128xi32, #tpu.memory_space<hbm>>
      tpu.wait_dma2 semaphore(%arg42 : memref<!tpu.dma_semaphore, #tpu.memory_space<semaphore_mem>>) src(%dma_wait3A_184 : memref<128xi32, #tpu.memory_space<hbm>>) dst(%arg18 : memref<128xi32, #tpu.memory_space<vmem>>)
      %dma_wait3A_185 = arith.constant 0 : i32
      %dma_wait3A_186 = tpu.memref_slice %arg5[%add3A_67, %dma_wait3A_185] : memref<2560x128xi32, #tpu.memory_space<hbm>> -> memref<1x128xi32, #tpu.memory_space<hbm>>
      %dma_wait3A_187 = tpu.memref_squeeze %dma_wait3A_186 : memref<1x128xi32, #tpu.memory_space<hbm>> -> memref<128xi32, #tpu.memory_space<hbm>>
      %dma_wait3A_188 = arith.constant 0 : i32
      %dma_wait3A_189 = tpu.memref_slice %arg5[%add3A_67, %dma_wait3A_188] : memref<2560x128xi32, #tpu.memory_space<hbm>> -> memref<1x128xi32, #tpu.memory_space<hbm>>
      %dma_wait3A_190 = tpu.memref_squeeze %dma_wait3A_189 : memref<1x128xi32, #tpu.memory_space<hbm>> -> memref<128xi32, #tpu.memory_space<hbm>>
      tpu.wait_dma2 semaphore(%arg42 : memref<!tpu.dma_semaphore, #tpu.memory_space<semaphore_mem>>) src(%dma_wait3A_190 : memref<128xi32, #tpu.memory_space<hbm>>) dst(%arg11 : memref<128xi32, #tpu.memory_space<vmem>>)
      %dma_wait3A_191 = arith.constant 0 : i32
      %dma_wait3A_192 = tpu.memref_slice %arg6[%add3A_75, %dma_wait3A_191] : memref<2560x128xi32, #tpu.memory_space<hbm>> -> memref<1x128xi32, #tpu.memory_space<hbm>>
      %dma_wait3A_193 = tpu.memref_squeeze %dma_wait3A_192 : memref<1x128xi32, #tpu.memory_space<hbm>> -> memref<128xi32, #tpu.memory_space<hbm>>
      %dma_wait3A_194 = arith.constant 0 : i32
      %dma_wait3A_195 = tpu.memref_slice %arg6[%add3A_75, %dma_wait3A_194] : memref<2560x128xi32, #tpu.memory_space<hbm>> -> memref<1x128xi32, #tpu.memory_space<hbm>>
      %dma_wait3A_196 = tpu.memref_squeeze %dma_wait3A_195 : memref<1x128xi32, #tpu.memory_space<hbm>> -> memref<128xi32, #tpu.memory_space<hbm>>
      tpu.wait_dma2 semaphore(%arg42 : memref<!tpu.dma_semaphore, #tpu.memory_space<semaphore_mem>>) src(%dma_wait3A_196 : memref<128xi32, #tpu.memory_space<hbm>>) dst(%arg19 : memref<128xi32, #tpu.memory_space<vmem>>)
      %dma_wait3A_197 = arith.constant 0 : i32
      %dma_wait3A_198 = tpu.memref_slice %arg5[%add3A_83, %dma_wait3A_197] : memref<2560x128xi32, #tpu.memory_space<hbm>> -> memref<1x128xi32, #tpu.memory_space<hbm>>
      %dma_wait3A_199 = tpu.memref_squeeze %dma_wait3A_198 : memref<1x128xi32, #tpu.memory_space<hbm>> -> memref<128xi32, #tpu.memory_space<hbm>>
      %dma_wait3A_200 = arith.constant 0 : i32
      %dma_wait3A_201 = tpu.memref_slice %arg5[%add3A_83, %dma_wait3A_200] : memref<2560x128xi32, #tpu.memory_space<hbm>> -> memref<1x128xi32, #tpu.memory_space<hbm>>
      %dma_wait3A_202 = tpu.memref_squeeze %dma_wait3A_201 : memref<1x128xi32, #tpu.memory_space<hbm>> -> memref<128xi32, #tpu.memory_space<hbm>>
      tpu.wait_dma2 semaphore(%arg42 : memref<!tpu.dma_semaphore, #tpu.memory_space<semaphore_mem>>) src(%dma_wait3A_202 : memref<128xi32, #tpu.memory_space<hbm>>) dst(%arg12 : memref<128xi32, #tpu.memory_space<vmem>>)
      %dma_wait3A_203 = arith.constant 0 : i32
      %dma_wait3A_204 = tpu.memref_slice %arg6[%add3A_91, %dma_wait3A_203] : memref<2560x128xi32, #tpu.memory_space<hbm>> -> memref<1x128xi32, #tpu.memory_space<hbm>>
      %dma_wait3A_205 = tpu.memref_squeeze %dma_wait3A_204 : memref<1x128xi32, #tpu.memory_space<hbm>> -> memref<128xi32, #tpu.memory_space<hbm>>
      %dma_wait3A_206 = arith.constant 0 : i32
      %dma_wait3A_207 = tpu.memref_slice %arg6[%add3A_91, %dma_wait3A_206] : memref<2560x128xi32, #tpu.memory_space<hbm>> -> memref<1x128xi32, #tpu.memory_space<hbm>>
      %dma_wait3A_208 = tpu.memref_squeeze %dma_wait3A_207 : memref<1x128xi32, #tpu.memory_space<hbm>> -> memref<128xi32, #tpu.memory_space<hbm>>
      tpu.wait_dma2 semaphore(%arg42 : memref<!tpu.dma_semaphore, #tpu.memory_space<semaphore_mem>>) src(%dma_wait3A_208 : memref<128xi32, #tpu.memory_space<hbm>>) dst(%arg20 : memref<128xi32, #tpu.memory_space<vmem>>)
      %dma_wait3A_209 = arith.constant 0 : i32
      %dma_wait3A_210 = tpu.memref_slice %arg5[%add3A_99, %dma_wait3A_209] : memref<2560x128xi32, #tpu.memory_space<hbm>> -> memref<1x128xi32, #tpu.memory_space<hbm>>
      %dma_wait3A_211 = tpu.memref_squeeze %dma_wait3A_210 : memref<1x128xi32, #tpu.memory_space<hbm>> -> memref<128xi32, #tpu.memory_space<hbm>>
      %dma_wait3A_212 = arith.constant 0 : i32
      %dma_wait3A_213 = tpu.memref_slice %arg5[%add3A_99, %dma_wait3A_212] : memref<2560x128xi32, #tpu.memory_space<hbm>> -> memref<1x128xi32, #tpu.memory_space<hbm>>
      %dma_wait3A_214 = tpu.memref_squeeze %dma_wait3A_213 : memref<1x128xi32, #tpu.memory_space<hbm>> -> memref<128xi32, #tpu.memory_space<hbm>>
      tpu.wait_dma2 semaphore(%arg42 : memref<!tpu.dma_semaphore, #tpu.memory_space<semaphore_mem>>) src(%dma_wait3A_214 : memref<128xi32, #tpu.memory_space<hbm>>) dst(%arg13 : memref<128xi32, #tpu.memory_space<vmem>>)
      %dma_wait3A_215 = arith.constant 0 : i32
      %dma_wait3A_216 = tpu.memref_slice %arg6[%add3A_107, %dma_wait3A_215] : memref<2560x128xi32, #tpu.memory_space<hbm>> -> memref<1x128xi32, #tpu.memory_space<hbm>>
      %dma_wait3A_217 = tpu.memref_squeeze %dma_wait3A_216 : memref<1x128xi32, #tpu.memory_space<hbm>> -> memref<128xi32, #tpu.memory_space<hbm>>
      %dma_wait3A_218 = arith.constant 0 : i32
      %dma_wait3A_219 = tpu.memref_slice %arg6[%add3A_107, %dma_wait3A_218] : memref<2560x128xi32, #tpu.memory_space<hbm>> -> memref<1x128xi32, #tpu.memory_space<hbm>>
      %dma_wait3A_220 = tpu.memref_squeeze %dma_wait3A_219 : memref<1x128xi32, #tpu.memory_space<hbm>> -> memref<128xi32, #tpu.memory_space<hbm>>
      tpu.wait_dma2 semaphore(%arg42 : memref<!tpu.dma_semaphore, #tpu.memory_space<semaphore_mem>>) src(%dma_wait3A_220 : memref<128xi32, #tpu.memory_space<hbm>>) dst(%arg21 : memref<128xi32, #tpu.memory_space<vmem>>)
      %dma_wait3A_221 = arith.constant 0 : i32
      %dma_wait3A_222 = tpu.memref_slice %arg5[%add3A_115, %dma_wait3A_221] : memref<2560x128xi32, #tpu.memory_space<hbm>> -> memref<1x128xi32, #tpu.memory_space<hbm>>
      %dma_wait3A_223 = tpu.memref_squeeze %dma_wait3A_222 : memref<1x128xi32, #tpu.memory_space<hbm>> -> memref<128xi32, #tpu.memory_space<hbm>>
      %dma_wait3A_224 = arith.constant 0 : i32
      %dma_wait3A_225 = tpu.memref_slice %arg5[%add3A_115, %dma_wait3A_224] : memref<2560x128xi32, #tpu.memory_space<hbm>> -> memref<1x128xi32, #tpu.memory_space<hbm>>
      %dma_wait3A_226 = tpu.memref_squeeze %dma_wait3A_225 : memref<1x128xi32, #tpu.memory_space<hbm>> -> memref<128xi32, #tpu.memory_space<hbm>>
      tpu.wait_dma2 semaphore(%arg42 : memref<!tpu.dma_semaphore, #tpu.memory_space<semaphore_mem>>) src(%dma_wait3A_226 : memref<128xi32, #tpu.memory_space<hbm>>) dst(%arg14 : memref<128xi32, #tpu.memory_space<vmem>>)
      %dma_wait3A_227 = arith.constant 0 : i32
      %dma_wait3A_228 = tpu.memref_slice %arg6[%add3A_123, %dma_wait3A_227] : memref<2560x128xi32, #tpu.memory_space<hbm>> -> memref<1x128xi32, #tpu.memory_space<hbm>>
      %dma_wait3A_229 = tpu.memref_squeeze %dma_wait3A_228 : memref<1x128xi32, #tpu.memory_space<hbm>> -> memref<128xi32, #tpu.memory_space<hbm>>
      %dma_wait3A_230 = arith.constant 0 : i32
      %dma_wait3A_231 = tpu.memref_slice %arg6[%add3A_123, %dma_wait3A_230] : memref<2560x128xi32, #tpu.memory_space<hbm>> -> memref<1x128xi32, #tpu.memory_space<hbm>>
      %dma_wait3A_232 = tpu.memref_squeeze %dma_wait3A_231 : memref<1x128xi32, #tpu.memory_space<hbm>> -> memref<128xi32, #tpu.memory_space<hbm>>
      tpu.wait_dma2 semaphore(%arg42 : memref<!tpu.dma_semaphore, #tpu.memory_space<semaphore_mem>>) src(%dma_wait3A_232 : memref<128xi32, #tpu.memory_space<hbm>>) dst(%arg22 : memref<128xi32, #tpu.memory_space<vmem>>)
      %dma_wait3A_233 = arith.constant 0 : i32
      %dma_wait3A_234 = tpu.memref_slice %arg5[%add3A_131, %dma_wait3A_233] : memref<2560x128xi32, #tpu.memory_space<hbm>> -> memref<1x128xi32, #tpu.memory_space<hbm>>
      %dma_wait3A_235 = tpu.memref_squeeze %dma_wait3A_234 : memref<1x128xi32, #tpu.memory_space<hbm>> -> memref<128xi32, #tpu.memory_space<hbm>>
      %dma_wait3A_236 = arith.constant 0 : i32
      %dma_wait3A_237 = tpu.memref_slice %arg5[%add3A_131, %dma_wait3A_236] : memref<2560x128xi32, #tpu.memory_space<hbm>> -> memref<1x128xi32, #tpu.memory_space<hbm>>
      %dma_wait3A_238 = tpu.memref_squeeze %dma_wait3A_237 : memref<1x128xi32, #tpu.memory_space<hbm>> -> memref<128xi32, #tpu.memory_space<hbm>>
      tpu.wait_dma2 semaphore(%arg42 : memref<!tpu.dma_semaphore, #tpu.memory_space<semaphore_mem>>) src(%dma_wait3A_238 : memref<128xi32, #tpu.memory_space<hbm>>) dst(%arg15 : memref<128xi32, #tpu.memory_space<vmem>>)
      %dma_wait3A_239 = arith.constant 0 : i32
      %dma_wait3A_240 = tpu.memref_slice %arg6[%add3A_139, %dma_wait3A_239] : memref<2560x128xi32, #tpu.memory_space<hbm>> -> memref<1x128xi32, #tpu.memory_space<hbm>>
      %dma_wait3A_241 = tpu.memref_squeeze %dma_wait3A_240 : memref<1x128xi32, #tpu.memory_space<hbm>> -> memref<128xi32, #tpu.memory_space<hbm>>
      %dma_wait3A_242 = arith.constant 0 : i32
      %dma_wait3A_243 = tpu.memref_slice %arg6[%add3A_139, %dma_wait3A_242] : memref<2560x128xi32, #tpu.memory_space<hbm>> -> memref<1x128xi32, #tpu.memory_space<hbm>>
      %dma_wait3A_244 = tpu.memref_squeeze %dma_wait3A_243 : memref<1x128xi32, #tpu.memory_space<hbm>> -> memref<128xi32, #tpu.memory_space<hbm>>
      tpu.wait_dma2 semaphore(%arg42 : memref<!tpu.dma_semaphore, #tpu.memory_space<semaphore_mem>>) src(%dma_wait3A_244 : memref<128xi32, #tpu.memory_space<hbm>>) dst(%arg23 : memref<128xi32, #tpu.memory_space<vmem>>)
      %dma_wait3A_245 = arith.constant 0 : i32
      %dma_wait3A_246 = tpu.memref_slice %arg5[%add3A_147, %dma_wait3A_245] : memref<2560x128xi32, #tpu.memory_space<hbm>> -> memref<1x128xi32, #tpu.memory_space<hbm>>
      %dma_wait3A_247 = tpu.memref_squeeze %dma_wait3A_246 : memref<1x128xi32, #tpu.memory_space<hbm>> -> memref<128xi32, #tpu.memory_space<hbm>>
      %dma_wait3A_248 = arith.constant 0 : i32
      %dma_wait3A_249 = tpu.memref_slice %arg5[%add3A_147, %dma_wait3A_248] : memref<2560x128xi32, #tpu.memory_space<hbm>> -> memref<1x128xi32, #tpu.memory_space<hbm>>
      %dma_wait3A_250 = tpu.memref_squeeze %dma_wait3A_249 : memref<1x128xi32, #tpu.memory_space<hbm>> -> memref<128xi32, #tpu.memory_space<hbm>>
      tpu.wait_dma2 semaphore(%arg42 : memref<!tpu.dma_semaphore, #tpu.memory_space<semaphore_mem>>) src(%dma_wait3A_250 : memref<128xi32, #tpu.memory_space<hbm>>) dst(%arg16 : memref<128xi32, #tpu.memory_space<vmem>>)
      %dma_wait3A_251 = arith.constant 0 : i32
      %dma_wait3A_252 = tpu.memref_slice %arg6[%add3A_155, %dma_wait3A_251] : memref<2560x128xi32, #tpu.memory_space<hbm>> -> memref<1x128xi32, #tpu.memory_space<hbm>>
      %dma_wait3A_253 = tpu.memref_squeeze %dma_wait3A_252 : memref<1x128xi32, #tpu.memory_space<hbm>> -> memref<128xi32, #tpu.memory_space<hbm>>
      %dma_wait3A_254 = arith.constant 0 : i32
      %dma_wait3A_255 = tpu.memref_slice %arg6[%add3A_155, %dma_wait3A_254] : memref<2560x128xi32, #tpu.memory_space<hbm>> -> memref<1x128xi32, #tpu.memory_space<hbm>>
      %dma_wait3A_256 = tpu.memref_squeeze %dma_wait3A_255 : memref<1x128xi32, #tpu.memory_space<hbm>> -> memref<128xi32, #tpu.memory_space<hbm>>
      tpu.wait_dma2 semaphore(%arg42 : memref<!tpu.dma_semaphore, #tpu.memory_space<semaphore_mem>>) src(%dma_wait3A_256 : memref<128xi32, #tpu.memory_space<hbm>>) dst(%arg24 : memref<128xi32, #tpu.memory_space<vmem>>)
      %dma_start3A_257 = arith.constant 0 : i32
      %dma_start3A_258 = arith.constant 0 : i32
      %dma_start3A_259 = tpu.memref_slice %arg41[%dma_start3A_257, %dma_start3A_258] : memref<10000x16xf32, #tpu.memory_space<vmem_shared>> -> memref<10000x16xf32, #tpu.memory_space<vmem_shared>>
      tpu.enqueue_indirect_dma source(%dma_start3A_259 : memref<10000x16xf32, #tpu.memory_space<vmem_shared>>) target(%arg25 : memref<128x16xf32, #tpu.memory_space<vmem>>) offsets(%arg9 : memref<128xi32, #tpu.memory_space<vmem>>) semaphore(%arg43 : memref<!tpu.dma_semaphore, #tpu.memory_space<semaphore_mem>>)
      %dma_start3A_260 = arith.constant 0 : i32
      %dma_start3A_261 = arith.constant 0 : i32
      %dma_start3A_262 = tpu.memref_slice %arg41[%dma_start3A_260, %dma_start3A_261] : memref<10000x16xf32, #tpu.memory_space<vmem_shared>> -> memref<10000x16xf32, #tpu.memory_space<vmem_shared>>
      tpu.enqueue_indirect_dma source(%dma_start3A_262 : memref<10000x16xf32, #tpu.memory_space<vmem_shared>>) target(%arg26 : memref<128x16xf32, #tpu.memory_space<vmem>>) offsets(%arg10 : memref<128xi32, #tpu.memory_space<vmem>>) semaphore(%arg43 : memref<!tpu.dma_semaphore, #tpu.memory_space<semaphore_mem>>)
      %dma_start3A_263 = arith.constant 0 : i32
      %dma_start3A_264 = arith.constant 0 : i32
      %dma_start3A_265 = tpu.memref_slice %arg41[%dma_start3A_263, %dma_start3A_264] : memref<10000x16xf32, #tpu.memory_space<vmem_shared>> -> memref<10000x16xf32, #tpu.memory_space<vmem_shared>>
      tpu.enqueue_indirect_dma source(%dma_start3A_265 : memref<10000x16xf32, #tpu.memory_space<vmem_shared>>) target(%arg27 : memref<128x16xf32, #tpu.memory_space<vmem>>) offsets(%arg11 : memref<128xi32, #tpu.memory_space<vmem>>) semaphore(%arg43 : memref<!tpu.dma_semaphore, #tpu.memory_space<semaphore_mem>>)
      %dma_start3A_266 = arith.constant 0 : i32
      %dma_start3A_267 = arith.constant 0 : i32
      %dma_start3A_268 = tpu.memref_slice %arg41[%dma_start3A_266, %dma_start3A_267] : memref<10000x16xf32, #tpu.memory_space<vmem_shared>> -> memref<10000x16xf32, #tpu.memory_space<vmem_shared>>
      tpu.enqueue_indirect_dma source(%dma_start3A_268 : memref<10000x16xf32, #tpu.memory_space<vmem_shared>>) target(%arg28 : memref<128x16xf32, #tpu.memory_space<vmem>>) offsets(%arg12 : memref<128xi32, #tpu.memory_space<vmem>>) semaphore(%arg43 : memref<!tpu.dma_semaphore, #tpu.memory_space<semaphore_mem>>)
      %dma_start3A_269 = arith.constant 0 : i32
      %dma_start3A_270 = arith.constant 0 : i32
      %dma_start3A_271 = tpu.memref_slice %arg41[%dma_start3A_269, %dma_start3A_270] : memref<10000x16xf32, #tpu.memory_space<vmem_shared>> -> memref<10000x16xf32, #tpu.memory_space<vmem_shared>>
      tpu.enqueue_indirect_dma source(%dma_start3A_271 : memref<10000x16xf32, #tpu.memory_space<vmem_shared>>) target(%arg29 : memref<128x16xf32, #tpu.memory_space<vmem>>) offsets(%arg13 : memref<128xi32, #tpu.memory_space<vmem>>) semaphore(%arg43 : memref<!tpu.dma_semaphore, #tpu.memory_space<semaphore_mem>>)
      %dma_start3A_272 = arith.constant 0 : i32
      %dma_start3A_273 = arith.constant 0 : i32
      %dma_start3A_274 = tpu.memref_slice %arg41[%dma_start3A_272, %dma_start3A_273] : memref<10000x16xf32, #tpu.memory_space<vmem_shared>> -> memref<10000x16xf32, #tpu.memory_space<vmem_shared>>
      tpu.enqueue_indirect_dma source(%dma_start3A_274 : memref<10000x16xf32, #tpu.memory_space<vmem_shared>>) target(%arg30 : memref<128x16xf32, #tpu.memory_space<vmem>>) offsets(%arg14 : memref<128xi32, #tpu.memory_space<vmem>>) semaphore(%arg43 : memref<!tpu.dma_semaphore, #tpu.memory_space<semaphore_mem>>)
      %dma_start3A_275 = arith.constant 0 : i32
      %dma_start3A_276 = arith.constant 0 : i32
      %dma_start3A_277 = tpu.memref_slice %arg41[%dma_start3A_275, %dma_start3A_276] : memref<10000x16xf32, #tpu.memory_space<vmem_shared>> -> memref<10000x16xf32, #tpu.memory_space<vmem_shared>>
      tpu.enqueue_indirect_dma source(%dma_start3A_277 : memref<10000x16xf32, #tpu.memory_space<vmem_shared>>) target(%arg31 : memref<128x16xf32, #tpu.memory_space<vmem>>) offsets(%arg15 : memref<128xi32, #tpu.memory_space<vmem>>) semaphore(%arg43 : memref<!tpu.dma_semaphore, #tpu.memory_space<semaphore_mem>>)
      %dma_start3A_278 = arith.constant 0 : i32
      %dma_start3A_279 = arith.constant 0 : i32
      %dma_start3A_280 = tpu.memref_slice %arg41[%dma_start3A_278, %dma_start3A_279] : memref<10000x16xf32, #tpu.memory_space<vmem_shared>> -> memref<10000x16xf32, #tpu.memory_space<vmem_shared>>
      tpu.enqueue_indirect_dma source(%dma_start3A_280 : memref<10000x16xf32, #tpu.memory_space<vmem_shared>>) target(%arg32 : memref<128x16xf32, #tpu.memory_space<vmem>>) offsets(%arg16 : memref<128xi32, #tpu.memory_space<vmem>>) semaphore(%arg43 : memref<!tpu.dma_semaphore, #tpu.memory_space<semaphore_mem>>)
      %dma_wait3A_281 = arith.constant 0 : i32
      %dma_wait3A_282 = arith.constant 0 : i32
      %dma_wait3A_283 = tpu.memref_slice %arg41[%dma_wait3A_281, %dma_wait3A_282] : memref<10000x16xf32, #tpu.memory_space<vmem_shared>> -> memref<10000x16xf32, #tpu.memory_space<vmem_shared>>
      tpu.wait_indirect_dma semaphore(%arg43 : memref<!tpu.dma_semaphore, #tpu.memory_space<semaphore_mem>>) src(%dma_wait3A_283 : memref<10000x16xf32, #tpu.memory_space<vmem_shared>>) dst(%arg25 : memref<128x16xf32, #tpu.memory_space<vmem>>)
      %dma_wait3A_284 = arith.constant 0 : i32
      %dma_wait3A_285 = arith.constant 0 : i32
      %dma_wait3A_286 = tpu.memref_slice %arg41[%dma_wait3A_284, %dma_wait3A_285] : memref<10000x16xf32, #tpu.memory_space<vmem_shared>> -> memref<10000x16xf32, #tpu.memory_space<vmem_shared>>
      tpu.wait_indirect_dma semaphore(%arg43 : memref<!tpu.dma_semaphore, #tpu.memory_space<semaphore_mem>>) src(%dma_wait3A_286 : memref<10000x16xf32, #tpu.memory_space<vmem_shared>>) dst(%arg26 : memref<128x16xf32, #tpu.memory_space<vmem>>)
      %dma_wait3A_287 = arith.constant 0 : i32
      %dma_wait3A_288 = arith.constant 0 : i32
      %dma_wait3A_289 = tpu.memref_slice %arg41[%dma_wait3A_287, %dma_wait3A_288] : memref<10000x16xf32, #tpu.memory_space<vmem_shared>> -> memref<10000x16xf32, #tpu.memory_space<vmem_shared>>
      tpu.wait_indirect_dma semaphore(%arg43 : memref<!tpu.dma_semaphore, #tpu.memory_space<semaphore_mem>>) src(%dma_wait3A_289 : memref<10000x16xf32, #tpu.memory_space<vmem_shared>>) dst(%arg27 : memref<128x16xf32, #tpu.memory_space<vmem>>)
      %dma_wait3A_290 = arith.constant 0 : i32
      %dma_wait3A_291 = arith.constant 0 : i32
      %dma_wait3A_292 = tpu.memref_slice %arg41[%dma_wait3A_290, %dma_wait3A_291] : memref<10000x16xf32, #tpu.memory_space<vmem_shared>> -> memref<10000x16xf32, #tpu.memory_space<vmem_shared>>
      tpu.wait_indirect_dma semaphore(%arg43 : memref<!tpu.dma_semaphore, #tpu.memory_space<semaphore_mem>>) src(%dma_wait3A_292 : memref<10000x16xf32, #tpu.memory_space<vmem_shared>>) dst(%arg28 : memref<128x16xf32, #tpu.memory_space<vmem>>)
      %dma_wait3A_293 = arith.constant 0 : i32
      %dma_wait3A_294 = arith.constant 0 : i32
      %dma_wait3A_295 = tpu.memref_slice %arg41[%dma_wait3A_293, %dma_wait3A_294] : memref<10000x16xf32, #tpu.memory_space<vmem_shared>> -> memref<10000x16xf32, #tpu.memory_space<vmem_shared>>
      tpu.wait_indirect_dma semaphore(%arg43 : memref<!tpu.dma_semaphore, #tpu.memory_space<semaphore_mem>>) src(%dma_wait3A_295 : memref<10000x16xf32, #tpu.memory_space<vmem_shared>>) dst(%arg29 : memref<128x16xf32, #tpu.memory_space<vmem>>)
      %dma_wait3A_296 = arith.constant 0 : i32
      %dma_wait3A_297 = arith.constant 0 : i32
      %dma_wait3A_298 = tpu.memref_slice %arg41[%dma_wait3A_296, %dma_wait3A_297] : memref<10000x16xf32, #tpu.memory_space<vmem_shared>> -> memref<10000x16xf32, #tpu.memory_space<vmem_shared>>
      tpu.wait_indirect_dma semaphore(%arg43 : memref<!tpu.dma_semaphore, #tpu.memory_space<semaphore_mem>>) src(%dma_wait3A_298 : memref<10000x16xf32, #tpu.memory_space<vmem_shared>>) dst(%arg30 : memref<128x16xf32, #tpu.memory_space<vmem>>)
      %dma_wait3A_299 = arith.constant 0 : i32
      %dma_wait3A_300 = arith.constant 0 : i32
      %dma_wait3A_301 = tpu.memref_slice %arg41[%dma_wait3A_299, %dma_wait3A_300] : memref<10000x16xf32, #tpu.memory_space<vmem_shared>> -> memref<10000x16xf32, #tpu.memory_space<vmem_shared>>
      tpu.wait_indirect_dma semaphore(%arg43 : memref<!tpu.dma_semaphore, #tpu.memory_space<semaphore_mem>>) src(%dma_wait3A_301 : memref<10000x16xf32, #tpu.memory_space<vmem_shared>>) dst(%arg31 : memref<128x16xf32, #tpu.memory_space<vmem>>)
      %dma_wait3A_302 = arith.constant 0 : i32
      %dma_wait3A_303 = arith.constant 0 : i32
      %dma_wait3A_304 = tpu.memref_slice %arg41[%dma_wait3A_302, %dma_wait3A_303] : memref<10000x16xf32, #tpu.memory_space<vmem_shared>> -> memref<10000x16xf32, #tpu.memory_space<vmem_shared>>
      tpu.wait_indirect_dma semaphore(%arg43 : memref<!tpu.dma_semaphore, #tpu.memory_space<semaphore_mem>>) src(%dma_wait3A_304 : memref<10000x16xf32, #tpu.memory_space<vmem_shared>>) dst(%arg32 : memref<128x16xf32, #tpu.memory_space<vmem>>)
      %dma_start3A_305 = arith.constant 0 : i32
      %dma_start3A_306 = arith.constant 0 : i32
      %dma_start3A_307 = tpu.memref_slice %arg40[%dma_start3A_305, %dma_start3A_306] : memref<10240x16xf32, #tpu.memory_space<vmem_shared>> -> memref<10240x16xf32, #tpu.memory_space<vmem_shared>>
      tpu.enqueue_indirect_dma source(%arg25 : memref<128x16xf32, #tpu.memory_space<vmem>>) target(%dma_start3A_307 : memref<10240x16xf32, #tpu.memory_space<vmem_shared>>) offsets(%arg17 : memref<128xi32, #tpu.memory_space<vmem>>) semaphore(%arg44 : memref<!tpu.dma_semaphore, #tpu.memory_space<semaphore_mem>>) {add = true}
      %dma_start3A_308 = arith.constant 0 : i32
      %dma_start3A_309 = arith.constant 0 : i32
      %dma_start3A_310 = tpu.memref_slice %arg40[%dma_start3A_308, %dma_start3A_309] : memref<10240x16xf32, #tpu.memory_space<vmem_shared>> -> memref<10240x16xf32, #tpu.memory_space<vmem_shared>>
      tpu.enqueue_indirect_dma source(%arg26 : memref<128x16xf32, #tpu.memory_space<vmem>>) target(%dma_start3A_310 : memref<10240x16xf32, #tpu.memory_space<vmem_shared>>) offsets(%arg18 : memref<128xi32, #tpu.memory_space<vmem>>) semaphore(%arg44 : memref<!tpu.dma_semaphore, #tpu.memory_space<semaphore_mem>>) {add = true}
      %dma_start3A_311 = arith.constant 0 : i32
      %dma_start3A_312 = arith.constant 0 : i32
      %dma_start3A_313 = tpu.memref_slice %arg40[%dma_start3A_311, %dma_start3A_312] : memref<10240x16xf32, #tpu.memory_space<vmem_shared>> -> memref<10240x16xf32, #tpu.memory_space<vmem_shared>>
      tpu.enqueue_indirect_dma source(%arg27 : memref<128x16xf32, #tpu.memory_space<vmem>>) target(%dma_start3A_313 : memref<10240x16xf32, #tpu.memory_space<vmem_shared>>) offsets(%arg19 : memref<128xi32, #tpu.memory_space<vmem>>) semaphore(%arg44 : memref<!tpu.dma_semaphore, #tpu.memory_space<semaphore_mem>>) {add = true}
      %dma_start3A_314 = arith.constant 0 : i32
      %dma_start3A_315 = arith.constant 0 : i32
      %dma_start3A_316 = tpu.memref_slice %arg40[%dma_start3A_314, %dma_start3A_315] : memref<10240x16xf32, #tpu.memory_space<vmem_shared>> -> memref<10240x16xf32, #tpu.memory_space<vmem_shared>>
      tpu.enqueue_indirect_dma source(%arg28 : memref<128x16xf32, #tpu.memory_space<vmem>>) target(%dma_start3A_316 : memref<10240x16xf32, #tpu.memory_space<vmem_shared>>) offsets(%arg20 : memref<128xi32, #tpu.memory_space<vmem>>) semaphore(%arg44 : memref<!tpu.dma_semaphore, #tpu.memory_space<semaphore_mem>>) {add = true}
      %dma_start3A_317 = arith.constant 0 : i32
      %dma_start3A_318 = arith.constant 0 : i32
      %dma_start3A_319 = tpu.memref_slice %arg40[%dma_start3A_317, %dma_start3A_318] : memref<10240x16xf32, #tpu.memory_space<vmem_shared>> -> memref<10240x16xf32, #tpu.memory_space<vmem_shared>>
      tpu.enqueue_indirect_dma source(%arg29 : memref<128x16xf32, #tpu.memory_space<vmem>>) target(%dma_start3A_319 : memref<10240x16xf32, #tpu.memory_space<vmem_shared>>) offsets(%arg21 : memref<128xi32, #tpu.memory_space<vmem>>) semaphore(%arg44 : memref<!tpu.dma_semaphore, #tpu.memory_space<semaphore_mem>>) {add = true}
      %dma_start3A_320 = arith.constant 0 : i32
      %dma_start3A_321 = arith.constant 0 : i32
      %dma_start3A_322 = tpu.memref_slice %arg40[%dma_start3A_320, %dma_start3A_321] : memref<10240x16xf32, #tpu.memory_space<vmem_shared>> -> memref<10240x16xf32, #tpu.memory_space<vmem_shared>>
      tpu.enqueue_indirect_dma source(%arg30 : memref<128x16xf32, #tpu.memory_space<vmem>>) target(%dma_start3A_322 : memref<10240x16xf32, #tpu.memory_space<vmem_shared>>) offsets(%arg22 : memref<128xi32, #tpu.memory_space<vmem>>) semaphore(%arg44 : memref<!tpu.dma_semaphore, #tpu.memory_space<semaphore_mem>>) {add = true}
      %dma_start3A_323 = arith.constant 0 : i32
      %dma_start3A_324 = arith.constant 0 : i32
      %dma_start3A_325 = tpu.memref_slice %arg40[%dma_start3A_323, %dma_start3A_324] : memref<10240x16xf32, #tpu.memory_space<vmem_shared>> -> memref<10240x16xf32, #tpu.memory_space<vmem_shared>>
      tpu.enqueue_indirect_dma source(%arg31 : memref<128x16xf32, #tpu.memory_space<vmem>>) target(%dma_start3A_325 : memref<10240x16xf32, #tpu.memory_space<vmem_shared>>) offsets(%arg23 : memref<128xi32, #tpu.memory_space<vmem>>) semaphore(%arg44 : memref<!tpu.dma_semaphore, #tpu.memory_space<semaphore_mem>>) {add = true}
      %dma_start3A_326 = arith.constant 0 : i32
      %dma_start3A_327 = arith.constant 0 : i32
      %dma_start3A_328 = tpu.memref_slice %arg40[%dma_start3A_326, %dma_start3A_327] : memref<10240x16xf32, #tpu.memory_space<vmem_shared>> -> memref<10240x16xf32, #tpu.memory_space<vmem_shared>>
      tpu.enqueue_indirect_dma source(%arg32 : memref<128x16xf32, #tpu.memory_space<vmem>>) target(%dma_start3A_328 : memref<10240x16xf32, #tpu.memory_space<vmem_shared>>) offsets(%arg24 : memref<128xi32, #tpu.memory_space<vmem>>) semaphore(%arg44 : memref<!tpu.dma_semaphore, #tpu.memory_space<semaphore_mem>>) {add = true}
      %dma_wait3A_329 = arith.constant 0 : i32
      %dma_wait3A_330 = arith.constant 0 : i32
      %dma_wait3A_331 = tpu.memref_slice %arg40[%dma_wait3A_329, %dma_wait3A_330] : memref<10240x16xf32, #tpu.memory_space<vmem_shared>> -> memref<10240x16xf32, #tpu.memory_space<vmem_shared>>
      tpu.wait_indirect_dma semaphore(%arg44 : memref<!tpu.dma_semaphore, #tpu.memory_space<semaphore_mem>>) src(%arg25 : memref<128x16xf32, #tpu.memory_space<vmem>>) dst(%dma_wait3A_331 : memref<10240x16xf32, #tpu.memory_space<vmem_shared>>)
      %dma_wait3A_332 = arith.constant 0 : i32
      %dma_wait3A_333 = arith.constant 0 : i32
      %dma_wait3A_334 = tpu.memref_slice %arg40[%dma_wait3A_332, %dma_wait3A_333] : memref<10240x16xf32, #tpu.memory_space<vmem_shared>> -> memref<10240x16xf32, #tpu.memory_space<vmem_shared>>
      tpu.wait_indirect_dma semaphore(%arg44 : memref<!tpu.dma_semaphore, #tpu.memory_space<semaphore_mem>>) src(%arg26 : memref<128x16xf32, #tpu.memory_space<vmem>>) dst(%dma_wait3A_334 : memref<10240x16xf32, #tpu.memory_space<vmem_shared>>)
      %dma_wait3A_335 = arith.constant 0 : i32
      %dma_wait3A_336 = arith.constant 0 : i32
      %dma_wait3A_337 = tpu.memref_slice %arg40[%dma_wait3A_335, %dma_wait3A_336] : memref<10240x16xf32, #tpu.memory_space<vmem_shared>> -> memref<10240x16xf32, #tpu.memory_space<vmem_shared>>
      tpu.wait_indirect_dma semaphore(%arg44 : memref<!tpu.dma_semaphore, #tpu.memory_space<semaphore_mem>>) src(%arg27 : memref<128x16xf32, #tpu.memory_space<vmem>>) dst(%dma_wait3A_337 : memref<10240x16xf32, #tpu.memory_space<vmem_shared>>)
      %dma_wait3A_338 = arith.constant 0 : i32
      %dma_wait3A_339 = arith.constant 0 : i32
      %dma_wait3A_340 = tpu.memref_slice %arg40[%dma_wait3A_338, %dma_wait3A_339] : memref<10240x16xf32, #tpu.memory_space<vmem_shared>> -> memref<10240x16xf32, #tpu.memory_space<vmem_shared>>
      tpu.wait_indirect_dma semaphore(%arg44 : memref<!tpu.dma_semaphore, #tpu.memory_space<semaphore_mem>>) src(%arg28 : memref<128x16xf32, #tpu.memory_space<vmem>>) dst(%dma_wait3A_340 : memref<10240x16xf32, #tpu.memory_space<vmem_shared>>)
      %dma_wait3A_341 = arith.constant 0 : i32
      %dma_wait3A_342 = arith.constant 0 : i32
      %dma_wait3A_343 = tpu.memref_slice %arg40[%dma_wait3A_341, %dma_wait3A_342] : memref<10240x16xf32, #tpu.memory_space<vmem_shared>> -> memref<10240x16xf32, #tpu.memory_space<vmem_shared>>
      tpu.wait_indirect_dma semaphore(%arg44 : memref<!tpu.dma_semaphore, #tpu.memory_space<semaphore_mem>>) src(%arg29 : memref<128x16xf32, #tpu.memory_space<vmem>>) dst(%dma_wait3A_343 : memref<10240x16xf32, #tpu.memory_space<vmem_shared>>)
      %dma_wait3A_344 = arith.constant 0 : i32
      %dma_wait3A_345 = arith.constant 0 : i32
      %dma_wait3A_346 = tpu.memref_slice %arg40[%dma_wait3A_344, %dma_wait3A_345] : memref<10240x16xf32, #tpu.memory_space<vmem_shared>> -> memref<10240x16xf32, #tpu.memory_space<vmem_shared>>
      tpu.wait_indirect_dma semaphore(%arg44 : memref<!tpu.dma_semaphore, #tpu.memory_space<semaphore_mem>>) src(%arg30 : memref<128x16xf32, #tpu.memory_space<vmem>>) dst(%dma_wait3A_346 : memref<10240x16xf32, #tpu.memory_space<vmem_shared>>)
      %dma_wait3A_347 = arith.constant 0 : i32
      %dma_wait3A_348 = arith.constant 0 : i32
      %dma_wait3A_349 = tpu.memref_slice %arg40[%dma_wait3A_347, %dma_wait3A_348] : memref<10240x16xf32, #tpu.memory_space<vmem_shared>> -> memref<10240x16xf32, #tpu.memory_space<vmem_shared>>
      tpu.wait_indirect_dma semaphore(%arg44 : memref<!tpu.dma_semaphore, #tpu.memory_space<semaphore_mem>>) src(%arg31 : memref<128x16xf32, #tpu.memory_space<vmem>>) dst(%dma_wait3A_349 : memref<10240x16xf32, #tpu.memory_space<vmem_shared>>)
      %dma_wait3A_350 = arith.constant 0 : i32
      %dma_wait3A_351 = arith.constant 0 : i32
      %dma_wait3A_352 = tpu.memref_slice %arg40[%dma_wait3A_350, %dma_wait3A_351] : memref<10240x16xf32, #tpu.memory_space<vmem_shared>> -> memref<10240x16xf32, #tpu.memory_space<vmem_shared>>
      tpu.wait_indirect_dma semaphore(%arg44 : memref<!tpu.dma_semaphore, #tpu.memory_space<semaphore_mem>>) src(%arg32 : memref<128x16xf32, #tpu.memory_space<vmem>>) dst(%dma_wait3A_352 : memref<10240x16xf32, #tpu.memory_space<vmem_shared>>)
    }
    %scan3A_22 = arith.constant 10 : i32
    %barrier3A_23 = arith.constant 0 : index
    tpu.barrier barrier_id(%barrier3A_23)
    %mul3A_24 = arith.constant 640 : i32
    %mul3A_25 = arith.muli %arg1, %mul3A_24 : i32
    %mul3A_26 = arith.constant 10240 : i32
    %mul3A_27 = arith.muli %arg0, %mul3A_26 : i32
    %mul3A_28 = arith.constant 640 : i32
    %mul3A_29 = arith.muli %arg1, %mul3A_28 : i32
    %add3A_30 = arith.addi %mul3A_27, %mul3A_29 : i32
    "tpu.region"() ({
      %run_scoped3A_31 = tpu.sem_alloc : memref<!tpu.dma_semaphore, #tpu.memory_space<semaphore_mem>>
      %dma_start3A = arith.constant 0 : i32
      %dma_start3A_32 = tpu.memref_slice %arg8[%add3A_30, %dma_start3A] : memref<40480x16xf32, #tpu.memory_space<hbm>> -> memref<640x16xf32, #tpu.memory_space<hbm>>
      %dma_start3A_33 = arith.constant 0 : i32
      %dma_start3A_34 = tpu.memref_slice %arg40[%mul3A_25, %dma_start3A_33] : memref<10240x16xf32, #tpu.memory_space<vmem_shared>> -> memref<640x16xf32, #tpu.memory_space<vmem_shared>>
      tpu.enqueue_dma source(%dma_start3A_34 : memref<640x16xf32, #tpu.memory_space<vmem_shared>>) target(%dma_start3A_32 : memref<640x16xf32, #tpu.memory_space<hbm>>) target_semaphore(%run_scoped3A_31 : memref<!tpu.dma_semaphore, #tpu.memory_space<semaphore_mem>>)
      %dma_wait3A = arith.constant 0 : i32
      %dma_wait3A_35 = tpu.memref_slice %arg8[%add3A_30, %dma_wait3A] : memref<40480x16xf32, #tpu.memory_space<hbm>> -> memref<640x16xf32, #tpu.memory_space<hbm>>
      %dma_wait3A_36 = arith.constant 0 : i32
      %dma_wait3A_37 = tpu.memref_slice %arg40[%mul3A_25, %dma_wait3A_36] : memref<10240x16xf32, #tpu.memory_space<vmem_shared>> -> memref<640x16xf32, #tpu.memory_space<vmem_shared>>
      tpu.wait_dma2 semaphore(%run_scoped3A_31 : memref<!tpu.dma_semaphore, #tpu.memory_space<semaphore_mem>>) src(%dma_wait3A_37 : memref<640x16xf32, #tpu.memory_space<vmem_shared>>) dst(%dma_wait3A_35 : memref<640x16xf32, #tpu.memory_space<hbm>>)
      tpu.yield
    }) : () -> ()
    return
  }
}

module attributes {stable_mosaic.version = 14 : i64} {
  func.func @_pre_a_body(%arg0: memref<10000x128xf32, #tpu.memory_space<vmem>>, %arg1: memref<128x16xf32, #tpu.memory_space<vmem>>, %arg2: memref<10000x16xf32, #tpu.memory_space<vmem>>) attributes {dimension_semantics = [], scalar_prefetch = 0 : i64, scratch_operands = 0 : i64, tpu.core_type = #tpu.core_type<tc>} {
    %get3A = arith.constant 0 : index
    %get3A_0 = arith.constant 0 : index
    %get3A_1 = vector.load %arg0[%get3A, %get3A_0] : memref<10000x128xf32, #tpu.memory_space<vmem>>, vector<10000x128xf32>
    %get3A_2 = arith.constant 0 : index
    %get3A_3 = arith.constant 0 : index
    %get3A_4 = vector.load %arg1[%get3A_2, %get3A_3] : memref<128x16xf32, #tpu.memory_space<vmem>>, vector<128x16xf32>
    %dot_general3A = arith.constant dense<0.000000e+00> : vector<10000x16xf32>
    %dot_general3A_5 = tpu.matmul %get3A_1, %get3A_4, %dot_general3A {dimension_numbers = #tpu.dot_dimension_numbers<[1], [0], [0], [1], [0, 0, 1, 1], [], []>, transpose_lhs_hint = false} : vector<10000x128xf32>, vector<128x16xf32>, vector<10000x16xf32> -> vector<10000x16xf32>
    %swap3A = arith.constant 0 : index
    %swap3A_6 = arith.constant 0 : index
    %swap3A_7 = vector.load %arg2[%swap3A, %swap3A_6] : memref<10000x16xf32, #tpu.memory_space<vmem>>, vector<10000x16xf32>
    tpu.vector_store %arg2[%swap3A, %swap3A_6], %dot_general3A_5 {strides = array<i32>} : memref<10000x16xf32, #tpu.memory_space<vmem>>, vector<10000x16xf32>,
    return
  }
}

module attributes {stable_mosaic.version = 14 : i64} {
  func.func @_pre_b_body(%arg0: memref<10000x128xf32, #tpu.memory_space<vmem>>, %arg1: memref<128x16xf32, #tpu.memory_space<vmem>>, %arg2: memref<1x16xf32, #tpu.memory_space<vmem>>, %arg3: memref<10000x16xf32, #tpu.memory_space<vmem>>) attributes {dimension_semantics = [], scalar_prefetch = 0 : i64, scratch_operands = 0 : i64, tpu.core_type = #tpu.core_type<tc>} {
    %get3A = arith.constant 0 : index
    %get3A_0 = arith.constant 0 : index
    %get3A_1 = vector.load %arg0[%get3A, %get3A_0] : memref<10000x128xf32, #tpu.memory_space<vmem>>, vector<10000x128xf32>
    %get3A_2 = arith.constant 0 : index
    %get3A_3 = arith.constant 0 : index
    %get3A_4 = vector.load %arg1[%get3A_2, %get3A_3] : memref<128x16xf32, #tpu.memory_space<vmem>>, vector<128x16xf32>
    %dot_general3A = arith.constant dense<0.000000e+00> : vector<10000x16xf32>
    %dot_general3A_5 = tpu.matmul %get3A_1, %get3A_4, %dot_general3A {dimension_numbers = #tpu.dot_dimension_numbers<[1], [0], [0], [1], [0, 0, 1, 1], [], []>, transpose_lhs_hint = false} : vector<10000x128xf32>, vector<128x16xf32>, vector<10000x16xf32> -> vector<10000x16xf32>
    %get3A_6 = arith.constant 0 : index
    %get3A_7 = arith.constant 0 : index
    %get3A_8 = vector.load %arg2[%get3A_6, %get3A_7] : memref<1x16xf32, #tpu.memory_space<vmem>>, vector<1x16xf32>
    %add3A = vector.broadcast %get3A_8 : vector<1x16xf32> to vector<10000x16xf32>
    %add3A_9 = arith.addf %dot_general3A_5, %add3A : vector<10000x16xf32>
    %swap3A = arith.constant 0 : index
    %swap3A_10 = arith.constant 0 : index
    %swap3A_11 = vector.load %arg3[%swap3A, %swap3A_10] : memref<10000x16xf32, #tpu.memory_space<vmem>>, vector<10000x16xf32>
    tpu.vector_store %arg3[%swap3A, %swap3A_10], %add3A_9 {strides = array<i32>} : memref<10000x16xf32, #tpu.memory_space<vmem>>, vector<10000x16xf32>,
    return
  }
}

module attributes {stable_mosaic.version = 14 : i64} {
  func.func @_post_body(%arg0: memref<5060x128xf32, #tpu.memory_space<vmem>>, %arg1: memref<128x256xf32, #tpu.memory_space<vmem>>, %arg2: memref<1x256xf32, #tpu.memory_space<vmem>>, %arg3: memref<128x256xf32, #tpu.memory_space<vmem>>, %arg4: memref<256x512xf32, #tpu.memory_space<vmem>>, %arg5: memref<1x512xf32, #tpu.memory_space<vmem>>, %arg6: memref<512x1024xf32, #tpu.memory_space<vmem>>, %arg7: memref<1x1024xf32, #tpu.memory_space<vmem>>, %arg8: memref<1024x512xf32, #tpu.memory_space<vmem>>, %arg9: memref<1x512xf32, #tpu.memory_space<vmem>>, %arg10: memref<1250x512xf32, #tpu.memory_space<vmem>>) attributes {dimension_semantics = [], scalar_prefetch = 0 : i64, scratch_operands = 0 : i64, tpu.core_type = #tpu.core_type<tc>} {
    %get3A = arith.constant 0 : index
    %get3A_0 = arith.constant 0 : index
    %get3A_1 = vector.load %arg0[%get3A, %get3A_0] : memref<5060x128xf32, #tpu.memory_space<vmem>>, vector<1250x128xf32>
    %get3A_2 = arith.constant 1280 : index
    %get3A_3 = arith.constant 0 : index
    %get3A_4 = vector.load %arg0[%get3A_2, %get3A_3] : memref<5060x128xf32, #tpu.memory_space<vmem>>, vector<1250x128xf32>
    %get3A_5 = arith.constant 2560 : index
    %get3A_6 = arith.constant 0 : index
    %get3A_7 = vector.load %arg0[%get3A_5, %get3A_6] : memref<5060x128xf32, #tpu.memory_space<vmem>>, vector<1250x128xf32>
    %get3A_8 = arith.constant 3810 : index
    %get3A_9 = arith.constant 0 : index
    %get3A_10 = vector.load %arg0[%get3A_8, %get3A_9] : memref<5060x128xf32, #tpu.memory_space<vmem>>, vector<1250x128xf32>
    %add3A = arith.addf %get3A_1, %get3A_4 : vector<1250x128xf32>
    %div3A = arith.divf %add3A, %get3A_10 : vector<1250x128xf32>
    %get3A_11 = arith.constant 0 : index
    %get3A_12 = arith.constant 0 : index
    %get3A_13 = vector.load %arg1[%get3A_11, %get3A_12] : memref<128x256xf32, #tpu.memory_space<vmem>>, vector<128x256xf32>
    %dot_general3A = arith.constant dense<0.000000e+00> : vector<1250x256xf32>
    %dot_general3A_14 = tpu.matmul %get3A_7, %get3A_13, %dot_general3A {dimension_numbers = #tpu.dot_dimension_numbers<[1], [0], [0], [1], [0, 0, 1, 1], [], []>, transpose_lhs_hint = false} : vector<1250x128xf32>, vector<128x256xf32>, vector<1250x256xf32> -> vector<1250x256xf32>
    %get3A_15 = arith.constant 0 : index
    %get3A_16 = arith.constant 0 : index
    %get3A_17 = vector.load %arg2[%get3A_15, %get3A_16] : memref<1x256xf32, #tpu.memory_space<vmem>>, vector<1x256xf32>
    %add3A_18 = vector.broadcast %get3A_17 : vector<1x256xf32> to vector<1250x256xf32>
    %add3A_19 = arith.addf %dot_general3A_14, %add3A_18 : vector<1250x256xf32>
    %get3A_20 = arith.constant 0 : index
    %get3A_21 = arith.constant 0 : index
    %get3A_22 = vector.load %arg3[%get3A_20, %get3A_21] : memref<128x256xf32, #tpu.memory_space<vmem>>, vector<128x256xf32>
    %dot_general3A_23 = arith.constant dense<0.000000e+00> : vector<1250x256xf32>
    %dot_general3A_24 = tpu.matmul %div3A, %get3A_22, %dot_general3A_23 {dimension_numbers = #tpu.dot_dimension_numbers<[1], [0], [0], [1], [0, 0, 1, 1], [], []>, transpose_lhs_hint = false} : vector<1250x128xf32>, vector<128x256xf32>, vector<1250x256xf32> -> vector<1250x256xf32>
    %add3A_25 = arith.addf %dot_general3A_24, %add3A_19 : vector<1250x256xf32>
    %max3A = arith.constant 0.000000e+00 : f32
    %max3A_26 = vector.broadcast %max3A : f32 to vector<1250x256xf32>
    %max3A_27 = arith.maximumf %add3A_25, %max3A_26 : vector<1250x256xf32>
    %get3A_28 = arith.constant 0 : index
    %get3A_29 = arith.constant 0 : index
    %get3A_30 = vector.load %arg4[%get3A_28, %get3A_29] : memref<256x512xf32, #tpu.memory_space<vmem>>, vector<256x512xf32>
    %dot_general3A_31 = arith.constant dense<0.000000e+00> : vector<1250x512xf32>
    %dot_general3A_32 = tpu.matmul %max3A_27, %get3A_30, %dot_general3A_31 {dimension_numbers = #tpu.dot_dimension_numbers<[1], [0], [0], [1], [0, 0, 1, 1], [], []>, transpose_lhs_hint = false} : vector<1250x256xf32>, vector<256x512xf32>, vector<1250x512xf32> -> vector<1250x512xf32>
    %get3A_33 = arith.constant 0 : index
    %get3A_34 = arith.constant 0 : index
    %get3A_35 = vector.load %arg5[%get3A_33, %get3A_34] : memref<1x512xf32, #tpu.memory_space<vmem>>, vector<1x512xf32>
    %add3A_36 = vector.broadcast %get3A_35 : vector<1x512xf32> to vector<1250x512xf32>
    %add3A_37 = arith.addf %dot_general3A_32, %add3A_36 : vector<1250x512xf32>
    %max3A_38 = arith.constant 0.000000e+00 : f32
    %max3A_39 = vector.broadcast %max3A_38 : f32 to vector<1250x512xf32>
    %max3A_40 = arith.maximumf %add3A_37, %max3A_39 : vector<1250x512xf32>
    %get3A_41 = arith.constant 0 : index
    %get3A_42 = arith.constant 0 : index
    %get3A_43 = vector.load %arg6[%get3A_41, %get3A_42] : memref<512x1024xf32, #tpu.memory_space<vmem>>, vector<512x1024xf32>
    %dot_general3A_44 = arith.constant dense<0.000000e+00> : vector<1250x1024xf32>
    %dot_general3A_45 = tpu.matmul %max3A_40, %get3A_43, %dot_general3A_44 {dimension_numbers = #tpu.dot_dimension_numbers<[1], [0], [0], [1], [0, 0, 1, 1], [], []>, transpose_lhs_hint = false} : vector<1250x512xf32>, vector<512x1024xf32>, vector<1250x1024xf32> -> vector<1250x1024xf32>
    %get3A_46 = arith.constant 0 : index
    %get3A_47 = arith.constant 0 : index
    %get3A_48 = vector.load %arg7[%get3A_46, %get3A_47] : memref<1x1024xf32, #tpu.memory_space<vmem>>, vector<1x1024xf32>
    %add3A_49 = vector.broadcast %get3A_48 : vector<1x1024xf32> to vector<1250x1024xf32>
    %add3A_50 = arith.addf %dot_general3A_45, %add3A_49 : vector<1250x1024xf32>
    %max3A_51 = arith.constant 0.000000e+00 : f32
    %max3A_52 = vector.broadcast %max3A_51 : f32 to vector<1250x1024xf32>
    %max3A_53 = arith.maximumf %add3A_50, %max3A_52 : vector<1250x1024xf32>
    %get3A_54 = arith.constant 0 : index
    %get3A_55 = arith.constant 0 : index
    %get3A_56 = vector.load %arg8[%get3A_54, %get3A_55] : memref<1024x512xf32, #tpu.memory_space<vmem>>, vector<1024x512xf32>
    %dot_general3A_57 = arith.constant dense<0.000000e+00> : vector<1250x512xf32>
    %dot_general3A_58 = tpu.matmul %max3A_53, %get3A_56, %dot_general3A_57 {dimension_numbers = #tpu.dot_dimension_numbers<[1], [0], [0], [1], [0, 0, 1, 1], [], []>, transpose_lhs_hint = false} : vector<1250x1024xf32>, vector<1024x512xf32>, vector<1250x512xf32> -> vector<1250x512xf32>
    %get3A_59 = arith.constant 0 : index
    %get3A_60 = arith.constant 0 : index
    %get3A_61 = vector.load %arg9[%get3A_59, %get3A_60] : memref<1x512xf32, #tpu.memory_space<vmem>>, vector<1x512xf32>
    %add3A_62 = vector.broadcast %get3A_61 : vector<1x512xf32> to vector<1250x512xf32>
    %add3A_63 = arith.addf %dot_general3A_58, %add3A_62 : vector<1250x512xf32>
    %swap3A = arith.constant 0 : index
    %swap3A_64 = arith.constant 0 : index
    %swap3A_65 = vector.load %arg10[%swap3A, %swap3A_64] : memref<1250x512xf32, #tpu.memory_space<vmem>>, vector<1250x512xf32>
    tpu.vector_store %arg10[%swap3A, %swap3A_64], %add3A_63 {strides = array<i32>} : memref<1250x512xf32, #tpu.memory_space<vmem>>, vector<1250x512xf32>,
    return
  }
}

</mosaic_0001>

<sc_bundles>
// kernel: kernel.10.cloned.1.call-start
scs
__scs_entry_jumppad:
0x0: {  	(pc) =	sbr.rel $0x88, $3  }
0x1: {  	(tag) =	ssettag $0x0;
	lr =	simm.s32 $0x1  }
0x2: {  	[smem:$0x3F93] =	sst lr;
	_ =	strace $0xD0000000  }
0x3: {  	_ = 	snop  }
0x4: {  	_ = 	snop  }
0x5: {  	_ = 	snop  }
0x6: {  	_ = 	snop  }
0x7: {  	_ = 	snop  }
__scs_overlays_trampoline_lowered:
0x8: {  	[smem:$0x3FA2] =	sst s0  }
0x9: {  	[smem:$0x3FA3] =	sst s1  }
0xa: {  	[smem:$0x3FA4] =	sst s2  }
0xb: {  	[smem:$0x3FA5] =	sst s3  }
0xc: {  	[smem:$0x3FA6] =	sst s4  }
0xd: {  	[smem:$0x3FA7] =	sst s5  }
0xe: {  	[smem:$0x3FA8] =	sst s6  }
0xf: {  	[smem:$0x3FA9] =	sst s7  }
0x10: {  	[smem:$0x3FAA] =	sst s8  }
0x11: {  	[smem:$0x3FAB] =	sst s9;
	s0 =	simm.s32 @!p0 $0x0  }
0x12: {  	s1 =	sld [smem:$0x3F91];
	s0 =	simm.s32 @p0 $0x1  }
0x13: {  	[smem:$0x3FAC] =	sst s0;
	s0 =	simm.s32 @!p1 $0x0  }
0x14: {  	s2 =	sld [smem:$0x3F90];
	s0 =	simm.s32 @p1 $0x1  }
0x15: {  	[smem:$0x3FAD] =	sst s0;
	s0 =	simm.s32 @!p2 $0x0  }
0x16: {  	s3 =	sld [smem:$0x3FDB];
	s0 =	simm.s32 @p2 $0x1  }
0x17: {  	s4 =	simm.s32 $0x1BF5;
	[smem:$0x3FAF] =	sst s0  }
0x18: {  	s0 =	sld [smem:$0x3F92];
	_ =	swait.ge [sflag:s4], $0x0  }
0x19: {  	s7 =	sld [smem:$0x3F93]  }
0x1a: {  	s8 =	sadd.s32 $0xFFFFE003, lr  }
0x1b: {  	s9 =	sadd.s32 $0xFFFFFEF7, lr;
	s5 =	simm.s32 $0xFFFFFFFF;
	p2 =	slt.u32 s8, $0xFFFFF086  }
0x1c: {  	p1 =	slt.u32 s9, $0xF7A;
	s5 =	simm.s32 @!p2 $0x0  }
0x1d: {  	s5 =	simm.s32 @p1 $0x1;
	p0 =	seq.s32 s7, s2  }
0x1e: {  	s7 =	smul.u32 @!p0 $0xF7A, s2;
	p2 =	seq.s32 @!p0 s5, $0x0  }
0x1f: {  	s9 =	smul.u32 $0xF7A, s1;
	s8 =	simm.s32 @!p0 $0x1BF5;
	p2 =	por !p2, p0  }
0x20: {  	[sflag:s8] =	ssyncset.s32 @!p0 $0xFFFFF086;
	s6 =	sadd.s32 @!p0 s3, s7;
	s7 =	simm.s32 @!p0 $0x108  }
0x21: {  	s3 =	sadd.s32 s3, s9;
	s6 =	sadd.s32 @!p0 $0x88, s6;
	s7 =	simm.s32 @p2 $0x1082  }
0x22: {  	[simem:s7], [sflag:s8] =	dma.local @!p0 [hbm:s6], $0xF7A  }
0x23: {  	s9 =	sor.u32 $0xD0000000, s2;
	s6 =	simm.s32 $0x108;
	_ =	swait.ge @!p0 [sflag:s8], $0x0  }
0x24: {  	s3 =	sadd.s32 $0x88, s3;
	s6 =	simm.s32 @!p1 $0x1082;
	[sflag:s4] =	ssyncset.s32 $0xFFFFF086  }
0x25: {  	[simem:s6], [sflag:s4] =	dma.local [hbm:s3], $0xF7A  }
0x26: {  	[smem:$0x3F93] =	sst s1;
	(tag) =	ssettag s2;
	_ =	strace s9  }
0x27: {  	s1 =	sld [smem:$0x3FA3]  }
0x28: {  	s2 =	sld [smem:$0x3FA4]  }
0x29: {  	s4 =	sld [smem:$0x3FA6]  }
0x2a: {  	p0 =	seq.s32 s5, $0x0;
	s5 =	sld [smem:$0x3FA7]  }
0x2b: {  	s6 =	sld [smem:$0x3FA8]  }
0x2c: {  	s7 =	sld [smem:$0x3FA9]  }
0x2d: {  	s3 =	simm.s32 $0x108;
	s8 =	sld [smem:$0x3FAA]  }
0x2e: {  	s3 =	simm.s32 @!p0 $0x1082;
	s9 =	sld [smem:$0x3FAB]  }
0x2f: {  	lr =	sadd.s32 s0, s3;
	s0 =	sld [smem:$0x3FA2]  }
0x30: {  	s3 =	sld [smem:$0x3FA5]  }
0x31: {  	[smem:$0x3FAE] =	sst s10  }
0x32: {  	s10 =	sld [smem:$0x3FAC];
	_ =	sdelay $0x3  }
0x33: {  	p0 =	seq.s32 s10, $0x1;
	s10 =	sld [smem:$0x3FAE];
	_ =	sdelay $0x3  }
0x34: {  	[smem:$0x3FAE] =	sst s10  }
0x35: {  	s10 =	sld [smem:$0x3FAD];
	_ =	sdelay $0x3  }
0x36: {  	p1 =	seq.s32 s10, $0x1;
	s10 =	sld [smem:$0x3FAE];
	_ =	sdelay $0x3  }
0x37: {  	[smem:$0x3FAE] =	sst s10  }
0x38: {  	s10 =	sld [smem:$0x3FAF]  }
0x39: {  	_ = 	snop;
	(pc) =	sbr.ind lr, $3  }
0x3a: {  	_ = 	snop  }
0x3b: {  	_ = 	snop  }
0x3c: {  	p2 =	seq.s32 s10, $0x1;
	s10 =	sld [smem:$0x3FAE]  }
0x3d: {  	_ =	shalt  }
0x3e: {  	_ =	shalt  }
0x3f: {  	_ =	shalt  }
0x40: {  	_ =	shalt  }
0x41: {  	_ =	shalt  }
0x42: {  	_ =	shalt  }
0x43: {  	_ =	shalt  }
0x44: {  	_ =	shalt  }
0x45: {  	_ =	shalt  }
0x46: {  	_ =	shalt  }
0x47: {  	_ =	shalt  }
0x48: {  	_ =	shalt  }
0x49: {  	_ =	shalt  }
0x4a: {  	_ =	shalt  }
0x4b: {  	_ =	shalt  }
0x4c: {  	_ =	shalt  }
0x4d: {  	_ =	shalt  }
0x4e: {  	_ =	shalt  }
0x4f: {  	_ =	shalt  }
0x50: {  	_ =	shalt  }
0x51: {  	_ =	shalt  }
0x52: {  	_ =	shalt  }
0x53: {  	_ =	shalt  }
0x54: {  	_ =	shalt  }
0x55: {  	_ =	shalt  }
0x56: {  	_ =	shalt  }
0x57: {  	_ =	shalt  }
0x58: {  	_ =	shalt  }
0x59: {  	_ =	shalt  }
0x5a: {  	_ =	shalt  }
0x5b: {  	_ =	shalt  }
0x5c: {  	_ =	shalt  }
0x5d: {  	_ =	shalt  }
0x5e: {  	_ =	shalt  }
0x5f: {  	_ =	shalt  }
0x60: {  	_ =	shalt  }
0x61: {  	_ =	shalt  }
0x62: {  	_ =	shalt  }
0x63: {  	_ =	shalt  }
0x64: {  	_ =	shalt  }
0x65: {  	_ =	shalt  }
0x66: {  	_ =	shalt  }
0x67: {  	_ =	shalt  }
0x68: {  	_ =	shalt  }
0x69: {  	_ =	shalt  }
0x6a: {  	_ =	shalt  }
0x6b: {  	_ =	shalt  }
0x6c: {  	_ =	shalt  }
0x6d: {  	_ =	shalt  }
0x6e: {  	_ =	shalt  }
0x6f: {  	_ =	shalt  }
0x70: {  	_ =	shalt  }
0x71: {  	_ =	shalt  }
0x72: {  	_ =	shalt  }
0x73: {  	_ =	shalt  }
0x74: {  	_ =	shalt  }
0x75: {  	_ =	shalt  }
0x76: {  	_ =	shalt  }
0x77: {  	_ =	shalt  }
0x78: {  	_ =	shalt  }
0x79: {  	_ =	shalt  }
0x7a: {  	_ =	shalt  }
0x7b: {  	_ =	shalt  }
0x7c: {  	_ =	shalt  }
0x7d: {  	_ =	shalt  }
0x7e: {  	_ =	shalt  }
0x7f: {  	_ =	shalt  }
0x80: {  	_ =	shalt  }
0x81: {  	_ =	shalt  }
0x82: {  	_ =	shalt  }
0x83: {  	_ =	shalt  }
0x84: {  	_ =	shalt  }
0x85: {  	_ =	shalt  }
0x86: {  	_ =	shalt  }
0x87: {  	_ =	shalt  }
.Lfunc_end0:
.L_simem_size_0:
called_computation.1_lowered:
.L_overlay_start_0:
0x88: {  	s2 =	sld [smem:$0x3FD9]  }
0x89: {  	s3 =	sld [smem:$0x3FFE];
	_ =	sdelay $0x1  }
0x8a: {  	s1 =	srdreg.scid  }
0x8b: {  	s0 =	sand.u32 $0x1, s1  }
0x8c: {  	s17 =	sshll.u32 s0, $0xA;
	s2 =	sadd.s32 s3, s2  }
0x8d: {  	s2 =	sadd.s32 s2, s17  }
0x8e: {  	[smem:$0x3FBA] =	sst s2  }
0x8f: {  	_ = 	snop  }
0x90: {  	s2 =	sld [smem:$0x3FD0];
	(tm) =	ssettm $0x1  }
0x91: {  	s18 =	sld [smem:$0x3FFB];
	_ =	sdelay $0x3  }
0x92: {  	_ =	strace s18  }
0x93: {  	s3 =	sld [smem:$0x3FFC];
	_ =	sdelay $0x3  }
0x94: {  	_ =	strace s3  }
0x95: {  	s3 =	sld [smem:$0x3FFD];
	_ =	sdelay $0x3  }
0x96: {  	_ =	strace s3  }
0x97: {  	_ =	strace $0x8FFFFFFF  }
0x98: {  	s19 =	sld [smem:$0x3FDB];
	_ =	sdelay $0x1  }
0x99: {  	s4 =	simm.s32 $_scs_section_size  }
0x9a: {  	s5 =	simm.s32 $_size__tile_overlayer_lowered;
	s6 =	simm.s32 $_tile_overlayer_lowered  }
0x9b: {  	s22 =	simm.s32 $0x1BFF;
	s21 =	sshll.u32 s6, $0x1;
	s3 =	sadd.s32 s4, s19  }
0x9c: {  	s7 =	simm.s32 $0x0;
	s20 =	sshll.u32 s5, $0x1;
	s5 =	sadd.s32 s21, s3  }
0x9d: {  	[timem:s7], [sflag:s22] =	dma.local [hbm:s5], s20  }
0x9e: {  	_ =	swait.ge [sflag:s22], s20  }
0x9f: {  	s4 =	ssub.s32 $0x0, s20;
	[sflag:s22] =	ssyncset.done $0x0  }
0xa0: {  	[sflag:s22] =	ssyncadd.s32 s4;
	_ =	sdelay $0x1  }
0xa1: {  	s23 =	simm.s32 $0x1B8B  }
0xa2: {  	_ =	swait.ge [sflag:s23], $0x1  }
0xa3: {  	[sflag:s23] =	ssyncset.done $0x0  }
0xa4: {  	s25 =	simm.s32 $0x1B8E;
	s24 =	sld [smem:$0x3FFE];
	[sflag:s23] =	ssyncadd.s32 $0xFFFFFFFF  }
0xa5: {  	s26 =	simm.s32 $execute0_lowered;
	[smem:$0x3FD2] =	sst s25  }
0xa6: {  	s5 =	sshll.u32 s26, $0x1;
	_ =	strace $0x80000049;
	[dreg:$0x1] =	wrdreg $0xFFFFFFFF  }
0xa7: {  	s28 =	simm.s32 $_size_execute0_lowered;
	s3 =	sadd.s32 s3, s5;
	[dreg:$0x0] =	wrdreg $0x0  }
0xa8: {  	s5 =	sshll.u32 s28, $0x1;
	[dreg:$0x2] =	wrdreg s3  }
0xa9: {  	[dreg:$0x3] =	wrdreg s5  }
0xaa: {  	[dreg:$0x4] =	wrdreg $0xC0  }
0xab: {  	_ =	task [dreg:s7], $0x5FFFF  }
0xac: {  	[dreg:$0x1] =	wrdreg $0xFFFFFFFF  }
0xad: {  	[dreg:$0x0] =	wrdreg $0x60  }
0xae: {  	[dreg:$0x2] =	wrdreg s24  }
0xaf: {  	[dreg:$0x3] =	wrdreg s2  }
0xb0: {  	[dreg:$0x4] =	wrdreg $0x159700  }
0xb1: {  	[dreg:$0x5] =	wrdreg $0x181700  }
0xb2: {  	[dreg:$0x6] =	wrdreg $0x9  }
0xb3: {  	_ =	task.clear_ibuf [dreg:s7], $0x7FFFF;
	_ =	strace $0x90000049  }
0xb4: {  	s29 =	simm.s32 $0x9;
	_ =	strace $0x8000004B  }
0xb5: {  	_ =	swait.ge [sflag:s29], $0x1  }
0xb6: {  	[sflag:s29] =	ssyncadd.s32 $0xFFFFFFFF  }
0xb7: {  	_ =	strace $0x9000004B  }
0xb8: {  	_ =	sfence  }
0xb9: {  	s30 =	sld [smem:$0x0];
	_ =	sdelay $0x2  }
0xba: {  	s31 =	sshll.u32 s1, $0xD;
	s1 =	sshrl.u32 s1, $0x2  }
0xbb: {  	s3 =	sand.u32 $0x4000, s31;
	s1 =	sadd.s32 s1, s30  }
0xbc: {  	s0 =	sor.u32 s3, s0;
	s1 =	sshll.u32 s1, $0x11  }
0xbd: {  	s0 =	sor.u32 s1, s0  }
0xbe: {  	s0 =	sadd.s32 $0x8F2B, s0  }
0xbf: {  	[sflag:s0] =	ssyncadd.remote.s32 $0x1  }
0xc0: {  	_ =	sfence.sel $0xFFFF  }
0xc1: {  	[dreg:$0x0] =	wrdreg $0xFFFFFFFF;
	(pc) =	sbr.abs _section_cstart, $3  }
0xc2: {  	[dreg:$0x1] =	wrdreg $0xFFFFFFFF  }
0xc3: {  	_ =	task.clear_ibuf [dreg:s7], $0x2FFFF;
	_ =	strace $0x9FFFFFFF  }
0xc4: {  	(tm) =	ssettm $0x7FFFFFFF  }
0xc5: {  	_ =	shalt  }
tec
execute0_lowered:
.L_overlay_start_1:
0x0: {  	(tag) =	ssettag $0x1  }
0x1: {  	s0 =	rddreg [dreg:$0x0]  }
0x2: {  	s1 =	rddreg [dreg:$0x1]  }
0x3: {  	s2 =	rddreg [dreg:$0x2]  }
0x4: {  	s3 =	rddreg [dreg:$0x3];
	s16 =	stileid.u32;
	s4 =	simm.s32 $0x0  }
0x5: {  	s6 =	srdreg.scid;
	s17 =	simm.s32 $0x3;
	s5 =	smul.u32 $0x2710, s16  }
0x6: {  	[smem:$0x7FF] =	sst s4;
	s6 =	sand.u32 $0x1, s6;
	s7 =	smul.u32 $0x500, s16  }
0x7: {  	s10 =	sadd.s32 $0x11800, s0;
	s11 =	sadd.s32 $0x1B800, s0;
	s13 =	smul.u32 $0xA000, s16  }
0x8: {  	s15 =	sadd.s32 $0x11000, s0;
	s20 =	sshll.u32 s16, $0x6;
	s16 =	simm.s32 $0x2  }
0x9: {  	_ =	strace $0x8000004A;
	s9 =	smul.u32 $0x5000, s6;
	s18 =	ssub.s32 $0x2, s6  }
0xa: {  	[dreg:$0x7] =	wrdreg s15;
	p0 =	sne.s32 s6, $0x0;
	s6 =	simm.s32 $0x1  }
0xb: {  	s8 =	sshrl.u32 s5, $0x3;
	s13 =	sshrl.u32 s13, $0x2;
	s5 =	sadd.s32 s5, s3  }
0xc: {  	s19 =	sshrl.u32 s18, $0x1;
	s13 =	sadd.s32 s13, s2;
	[dreg:$0xf] =	wrdreg s5  }
0xd: {  	s7 =	sadd.s32 s7, s9;
	s22 =	sadd.s32 s10, s8;
	[dreg:$0x8] =	wrdreg s13  }
0xe: {  	s9 =	ssub.s32 s18, s19;
	s23 =	sadd.s32 s11, s8;
	[dreg:$0xa] =	wrdreg s22  }
0xf: {  	s21 =	sadd.s32 $0x5000, s8;
	s18 =	sor.u32 $0x1C04, s20;
	[dreg:$0xc] =	wrdreg s23  }
0x10: {  	s15 =	simm.s32 $0x3800;
	s10 =	sadd.s32 s10, s21;
	[dreg:$0x9] =	wrdreg s18  }
0x11: {  	s12 =	sadd.s32 s8, s0;
	s24 =	sadd.s32 s11, s21;
	[dreg:$0xb] =	wrdreg s10  }
0x12: {  	s14 =	sadd.s32 s7, s0;
	s25 =	sadd.s32 $0x25800, s12;
	[dreg:$0xd] =	wrdreg s24  }
0x13: {  	s0 =	sadd.s32 $0x2A800, s0;
	s30 =	smax.u32 s9, $0x1;
	[dreg:$0xe] =	wrdreg s25  }
0x14: {  	s31 =	sadd.s32 s1, s7;
	s1 =	simm.s32 $0x4;
	[dreg:$0x13] =	wrdreg s30  }
0x15: {  	s8 =	sadd.s32 s0, s8;
	s0 =	sadd.s32 s0, s7;
	[dreg:$0x6] =	wrdreg s31  }
0x16: {  	s11 =	simm.s32 $0x1800;
	s29 =	sadd.s32 $0x7000, s14;
	[dreg:$0x12] =	wrdreg s0  }
0x17: {  	s10 =	simm.s32 $0x1000;
	s26 =	sadd.s32 $0xA000, s8;
	[dreg:$0x5] =	wrdreg s29  }
0x18: {  	s28 =	sadd.s32 $0xEE20, s8;
	s8 =	simm.s32 $0x380;
	[dreg:$0x10] =	wrdreg s26  }
0x19: {  	s0 =	simm.s32 $0x0;
	[dreg:$0x11] =	wrdreg s28;
	s26 =	simm.s32 $0x80  }
.LBB2_1:
0x1a: {  	[dreg:$0x14] =	wrdreg s0  }
0x1b: {  	s7 =	rddreg [dreg:$0x8]  }
0x1c: {  	s14 =	rddreg [dreg:$0x7];
	s13 =	sshrl.u32 s7, $0x3  }
0x1d: {  	[dreg:$0x15] =	wrdreg s13  }
0x1e: {  	[spmem:s13], [sflag:s18] =	dma.local [hbm:s14], $0x500  }
0x1f: {  	_ =	swait.ge [sflag:s1], $0x500  }
0x20: {  	[sflag:s1] =	ssyncset.done $0x0  }
0x21: {  	s19 =	simm.s32 $0x4800;
	s18 =	rddreg [dreg:$0xa];
	[sflag:s1] =	ssyncadd.s32 $0xFFFFFB00  }
0x22: {  	[tilespmem:s19], [sflag:$0x4] =	stream.linear.gather [hbm4b:s18+s4], $0x2710, $0x38;
	[tilespmem:$0x1A880] =	vst v63  }
0x23: {  	_ =	swait.ge [sflag:s1], $0x2710  }
0x24: {  	[sflag:s1] =	ssyncset.done $0x0  }
0x25: {  	s21 =	simm.s32 $0x6F10;
	s20 =	rddreg [dreg:$0xb];
	[sflag:s1] =	ssyncadd.s32 $0xFFFFD8F0  }
0x26: {  	[tilespmem:s21], [sflag:$0x4] =	stream.linear.gather [hbm4b:s20+s4], $0x2710, $0x38;
	[tilespmem:$0x1A880] =	vst v63  }
0x27: {  	_ =	swait.ge [sflag:s1], $0x2710  }
0x28: {  	[sflag:s1] =	ssyncset.done $0x0  }
0x29: {  	s23 =	simm.s32 $0x9620;
	s22 =	rddreg [dreg:$0xc];
	[sflag:s1] =	ssyncadd.s32 $0xFFFFD8F0  }
0x2a: {  	[tilespmem:s23], [sflag:$0x4] =	stream.linear.gather [hbm4b:s22+s4], $0x2710, $0x38;
	[tilespmem:$0x1A880] =	vst v63  }
0x2b: {  	_ =	swait.ge [sflag:s1], $0x2710  }
0x2c: {  	[sflag:s1] =	ssyncset.done $0x0  }
0x2d: {  	s25 =	simm.s32 $0xBD30;
	s24 =	rddreg [dreg:$0xd];
	[sflag:s1] =	ssyncadd.s32 $0xFFFFD8F0  }
0x2e: {  	[tilespmem:s25], [sflag:$0x4] =	stream.linear.gather [hbm4b:s24+s4], $0x2710, $0x38;
	[tilespmem:$0x1A880] =	vst v63  }
0x2f: {  	_ =	swait.ge [sflag:s1], $0x2710  }
0x30: {  	[sflag:s1] =	ssyncset.done $0x0  }
0x31: {  	s31 =	simm.s32 $0xE440;
	s30 =	rddreg [dreg:$0xe];
	[sflag:s1] =	ssyncadd.s32 $0xFFFFD8F0  }
0x32: {  	[tilespmem:s31], [sflag:$0x4] =	stream.linear.gather [hbm4b:s30+s4], $0x2710, $0x38;
	[tilespmem:$0x1A880] =	vst v63  }
0x33: {  	_ =	swait.ge [sflag:s1], $0x2710  }
0x34: {  	[sflag:s1] =	ssyncset.done $0x0  }
0x35: {  	s28 =	simm.s32 $0x0;
	[sflag:s1] =	ssyncadd.s32 $0xFFFFD8F0  }
0x36: {  	v0 =	vld [tilespmem:s28+$0x9620]  }
0x37: {  	v1 =	vld [tilespmem:s28+$0xBD30];
	_ =	sdelay $0x4  }
0x38: {  	v0 =	vadd.f32 v1, v0  }
0x39: {  	s18 =	simm.s32 $0x10  }
0x3a: {  	v2 =	vld [tilespmem:s18+$0x9620];
	v0 =	vmax.f32 v0, $1.000000000e+00  }
0x3b: {  	v1 =	vld [tilespmem:s18+$0xBD30];
	(erf) = vrcp.f32 v0;
	_ =	sdelay $0x2  }
0x3c: {  	s7 =	simm.s32 $0x20;
	v3 =	vld [tilespmem:s28+$0x4800];
	[tilespmem:s28+$0x13260] =	vst v0  }
0x3d: {  	v4 =	vld [tilespmem:s7+$0x9620]  }
0x3e: {  	v0 =	vadd.f32 v1, v2;
	v1 =	vld [tilespmem:s7+$0xBD30]  }
0x3f: {  	v2 =	vld [tilespmem:s28+$0x6F10];
	_ =	sdelay $0x1  }
0x40: {  	v6 =	vmax.f32 v0, $1.000000000e+00  }
0x41: {  	v5 =	vld [tilespmem:s18+$0x4800];
	[tilespmem:s18+$0x13260] =	vst v6;
	v8 =	vpop (erf);
	(erf) = vrcp.f32 v6  }
0x42: {  	v7 =	vld [tilespmem:s28+$0xE440];
	v1 =	vadd.f32 v1, v4  }
0x43: {  	s25 =	simm.s32 $0x30;
	v0 =	vld [tilespmem:s18+$0x6F10];
	v2 =	vadd.f32 v2, v3  }
0x44: {  	v3 =	vld [tilespmem:s25+$0x9620];
	v9 =	vmax.f32 v1, $1.000000000e+00  }
0x45: {  	v4 =	vld [tilespmem:s25+$0xBD30];
	v2 =	vmul.f32 v8, v2;
	(erf) = vrcp.f32 v9  }
0x46: {  	[tilespmem:s7+$0x13260] =	vst v9  }
0x47: {  	v1 =	vld [tilespmem:s18+$0xE440];
	v6 =	vadd.f32 v2, v7  }
0x48: {  	s29 =	simm.s32 $0x100;
	v2 =	vld [tilespmem:s7+$0x4800]  }
.LBB2_2:
0x49: {  	s30 =	sshra.s32 s29, $0x2;
	v5 =	vadd.f32 v0, v5;
	v0 =	vld [tilespmem:s7+$0x6F10];
	v6 =	vmax.f32 v6, $0.0e+00;
	p1 =	sne.s32 s29, $0x9C00  }
.Ltmp0:
0x4a: {  	s29 =	sadd.s32 $0x40, s29;
	v7 =	vadd.f32 v4, v3;
	v3 =	vld [tilespmem:s30+$0x9620];
	v8 =	vpop (erf);
	[tilespmem:s28+$0x10B50] =	vst v6;
	(pc) =	sbr.rel @p1 .LBB2_2-.Ltmp0, $4  }
0x4b: {  	s28 =	smov.u32 s18;
	s18 =	smov.u32 s7;
	s7 =	smov.u32 s25;
	v4 =	vld [tilespmem:s30+$0xBD30];
	v8 =	vmul.f32 v8, v5  }
0x4c: {  	s25 =	smov.u32 s30;
	v6 =	vmax.f32 v7, $1.000000000e+00  }
0x4d: {  	[tilespmem:s7+$0x13260] =	vst v6;
	(erf) = vrcp.f32 v6;
	v6 =	vadd.f32 v8, v1;
	v1 =	vld [tilespmem:s18+$0xE440];
	v5 =	vmov v2  }
0x4e: {  	v2 =	vld [tilespmem:s7+$0x4800]  }
0x4f: {  	_ = 	snop  }
0x50: {  	v3 =	vadd.f32 v4, v3;
	_ =	sdelay $0x1  }
0x51: {  	v0 =	vadd.f32 v0, v5;
	v3 =	vmax.f32 v3, $1.000000000e+00  }
0x52: {  	v54 =	vmax.f32 v6, $0.0e+00;
	v55 =	vpop (erf);
	(erf) = vrcp.f32 v3  }
0x53: {  	v53 =	vld [tilespmem:s7+$0x6F10];
	[tilespmem:s28+$0x10B50] =	vst v54;
	v0 =	vmul.f32 v55, v0  }
0x54: {  	v56 =	vld [tilespmem:s25+$0x4800]  }
0x55: {  	v57 =	vld [tilespmem:s25+$0x6F10];
	v0 =	vadd.f32 v0, v1;
	_ =	sdelay $0x1  }
0x56: {  	[tilespmem:s25+$0x13260] =	vst v3;
	v0 =	vmax.f32 v0, $0.0e+00  }
0x57: {  	v58 =	vld [tilespmem:s7+$0xE440];
	[tilespmem:s18+$0x10B50] =	vst v0  }
0x58: {  	v59 =	vadd.f32 v53, v2;
	v60 =	vld [tilespmem:s25+$0xE440]  }
0x59: {  	v61 =	vpop (erf);
	v1 =	vadd.f32 v57, v56  }
0x5a: {  	v0 =	vmul.f32 v61, v59;
	v62 =	vpop (erf)  }
0x5b: {  	v1 =	vmul.f32 v62, v1  }
0x5c: {  	v0 =	vadd.f32 v0, v58  }
0x5d: {  	v1 =	vadd.f32 v1, v60  }
0x5e: {  	v0 =	vmax.f32 v0, $0.0e+00  }
0x5f: {  	[tilespmem:s7+$0x10B50] =	vst v0;
	v63 =	vmax.f32 v1, $0.0e+00  }
0x60: {  	s22 =	rddreg [dreg:$0xf];
	s23 =	simm.s32 $0x10B50;
	s0 =	simm.s32 $0x4;
	[tilespmem:s25+$0x10B50] =	vst v63  }
0x61: {  	[spmem:s22] =	stream.linear.scatter [tilespmem:s23], [sflag:$0x4], $0x2710, $0x38;
	[tilespmem:$0x1A880] =	vst v63  }
0x62: {  	_ =	swait.ge [sflag:s0], $0x2710  }
0x63: {  	s18 =	simm.s32 @!p0 $0x10B50;
	[sflag:s0] =	ssyncset.done $0x0  }
0x64: {  	s7 =	simm.s32 @!p0 $0x0;
	s25 =	rddreg [dreg:$0x10];
	[sflag:s0] =	ssyncadd.s32 $0xFFFFD8F0  }
0x65: {  	[hbm4b:s25+s7] =	stream.linear.scatter @!p0 [tilespmem:s18], [sflag:$0x4], $0x2710, $0x38;
	[tilespmem:$0x1A880] =	vst v63  }
0x66: {  	s18 =	simm.s32 @!p0 $0x4  }
0x67: {  	_ =	swait.ge @!p0 [sflag:s18], $0x2710  }
0x68: {  	[sflag:s18] =	ssyncset.done @!p0 $0x0  }
0x69: {  	s25 =	simm.s32 @!p0 $0x13260;
	s28 =	rddreg [dreg:$0x11];
	[sflag:s18] =	ssyncadd.s32 @!p0 $0xFFFFD8F0  }
0x6a: {  	[hbm4b:s28+s7] =	stream.linear.scatter @!p0 [tilespmem:s25], [sflag:$0x4], $0x2710, $0x38;
	[tilespmem:$0x1A880] =	vst v63  }
0x6b: {  	_ =	swait.ge @!p0 [sflag:s18], $0x2710  }
0x6c: {  	[sflag:s18] =	ssyncset.done @!p0 $0x0  }
0x6d: {  	[sflag:s18] =	ssyncadd.s32 @!p0 $0xFFFFD8F0  }
0x6e: {  	[bflag:$0x0] =	sbarrier.arrive $0xFFFF  }
0x6f: {  	s24 =	rddreg [dreg:$0x6]  }
0x70: {  	s25 =	rddreg [dreg:$0x5];
	s7 =	sadd.s32 $0x0, s24  }
0x71: {  	[tilespmem:s4], [sflag:$0x1] =	stream.linear.gather [hbm4b:s7+s4], $0x80, $0x38;
	[tilespmem:$0x1A880] =	vst v63  }
0x72: {  	s29 =	simm.s32 $0x400;
	s18 =	sadd.s32 $0x0, s25  }
0x73: {  	[tilespmem:s29], [sflag:$0x1] =	stream.linear.gather [hbm4b:s18+s4], $0x80, $0x38;
	[tilespmem:$0x1A880] =	vst v63  }
0x74: {  	s28 =	sadd.s32 $0x10, s7  }
0x75: {  	[tilespmem:s26], [sflag:$0x1] =	stream.linear.gather [hbm4b:s28+s4], $0x80, $0x38;
	[tilespmem:$0x1A880] =	vst v63  }
0x76: {  	s1 =	simm.s32 $0x480;
	s31 =	sadd.s32 $0x10, s18  }
0x77: {  	[tilespmem:s1], [sflag:$0x1] =	stream.linear.gather [hbm4b:s31+s4], $0x80, $0x38;
	[tilespmem:$0x1A880] =	vst v63  }
0x78: {  	s12 =	simm.s32 $0x100;
	s0 =	sadd.s32 $0x20, s7  }
0x79: {  	[tilespmem:s12], [sflag:$0x1] =	stream.linear.gather [hbm4b:s0+s4], $0x80, $0x38;
	[tilespmem:$0x1A880] =	vst v63  }
0x7a: {  	s20 =	simm.s32 $0x500;
	s5 =	sadd.s32 $0x20, s18  }
0x7b: {  	[tilespmem:s20], [sflag:$0x1] =	stream.linear.gather [hbm4b:s5+s4], $0x80, $0x38;
	[tilespmem:$0x1A880] =	vst v63  }
0x7c: {  	s13 =	simm.s32 $0x180;
	s9 =	sadd.s32 $0x30, s7  }
0x7d: {  	[tilespmem:s13], [sflag:$0x1] =	stream.linear.gather [hbm4b:s9+s4], $0x80, $0x38;
	[tilespmem:$0x1A880] =	vst v63  }
0x7e: {  	s22 =	simm.s32 $0x580;
	s14 =	sadd.s32 $0x30, s18  }
0x7f: {  	[tilespmem:s22], [sflag:$0x1] =	stream.linear.gather [hbm4b:s14+s4], $0x80, $0x38;
	[tilespmem:$0x1A880] =	vst v63  }
0x80: {  	s19 =	sadd.s32 $0x40, s7;
	s14 =	simm.s32 $0x200  }
0x81: {  	[tilespmem:s14], [sflag:$0x1] =	stream.linear.gather [hbm4b:s19+s4], $0x80, $0x38;
	[tilespmem:$0x1A880] =	vst v63  }
0x82: {  	s24 =	simm.s32 $0x600;
	s21 =	sadd.s32 $0x40, s18  }
0x83: {  	[tilespmem:s24], [sflag:$0x1] =	stream.linear.gather [hbm4b:s21+s4], $0x80, $0x38;
	[tilespmem:$0x1A880] =	vst v63  }
0x84: {  	s23 =	sadd.s32 $0x50, s7;
	s5 =	simm.s32 $0x280  }
0x85: {  	[tilespmem:s5], [sflag:$0x1] =	stream.linear.gather [hbm4b:s23+s4], $0x80, $0x38;
	[tilespmem:$0x1A880] =	vst v63  }
0x86: {  	s28 =	sadd.s32 $0x50, s18;
	s0 =	simm.s32 $0x680  }
0x87: {  	[tilespmem:s0], [sflag:$0x1] =	stream.linear.gather [hbm4b:s28+s4], $0x80, $0x38;
	[tilespmem:$0x1A880] =	vst v63  }
0x88: {  	s31 =	sadd.s32 $0x60, s7;
	s9 =	simm.s32 $0x300  }
0x89: {  	[tilespmem:s9], [sflag:$0x1] =	stream.linear.gather [hbm4b:s31+s4], $0x80, $0x38;
	[tilespmem:$0x1A880] =	vst v63  }
0x8a: {  	s19 =	sadd.s32 $0x60, s18;
	s21 =	simm.s32 $0x700  }
0x8b: {  	[tilespmem:s21], [sflag:$0x1] =	stream.linear.gather [hbm4b:s19+s4], $0x80, $0x38;
	[tilespmem:$0x1A880] =	vst v63  }
0x8c: {  	s7 =	sadd.s32 $0x70, s7  }
0x8d: {  	[tilespmem:s8], [sflag:$0x1] =	stream.linear.gather [hbm4b:s7+s4], $0x80, $0x38;
	[tilespmem:$0x1A880] =	vst v63  }
0x8e: {  	s25 =	simm.s32 $0x780;
	s23 =	sadd.s32 $0x70, s18  }
0x8f: {  	[tilespmem:s25], [sflag:$0x1] =	stream.linear.gather [hbm4b:s23+s4], $0x80, $0x38;
	[tilespmem:$0x1A880] =	vst v63  }
0x90: {  	_ =	swait.ge [sflag:s6], $0x80  }
0x91: {  	[sflag:s6] =	ssyncset.done $0x0  }
0x92: {  	[sflag:s6] =	ssyncadd.s32 $0xFFFFFF80  }
0x93: {  	_ =	swait.ge [sflag:s6], $0x80  }
0x94: {  	[sflag:s6] =	ssyncset.done $0x0  }
0x95: {  	[sflag:s6] =	ssyncadd.s32 $0xFFFFFF80  }
0x96: {  	_ =	swait.ge [sflag:s6], $0x80  }
0x97: {  	[sflag:s6] =	ssyncset.done $0x0  }
0x98: {  	[sflag:s6] =	ssyncadd.s32 $0xFFFFFF80  }
0x99: {  	_ =	swait.ge [sflag:s6], $0x80  }
0x9a: {  	[sflag:s6] =	ssyncset.done $0x0  }
0x9b: {  	[sflag:s6] =	ssyncadd.s32 $0xFFFFFF80  }
0x9c: {  	_ =	swait.ge [sflag:s6], $0x80  }
0x9d: {  	[sflag:s6] =	ssyncset.done $0x0  }
0x9e: {  	[sflag:s6] =	ssyncadd.s32 $0xFFFFFF80  }
0x9f: {  	_ =	swait.ge [sflag:s6], $0x80  }
0xa0: {  	[sflag:s6] =	ssyncset.done $0x0  }
0xa1: {  	[sflag:s6] =	ssyncadd.s32 $0xFFFFFF80  }
0xa2: {  	_ =	swait.ge [sflag:s6], $0x80  }
0xa3: {  	[sflag:s6] =	ssyncset.done $0x0  }
0xa4: {  	[sflag:s6] =	ssyncadd.s32 $0xFFFFFF80  }
0xa5: {  	_ =	swait.ge [sflag:s6], $0x80  }
0xa6: {  	[sflag:s6] =	ssyncset.done $0x0  }
0xa7: {  	[sflag:s6] =	ssyncadd.s32 $0xFFFFFF80  }
0xa8: {  	_ =	swait.ge [sflag:s6], $0x80  }
0xa9: {  	[sflag:s6] =	ssyncset.done $0x0  }
0xaa: {  	[sflag:s6] =	ssyncadd.s32 $0xFFFFFF80  }
0xab: {  	_ =	swait.ge [sflag:s6], $0x80  }
0xac: {  	[sflag:s6] =	ssyncset.done $0x0  }
0xad: {  	[sflag:s6] =	ssyncadd.s32 $0xFFFFFF80  }
0xae: {  	_ =	swait.ge [sflag:s6], $0x80  }
0xaf: {  	[sflag:s6] =	ssyncset.done $0x0  }
0xb0: {  	[sflag:s6] =	ssyncadd.s32 $0xFFFFFF80  }
0xb1: {  	_ =	swait.ge [sflag:s6], $0x80  }
0xb2: {  	[sflag:s6] =	ssyncset.done $0x0  }
0xb3: {  	[sflag:s6] =	ssyncadd.s32 $0xFFFFFF80  }
0xb4: {  	_ =	swait.ge [sflag:s6], $0x80  }
0xb5: {  	[sflag:s6] =	ssyncset.done $0x0  }
0xb6: {  	[sflag:s6] =	ssyncadd.s32 $0xFFFFFF80  }
0xb7: {  	_ =	swait.ge [sflag:s6], $0x80  }
0xb8: {  	[sflag:s6] =	ssyncset.done $0x0  }
0xb9: {  	[sflag:s6] =	ssyncadd.s32 $0xFFFFFF80  }
0xba: {  	_ =	swait.ge [sflag:s6], $0x80  }
0xbb: {  	[sflag:s6] =	ssyncset.done $0x0  }
0xbc: {  	[sflag:s6] =	ssyncadd.s32 $0xFFFFFF80  }
0xbd: {  	_ =	swait.ge [sflag:s6], $0x80  }
0xbe: {  	[sflag:s6] =	ssyncset.done $0x0  }
0xbf: {  	s31 =	simm.s32 $0x800;
	[sflag:s6] =	ssyncadd.s32 $0xFFFFFF80  }
0xc0: {  	[tilespmem:s31], [sflag:$0x2] =	stream.indirect.gather [spmem:s3], $0x10, s4, s26, $0xb8;
	[tilespmem:$0x1A880] =	vst v63  }
0xc1: {  	_ = 	snop  }
0xc2: {  	[tilespmem:s10], [sflag:$0x2] =	stream.indirect.gather [spmem:s3], $0x10, s26, s26, $0xb8;
	[tilespmem:$0x1A880] =	vst v63  }
0xc3: {  	_ = 	snop  }
0xc4: {  	[tilespmem:s11], [sflag:$0x2] =	stream.indirect.gather [spmem:s3], $0x10, s12, s26, $0xb8;
	[tilespmem:$0x1A880] =	vst v63  }
0xc5: {  	s12 =	simm.s32 $0x2000  }
0xc6: {  	[tilespmem:s12], [sflag:$0x2] =	stream.indirect.gather [spmem:s3], $0x10, s13, s26, $0xb8;
	[tilespmem:$0x1A880] =	vst v63  }
0xc7: {  	s13 =	simm.s32 $0x2800  }
0xc8: {  	[tilespmem:s13], [sflag:$0x2] =	stream.indirect.gather [spmem:s3], $0x10, s14, s26, $0xb8;
	[tilespmem:$0x1A880] =	vst v63  }
0xc9: {  	s14 =	simm.s32 $0x3000  }
0xca: {  	[tilespmem:s14], [sflag:$0x2] =	stream.indirect.gather [spmem:s3], $0x10, s5, s26, $0xb8;
	[tilespmem:$0x1A880] =	vst v63  }
0xcb: {  	_ = 	snop  }
0xcc: {  	[tilespmem:s15], [sflag:$0x2] =	stream.indirect.gather [spmem:s3], $0x10, s9, s26, $0xb8;
	[tilespmem:$0x1A880] =	vst v63  }
0xcd: {  	s30 =	simm.s32 $0x4000  }
0xce: {  	[tilespmem:s30], [sflag:$0x2] =	stream.indirect.gather [spmem:s3], $0x10, s8, s26, $0xb8;
	[tilespmem:$0x1A880] =	vst v63  }
0xcf: {  	_ =	swait.ge [sflag:s16], $0x800  }
0xd0: {  	[sflag:s16] =	ssyncset.done $0x0  }
0xd1: {  	[sflag:s16] =	ssyncadd.s32 $0xFFFFF800  }
0xd2: {  	_ =	swait.ge [sflag:s16], $0x800  }
0xd3: {  	[sflag:s16] =	ssyncset.done $0x0  }
0xd4: {  	[sflag:s16] =	ssyncadd.s32 $0xFFFFF800  }
0xd5: {  	_ =	swait.ge [sflag:s16], $0x800  }
0xd6: {  	[sflag:s16] =	ssyncset.done $0x0  }
0xd7: {  	[sflag:s16] =	ssyncadd.s32 $0xFFFFF800  }
0xd8: {  	_ =	swait.ge [sflag:s16], $0x800  }
0xd9: {  	[sflag:s16] =	ssyncset.done $0x0  }
0xda: {  	[sflag:s16] =	ssyncadd.s32 $0xFFFFF800  }
0xdb: {  	_ =	swait.ge [sflag:s16], $0x800  }
0xdc: {  	[sflag:s16] =	ssyncset.done $0x0  }
0xdd: {  	[sflag:s16] =	ssyncadd.s32 $0xFFFFF800  }
0xde: {  	_ =	swait.ge [sflag:s16], $0x800  }
0xdf: {  	[sflag:s16] =	ssyncset.done $0x0  }
0xe0: {  	[sflag:s16] =	ssyncadd.s32 $0xFFFFF800  }
0xe1: {  	_ =	swait.ge [sflag:s16], $0x800  }
0xe2: {  	[sflag:s16] =	ssyncset.done $0x0  }
0xe3: {  	[sflag:s16] =	ssyncadd.s32 $0xFFFFF800  }
0xe4: {  	_ =	swait.ge [sflag:s16], $0x800  }
0xe5: {  	[sflag:s16] =	ssyncset.done $0x0  }
0xe6: {  	[sflag:s16] =	ssyncadd.s32 $0xFFFFF800  }
0xe7: {  	[spmem:s2] =	stream.indirect.scatter.add.f32 [tilespmem:s31], [sflag:$0x3], $0x10, s29, s26, $0xb8;
	[tilespmem:$0x1A880] =	vst v63  }
0xe8: {  	_ = 	snop  }
0xe9: {  	[spmem:s2] =	stream.indirect.scatter.add.f32 [tilespmem:s10], [sflag:$0x3], $0x10, s1, s26, $0xb8;
	[tilespmem:$0x1A880] =	vst v63  }
0xea: {  	_ = 	snop  }
0xeb: {  	[spmem:s2] =	stream.indirect.scatter.add.f32 [tilespmem:s11], [sflag:$0x3], $0x10, s20, s26, $0xb8;
	[tilespmem:$0x1A880] =	vst v63  }
0xec: {  	_ = 	snop  }
0xed: {  	[spmem:s2] =	stream.indirect.scatter.add.f32 [tilespmem:s12], [sflag:$0x3], $0x10, s22, s26, $0xb8;
	[tilespmem:$0x1A880] =	vst v63  }
0xee: {  	_ = 	snop  }
0xef: {  	[spmem:s2] =	stream.indirect.scatter.add.f32 [tilespmem:s13], [sflag:$0x3], $0x10, s24, s26, $0xb8;
	[tilespmem:$0x1A880] =	vst v63  }
0xf0: {  	_ = 	snop  }
0xf1: {  	[spmem:s2] =	stream.indirect.scatter.add.f32 [tilespmem:s14], [sflag:$0x3], $0x10, s0, s26, $0xb8;
	[tilespmem:$0x1A880] =	vst v63  }
0xf2: {  	_ = 	snop  }
0xf3: {  	[spmem:s2] =	stream.indirect.scatter.add.f32 [tilespmem:s15], [sflag:$0x3], $0x10, s21, s26, $0xb8;
	[tilespmem:$0x1A880] =	vst v63  }
0xf4: {  	_ = 	snop  }
0xf5: {  	[spmem:s2] =	stream.indirect.scatter.add.f32 [tilespmem:s30], [sflag:$0x3], $0x10, s25, s26, $0xb8;
	[tilespmem:$0x1A880] =	vst v63  }
0xf6: {  	_ =	swait.ge [sflag:s17], $0x800  }
0xf7: {  	[sflag:s17] =	ssyncset.done $0x0  }
0xf8: {  	[sflag:s17] =	ssyncadd.s32 $0xFFFFF800  }
0xf9: {  	_ =	swait.ge [sflag:s17], $0x800  }
0xfa: {  	[sflag:s17] =	ssyncset.done $0x0  }
0xfb: {  	[sflag:s17] =	ssyncadd.s32 $0xFFFFF800  }
0xfc: {  	_ =	swait.ge [sflag:s17], $0x800  }
0xfd: {  	[sflag:s17] =	ssyncset.done $0x0  }
0xfe: {  	[sflag:s17] =	ssyncadd.s32 $0xFFFFF800  }
0xff: {  	_ =	swait.ge [sflag:s17], $0x800  }
0x100: {  	[sflag:s17] =	ssyncset.done $0x0  }
0x101: {  	[sflag:s17] =	ssyncadd.s32 $0xFFFFF800  }
0x102: {  	_ =	swait.ge [sflag:s17], $0x800  }
0x103: {  	[sflag:s17] =	ssyncset.done $0x0  }
0x104: {  	[sflag:s17] =	ssyncadd.s32 $0xFFFFF800  }
0x105: {  	_ =	swait.ge [sflag:s17], $0x800  }
0x106: {  	[sflag:s17] =	ssyncset.done $0x0  }
0x107: {  	[sflag:s17] =	ssyncadd.s32 $0xFFFFF800  }
0x108: {  	_ =	swait.ge [sflag:s17], $0x800  }
0x109: {  	[sflag:s17] =	ssyncset.done $0x0  }
0x10a: {  	[sflag:s17] =	ssyncadd.s32 $0xFFFFF800  }
0x10b: {  	s18 =	simm.s32 $0x100;
	_ =	swait.ge [sflag:s17], $0x800  }
0x10c: {  	s7 =	simm.s32 $0x80;
	s25 =	rddreg [dreg:$0x6];
	[sflag:s17] =	ssyncset.done $0x0  }
.LBB2_4:
0x10d: {  	[sflag:s17] =	ssyncadd.s32 $0xFFFFF800;
	s29 =	rddreg [dreg:$0x5];
	s25 =	sadd.s32 s7, s25  }
0x10e: {  	[tilespmem:s4], [sflag:$0x1] =	stream.linear.gather [hbm4b:s25+s4], $0x80, $0x38;
	[tilespmem:$0x1A880] =	vst v63  }
0x10f: {  	s28 =	smov.u32 s18;
	s31 =	simm.s32 $0x400;
	s29 =	sadd.s32 s7, s29  }
0x110: {  	[tilespmem:s31], [sflag:$0x1] =	stream.linear.gather [hbm4b:s29+s4], $0x80, $0x38;
	[tilespmem:$0x1A880] =	vst v63  }
0x111: {  	s7 =	smov.u32 s28;
	s28 =	sadd.s32 $0x10, s25  }
0x112: {  	[tilespmem:s26], [sflag:$0x1] =	stream.linear.gather [hbm4b:s28+s4], $0x80, $0x38;
	[tilespmem:$0x1A880] =	vst v63  }
0x113: {  	s1 =	simm.s32 $0x480;
	s28 =	sadd.s32 $0x10, s29  }
0x114: {  	[tilespmem:s1], [sflag:$0x1] =	stream.linear.gather [hbm4b:s28+s4], $0x80, $0x38;
	[tilespmem:$0x1A880] =	vst v63  }
0x115: {  	s19 =	simm.s32 $0x100;
	s28 =	sadd.s32 $0x20, s25  }
0x116: {  	[tilespmem:s19], [sflag:$0x1] =	stream.linear.gather [hbm4b:s28+s4], $0x80, $0x38;
	[tilespmem:$0x1A880] =	vst v63  }
0x117: {  	s20 =	simm.s32 $0x500;
	s28 =	sadd.s32 $0x20, s29  }
0x118: {  	[tilespmem:s20], [sflag:$0x1] =	stream.linear.gather [hbm4b:s28+s4], $0x80, $0x38;
	[tilespmem:$0x1A880] =	vst v63  }
0x119: {  	s21 =	simm.s32 $0x180;
	s28 =	sadd.s32 $0x30, s25  }
0x11a: {  	[tilespmem:s21], [sflag:$0x1] =	stream.linear.gather [hbm4b:s28+s4], $0x80, $0x38;
	[tilespmem:$0x1A880] =	vst v63  }
0x11b: {  	s22 =	simm.s32 $0x580;
	s28 =	sadd.s32 $0x30, s29  }
0x11c: {  	[tilespmem:s22], [sflag:$0x1] =	stream.linear.gather [hbm4b:s28+s4], $0x80, $0x38;
	[tilespmem:$0x1A880] =	vst v63  }
0x11d: {  	s23 =	simm.s32 $0x200;
	s28 =	sadd.s32 $0x40, s25  }
0x11e: {  	[tilespmem:s23], [sflag:$0x1] =	stream.linear.gather [hbm4b:s28+s4], $0x80, $0x38;
	[tilespmem:$0x1A880] =	vst v63  }
0x11f: {  	s24 =	simm.s32 $0x600;
	s28 =	sadd.s32 $0x40, s29  }
0x120: {  	[tilespmem:s24], [sflag:$0x1] =	stream.linear.gather [hbm4b:s28+s4], $0x80, $0x38;
	[tilespmem:$0x1A880] =	vst v63  }
0x121: {  	s5 =	simm.s32 $0x280;
	s28 =	sadd.s32 $0x50, s25  }
0x122: {  	[tilespmem:s5], [sflag:$0x1] =	stream.linear.gather [hbm4b:s28+s4], $0x80, $0x38;
	[tilespmem:$0x1A880] =	vst v63  }
0x123: {  	s0 =	simm.s32 $0x680;
	s28 =	sadd.s32 $0x50, s29  }
0x124: {  	[tilespmem:s0], [sflag:$0x1] =	stream.linear.gather [hbm4b:s28+s4], $0x80, $0x38;
	[tilespmem:$0x1A880] =	vst v63  }
0x125: {  	s9 =	simm.s32 $0x300;
	s28 =	sadd.s32 $0x60, s25  }
0x126: {  	[tilespmem:s9], [sflag:$0x1] =	stream.linear.gather [hbm4b:s28+s4], $0x80, $0x38;
	[tilespmem:$0x1A880] =	vst v63  }
0x127: {  	s8 =	simm.s32 $0x700;
	s28 =	sadd.s32 $0x60, s29  }
0x128: {  	[tilespmem:s8], [sflag:$0x1] =	stream.linear.gather [hbm4b:s28+s4], $0x80, $0x38;
	[tilespmem:$0x1A880] =	vst v63  }
0x129: {  	s25 =	sadd.s32 $0x70, s25;
	s8 =	simm.s32 $0x380  }
0x12a: {  	[tilespmem:s8], [sflag:$0x1] =	stream.linear.gather [hbm4b:s25+s4], $0x80, $0x38;
	[tilespmem:$0x1A880] =	vst v63  }
0x12b: {  	s25 =	sadd.s32 $0x70, s29;
	s29 =	simm.s32 $0x780  }
0x12c: {  	[tilespmem:s29], [sflag:$0x1] =	stream.linear.gather [hbm4b:s25+s4], $0x80, $0x38;
	[tilespmem:$0x1A880] =	vst v63  }
0x12d: {  	_ =	swait.ge [sflag:s6], $0x80  }
0x12e: {  	[sflag:s6] =	ssyncset.done $0x0  }
0x12f: {  	[sflag:s6] =	ssyncadd.s32 $0xFFFFFF80  }
0x130: {  	_ =	swait.ge [sflag:s6], $0x80  }
0x131: {  	[sflag:s6] =	ssyncset.done $0x0  }
0x132: {  	[sflag:s6] =	ssyncadd.s32 $0xFFFFFF80  }
0x133: {  	_ =	swait.ge [sflag:s6], $0x80  }
0x134: {  	[sflag:s6] =	ssyncset.done $0x0  }
0x135: {  	[sflag:s6] =	ssyncadd.s32 $0xFFFFFF80  }
0x136: {  	_ =	swait.ge [sflag:s6], $0x80  }
0x137: {  	[sflag:s6] =	ssyncset.done $0x0  }
0x138: {  	[sflag:s6] =	ssyncadd.s32 $0xFFFFFF80  }
0x139: {  	_ =	swait.ge [sflag:s6], $0x80  }
0x13a: {  	[sflag:s6] =	ssyncset.done $0x0  }
0x13b: {  	[sflag:s6] =	ssyncadd.s32 $0xFFFFFF80  }
0x13c: {  	_ =	swait.ge [sflag:s6], $0x80  }
0x13d: {  	[sflag:s6] =	ssyncset.done $0x0  }
0x13e: {  	[sflag:s6] =	ssyncadd.s32 $0xFFFFFF80  }
0x13f: {  	_ =	swait.ge [sflag:s6], $0x80  }
0x140: {  	[sflag:s6] =	ssyncset.done $0x0  }
0x141: {  	[sflag:s6] =	ssyncadd.s32 $0xFFFFFF80  }
0x142: {  	_ =	swait.ge [sflag:s6], $0x80  }
0x143: {  	[sflag:s6] =	ssyncset.done $0x0  }
0x144: {  	[sflag:s6] =	ssyncadd.s32 $0xFFFFFF80  }
0x145: {  	_ =	swait.ge [sflag:s6], $0x80  }
0x146: {  	[sflag:s6] =	ssyncset.done $0x0  }
0x147: {  	[sflag:s6] =	ssyncadd.s32 $0xFFFFFF80  }
0x148: {  	_ =	swait.ge [sflag:s6], $0x80  }
0x149: {  	[sflag:s6] =	ssyncset.done $0x0  }
0x14a: {  	[sflag:s6] =	ssyncadd.s32 $0xFFFFFF80  }
0x14b: {  	_ =	swait.ge [sflag:s6], $0x80  }
0x14c: {  	[sflag:s6] =	ssyncset.done $0x0  }
0x14d: {  	[sflag:s6] =	ssyncadd.s32 $0xFFFFFF80  }
0x14e: {  	_ =	swait.ge [sflag:s6], $0x80  }
0x14f: {  	[sflag:s6] =	ssyncset.done $0x0  }
0x150: {  	[sflag:s6] =	ssyncadd.s32 $0xFFFFFF80  }
0x151: {  	_ =	swait.ge [sflag:s6], $0x80  }
0x152: {  	[sflag:s6] =	ssyncset.done $0x0  }
0x153: {  	[sflag:s6] =	ssyncadd.s32 $0xFFFFFF80  }
0x154: {  	_ =	swait.ge [sflag:s6], $0x80  }
0x155: {  	[sflag:s6] =	ssyncset.done $0x0  }
0x156: {  	[sflag:s6] =	ssyncadd.s32 $0xFFFFFF80  }
0x157: {  	_ =	swait.ge [sflag:s6], $0x80  }
0x158: {  	[sflag:s6] =	ssyncset.done $0x0  }
0x159: {  	[sflag:s6] =	ssyncadd.s32 $0xFFFFFF80  }
0x15a: {  	_ =	swait.ge [sflag:s6], $0x80  }
0x15b: {  	[sflag:s6] =	ssyncset.done $0x0  }
0x15c: {  	s25 =	simm.s32 $0x800;
	[sflag:s6] =	ssyncadd.s32 $0xFFFFFF80  }
0x15d: {  	[tilespmem:s25], [sflag:$0x2] =	stream.indirect.gather [spmem:s3], $0x10, s4, s26, $0xb8;
	[tilespmem:$0x1A880] =	vst v63  }
0x15e: {  	_ = 	snop  }
0x15f: {  	[tilespmem:s10], [sflag:$0x2] =	stream.indirect.gather [spmem:s3], $0x10, s26, s26, $0xb8;
	[tilespmem:$0x1A880] =	vst v63  }
0x160: {  	_ = 	snop  }
0x161: {  	[tilespmem:s11], [sflag:$0x2] =	stream.indirect.gather [spmem:s3], $0x10, s19, s26, $0xb8;
	[tilespmem:$0x1A880] =	vst v63  }
0x162: {  	_ = 	snop  }
0x163: {  	[tilespmem:s12], [sflag:$0x2] =	stream.indirect.gather [spmem:s3], $0x10, s21, s26, $0xb8;
	[tilespmem:$0x1A880] =	vst v63  }
0x164: {  	_ = 	snop  }
0x165: {  	[tilespmem:s13], [sflag:$0x2] =	stream.indirect.gather [spmem:s3], $0x10, s23, s26, $0xb8;
	[tilespmem:$0x1A880] =	vst v63  }
0x166: {  	_ = 	snop  }
0x167: {  	[tilespmem:s14], [sflag:$0x2] =	stream.indirect.gather [spmem:s3], $0x10, s5, s26, $0xb8;
	[tilespmem:$0x1A880] =	vst v63  }
0x168: {  	_ = 	snop  }
0x169: {  	[tilespmem:s15], [sflag:$0x2] =	stream.indirect.gather [spmem:s3], $0x10, s9, s26, $0xb8;
	[tilespmem:$0x1A880] =	vst v63  }
0x16a: {  	_ = 	snop  }
0x16b: {  	[tilespmem:s30], [sflag:$0x2] =	stream.indirect.gather [spmem:s3], $0x10, s8, s26, $0xb8;
	[tilespmem:$0x1A880] =	vst v63  }
0x16c: {  	_ =	swait.ge [sflag:s16], $0x800  }
0x16d: {  	[sflag:s16] =	ssyncset.done $0x0  }
0x16e: {  	[sflag:s16] =	ssyncadd.s32 $0xFFFFF800  }
0x16f: {  	_ =	swait.ge [sflag:s16], $0x800  }
0x170: {  	[sflag:s16] =	ssyncset.done $0x0  }
0x171: {  	[sflag:s16] =	ssyncadd.s32 $0xFFFFF800  }
0x172: {  	_ =	swait.ge [sflag:s16], $0x800  }
0x173: {  	[sflag:s16] =	ssyncset.done $0x0  }
0x174: {  	[sflag:s16] =	ssyncadd.s32 $0xFFFFF800  }
0x175: {  	_ =	swait.ge [sflag:s16], $0x800  }
0x176: {  	[sflag:s16] =	ssyncset.done $0x0  }
0x177: {  	[sflag:s16] =	ssyncadd.s32 $0xFFFFF800  }
0x178: {  	_ =	swait.ge [sflag:s16], $0x800  }
0x179: {  	[sflag:s16] =	ssyncset.done $0x0  }
0x17a: {  	[sflag:s16] =	ssyncadd.s32 $0xFFFFF800  }
0x17b: {  	_ =	swait.ge [sflag:s16], $0x800  }
0x17c: {  	[sflag:s16] =	ssyncset.done $0x0  }
0x17d: {  	[sflag:s16] =	ssyncadd.s32 $0xFFFFF800  }
0x17e: {  	_ =	swait.ge [sflag:s16], $0x800  }
0x17f: {  	[sflag:s16] =	ssyncset.done $0x0  }
0x180: {  	[sflag:s16] =	ssyncadd.s32 $0xFFFFF800  }
0x181: {  	_ =	swait.ge [sflag:s16], $0x800  }
0x182: {  	[sflag:s16] =	ssyncset.done $0x0  }
0x183: {  	[sflag:s16] =	ssyncadd.s32 $0xFFFFF800  }
0x184: {  	[spmem:s2] =	stream.indirect.scatter.add.f32 [tilespmem:s25], [sflag:$0x3], $0x10, s31, s26, $0xb8;
	[tilespmem:$0x1A880] =	vst v63  }
0x185: {  	_ = 	snop  }
0x186: {  	[spmem:s2] =	stream.indirect.scatter.add.f32 [tilespmem:s10], [sflag:$0x3], $0x10, s1, s26, $0xb8;
	[tilespmem:$0x1A880] =	vst v63  }
0x187: {  	_ = 	snop  }
0x188: {  	[spmem:s2] =	stream.indirect.scatter.add.f32 [tilespmem:s11], [sflag:$0x3], $0x10, s20, s26, $0xb8;
	[tilespmem:$0x1A880] =	vst v63  }
0x189: {  	_ = 	snop  }
0x18a: {  	[spmem:s2] =	stream.indirect.scatter.add.f32 [tilespmem:s12], [sflag:$0x3], $0x10, s22, s26, $0xb8;
	[tilespmem:$0x1A880] =	vst v63  }
0x18b: {  	_ = 	snop  }
0x18c: {  	[spmem:s2] =	stream.indirect.scatter.add.f32 [tilespmem:s13], [sflag:$0x3], $0x10, s24, s26, $0xb8;
	[tilespmem:$0x1A880] =	vst v63  }
0x18d: {  	_ = 	snop  }
0x18e: {  	[spmem:s2] =	stream.indirect.scatter.add.f32 [tilespmem:s14], [sflag:$0x3], $0x10, s0, s26, $0xb8;
	[tilespmem:$0x1A880] =	vst v63  }
0x18f: {  	s28 =	simm.s32 $0x700  }
0x190: {  	[spmem:s2] =	stream.indirect.scatter.add.f32 [tilespmem:s15], [sflag:$0x3], $0x10, s28, s26, $0xb8;
	[tilespmem:$0x1A880] =	vst v63  }
0x191: {  	_ = 	snop  }
0x192: {  	[spmem:s2] =	stream.indirect.scatter.add.f32 [tilespmem:s30], [sflag:$0x3], $0x10, s29, s26, $0xb8;
	[tilespmem:$0x1A880] =	vst v63  }
0x193: {  	_ =	swait.ge [sflag:s17], $0x800  }
0x194: {  	[sflag:s17] =	ssyncset.done $0x0  }
0x195: {  	[sflag:s17] =	ssyncadd.s32 $0xFFFFF800  }
0x196: {  	_ =	swait.ge [sflag:s17], $0x800  }
0x197: {  	[sflag:s17] =	ssyncset.done $0x0  }
0x198: {  	[sflag:s17] =	ssyncadd.s32 $0xFFFFF800  }
0x199: {  	_ =	swait.ge [sflag:s17], $0x800  }
0x19a: {  	[sflag:s17] =	ssyncset.done $0x0  }
0x19b: {  	[sflag:s17] =	ssyncadd.s32 $0xFFFFF800  }
0x19c: {  	_ =	swait.ge [sflag:s17], $0x800  }
0x19d: {  	[sflag:s17] =	ssyncset.done $0x0  }
0x19e: {  	[sflag:s17] =	ssyncadd.s32 $0xFFFFF800  }
0x19f: {  	_ =	swait.ge [sflag:s17], $0x800  }
0x1a0: {  	[sflag:s17] =	ssyncset.done $0x0  }
0x1a1: {  	[sflag:s17] =	ssyncadd.s32 $0xFFFFF800  }
0x1a2: {  	_ =	swait.ge [sflag:s17], $0x800  }
0x1a3: {  	[sflag:s17] =	ssyncset.done $0x0  }
0x1a4: {  	p1 =	sne.s32 s18, $0x480;
	[sflag:s17] =	ssyncadd.s32 $0xFFFFF800  }
.Ltmp1:
0x1a5: {  	_ =	swait.ge [sflag:s17], $0x800;
	(pc) =	sbr.rel @p1 .LBB2_4-.Ltmp1, $4  }
0x1a6: {  	[sflag:s17] =	ssyncset.done $0x0  }
0x1a7: {  	[sflag:s17] =	ssyncadd.s32 $0xFFFFF800  }
0x1a8: {  	_ =	swait.ge [sflag:s17], $0x800  }
0x1a9: {  	s18 =	sadd.s32 $0x80, s18;
	s25 =	rddreg [dreg:$0x6];
	[sflag:s17] =	ssyncset.done $0x0  }
0x1aa: {  	s18 =	rddreg [dreg:$0x5];
	[sflag:s17] =	ssyncadd.s32 $0xFFFFF800;
	s25 =	sadd.s32 s7, s25  }
0x1ab: {  	[tilespmem:s4], [sflag:$0x1] =	stream.linear.gather [hbm4b:s25+s4], $0x80, $0x38;
	[tilespmem:$0x1A880] =	vst v63  }
0x1ac: {  	s31 =	simm.s32 $0x400;
	s7 =	sadd.s32 s7, s18  }
0x1ad: {  	[tilespmem:s31], [sflag:$0x1] =	stream.linear.gather [hbm4b:s7+s4], $0x80, $0x38;
	[tilespmem:$0x1A880] =	vst v63  }
0x1ae: {  	s20 =	sadd.s32 $0x10, s25  }
0x1af: {  	[tilespmem:s26], [sflag:$0x1] =	stream.linear.gather [hbm4b:s20+s4], $0x80, $0x38;
	[tilespmem:$0x1A880] =	vst v63  }
0x1b0: {  	s1 =	simm.s32 $0x480;
	s21 =	sadd.s32 $0x10, s7  }
0x1b1: {  	[tilespmem:s1], [sflag:$0x1] =	stream.linear.gather [hbm4b:s21+s4], $0x80, $0x38;
	[tilespmem:$0x1A880] =	vst v63  }
0x1b2: {  	s19 =	simm.s32 $0x100;
	s22 =	sadd.s32 $0x20, s25  }
0x1b3: {  	[tilespmem:s19], [sflag:$0x1] =	stream.linear.gather [hbm4b:s22+s4], $0x80, $0x38;
	[tilespmem:$0x1A880] =	vst v63  }
0x1b4: {  	s23 =	sadd.s32 $0x20, s7;
	s20 =	simm.s32 $0x500  }
0x1b5: {  	[tilespmem:s20], [sflag:$0x1] =	stream.linear.gather [hbm4b:s23+s4], $0x80, $0x38;
	[tilespmem:$0x1A880] =	vst v63  }
0x1b6: {  	s24 =	sadd.s32 $0x30, s25;
	s21 =	simm.s32 $0x180  }
0x1b7: {  	[tilespmem:s21], [sflag:$0x1] =	stream.linear.gather [hbm4b:s24+s4], $0x80, $0x38;
	[tilespmem:$0x1A880] =	vst v63  }
0x1b8: {  	s0 =	sadd.s32 $0x30, s7;
	s22 =	simm.s32 $0x580  }
0x1b9: {  	[tilespmem:s22], [sflag:$0x1] =	stream.linear.gather [hbm4b:s0+s4], $0x80, $0x38;
	[tilespmem:$0x1A880] =	vst v63  }
0x1ba: {  	s5 =	sadd.s32 $0x40, s25;
	s23 =	simm.s32 $0x200  }
0x1bb: {  	[tilespmem:s23], [sflag:$0x1] =	stream.linear.gather [hbm4b:s5+s4], $0x80, $0x38;
	[tilespmem:$0x1A880] =	vst v63  }
0x1bc: {  	s9 =	sadd.s32 $0x40, s7;
	s24 =	simm.s32 $0x600  }
0x1bd: {  	[tilespmem:s24], [sflag:$0x1] =	stream.linear.gather [hbm4b:s9+s4], $0x80, $0x38;
	[tilespmem:$0x1A880] =	vst v63  }
0x1be: {  	s0 =	sadd.s32 $0x50, s25;
	s5 =	simm.s32 $0x280  }
0x1bf: {  	[tilespmem:s5], [sflag:$0x1] =	stream.linear.gather [hbm4b:s0+s4], $0x80, $0x38;
	[tilespmem:$0x1A880] =	vst v63  }
0x1c0: {  	s9 =	sadd.s32 $0x50, s7;
	s0 =	simm.s32 $0x680  }
0x1c1: {  	[tilespmem:s0], [sflag:$0x1] =	stream.linear.gather [hbm4b:s9+s4], $0x80, $0x38;
	[tilespmem:$0x1A880] =	vst v63  }
0x1c2: {  	s18 =	sadd.s32 $0x60, s25;
	s9 =	simm.s32 $0x300  }
0x1c3: {  	[tilespmem:s9], [sflag:$0x1] =	stream.linear.gather [hbm4b:s18+s4], $0x80, $0x38;
	[tilespmem:$0x1A880] =	vst v63  }
0x1c4: {  	s18 =	sadd.s32 $0x60, s7  }
0x1c5: {  	[tilespmem:s28], [sflag:$0x1] =	stream.linear.gather [hbm4b:s18+s4], $0x80, $0x38;
	[tilespmem:$0x1A880] =	vst v63  }
0x1c6: {  	s25 =	sadd.s32 $0x70, s25  }
0x1c7: {  	[tilespmem:s8], [sflag:$0x1] =	stream.linear.gather [hbm4b:s25+s4], $0x80, $0x38;
	[tilespmem:$0x1A880] =	vst v63  }
0x1c8: {  	s7 =	sadd.s32 $0x70, s7  }
0x1c9: {  	[tilespmem:s29], [sflag:$0x1] =	stream.linear.gather [hbm4b:s7+s4], $0x80, $0x38;
	[tilespmem:$0x1A880] =	vst v63  }
0x1ca: {  	_ =	swait.ge [sflag:s6], $0x80  }
0x1cb: {  	[sflag:s6] =	ssyncset.done $0x0  }
0x1cc: {  	[sflag:s6] =	ssyncadd.s32 $0xFFFFFF80  }
0x1cd: {  	_ =	swait.ge [sflag:s6], $0x80  }
0x1ce: {  	[sflag:s6] =	ssyncset.done $0x0  }
0x1cf: {  	[sflag:s6] =	ssyncadd.s32 $0xFFFFFF80  }
0x1d0: {  	_ =	swait.ge [sflag:s6], $0x80  }
0x1d1: {  	[sflag:s6] =	ssyncset.done $0x0  }
0x1d2: {  	[sflag:s6] =	ssyncadd.s32 $0xFFFFFF80  }
0x1d3: {  	_ =	swait.ge [sflag:s6], $0x80  }
0x1d4: {  	[sflag:s6] =	ssyncset.done $0x0  }
0x1d5: {  	[sflag:s6] =	ssyncadd.s32 $0xFFFFFF80  }
0x1d6: {  	_ =	swait.ge [sflag:s6], $0x80  }
0x1d7: {  	[sflag:s6] =	ssyncset.done $0x0  }
0x1d8: {  	[sflag:s6] =	ssyncadd.s32 $0xFFFFFF80  }
0x1d9: {  	_ =	swait.ge [sflag:s6], $0x80  }
0x1da: {  	[sflag:s6] =	ssyncset.done $0x0  }
0x1db: {  	[sflag:s6] =	ssyncadd.s32 $0xFFFFFF80  }
0x1dc: {  	_ =	swait.ge [sflag:s6], $0x80  }
0x1dd: {  	[sflag:s6] =	ssyncset.done $0x0  }
0x1de: {  	[sflag:s6] =	ssyncadd.s32 $0xFFFFFF80  }
0x1df: {  	_ =	swait.ge [sflag:s6], $0x80  }
0x1e0: {  	[sflag:s6] =	ssyncset.done $0x0  }
0x1e1: {  	[sflag:s6] =	ssyncadd.s32 $0xFFFFFF80  }
0x1e2: {  	_ =	swait.ge [sflag:s6], $0x80  }
0x1e3: {  	[sflag:s6] =	ssyncset.done $0x0  }
0x1e4: {  	[sflag:s6] =	ssyncadd.s32 $0xFFFFFF80  }
0x1e5: {  	_ =	swait.ge [sflag:s6], $0x80  }
0x1e6: {  	[sflag:s6] =	ssyncset.done $0x0  }
0x1e7: {  	[sflag:s6] =	ssyncadd.s32 $0xFFFFFF80  }
0x1e8: {  	_ =	swait.ge [sflag:s6], $0x80  }
0x1e9: {  	[sflag:s6] =	ssyncset.done $0x0  }
0x1ea: {  	[sflag:s6] =	ssyncadd.s32 $0xFFFFFF80  }
0x1eb: {  	_ =	swait.ge [sflag:s6], $0x80  }
0x1ec: {  	[sflag:s6] =	ssyncset.done $0x0  }
0x1ed: {  	[sflag:s6] =	ssyncadd.s32 $0xFFFFFF80  }
0x1ee: {  	_ =	swait.ge [sflag:s6], $0x80  }
0x1ef: {  	[sflag:s6] =	ssyncset.done $0x0  }
0x1f0: {  	[sflag:s6] =	ssyncadd.s32 $0xFFFFFF80  }
0x1f1: {  	_ =	swait.ge [sflag:s6], $0x80  }
0x1f2: {  	[sflag:s6] =	ssyncset.done $0x0  }
0x1f3: {  	[sflag:s6] =	ssyncadd.s32 $0xFFFFFF80  }
0x1f4: {  	_ =	swait.ge [sflag:s6], $0x80  }
0x1f5: {  	[sflag:s6] =	ssyncset.done $0x0  }
0x1f6: {  	[sflag:s6] =	ssyncadd.s32 $0xFFFFFF80  }
0x1f7: {  	_ =	swait.ge [sflag:s6], $0x80  }
0x1f8: {  	[sflag:s6] =	ssyncset.done $0x0  }
0x1f9: {  	s25 =	simm.s32 $0x800;
	[sflag:s6] =	ssyncadd.s32 $0xFFFFFF80  }
0x1fa: {  	[tilespmem:s25], [sflag:$0x2] =	stream.indirect.gather [spmem:s3], $0x10, s4, s26, $0xb8;
	[tilespmem:$0x1A880] =	vst v63  }
0x1fb: {  	_ = 	snop  }
0x1fc: {  	[tilespmem:s10], [sflag:$0x2] =	stream.indirect.gather [spmem:s3], $0x10, s26, s26, $0xb8;
	[tilespmem:$0x1A880] =	vst v63  }
0x1fd: {  	_ = 	snop  }
0x1fe: {  	[tilespmem:s11], [sflag:$0x2] =	stream.indirect.gather [spmem:s3], $0x10, s19, s26, $0xb8;
	[tilespmem:$0x1A880] =	vst v63  }
0x1ff: {  	_ = 	snop  }
0x200: {  	[tilespmem:s12], [sflag:$0x2] =	stream.indirect.gather [spmem:s3], $0x10, s21, s26, $0xb8;
	[tilespmem:$0x1A880] =	vst v63  }
0x201: {  	_ = 	snop  }
0x202: {  	[tilespmem:s13], [sflag:$0x2] =	stream.indirect.gather [spmem:s3], $0x10, s23, s26, $0xb8;
	[tilespmem:$0x1A880] =	vst v63  }
0x203: {  	_ = 	snop  }
0x204: {  	[tilespmem:s14], [sflag:$0x2] =	stream.indirect.gather [spmem:s3], $0x10, s5, s26, $0xb8;
	[tilespmem:$0x1A880] =	vst v63  }
0x205: {  	_ = 	snop  }
0x206: {  	[tilespmem:s15], [sflag:$0x2] =	stream.indirect.gather [spmem:s3], $0x10, s9, s26, $0xb8;
	[tilespmem:$0x1A880] =	vst v63  }
0x207: {  	_ = 	snop  }
0x208: {  	[tilespmem:s30], [sflag:$0x2] =	stream.indirect.gather [spmem:s3], $0x10, s8, s26, $0xb8;
	[tilespmem:$0x1A880] =	vst v63  }
0x209: {  	_ =	swait.ge [sflag:s16], $0x800  }
0x20a: {  	[sflag:s16] =	ssyncset.done $0x0  }
0x20b: {  	[sflag:s16] =	ssyncadd.s32 $0xFFFFF800  }
0x20c: {  	_ =	swait.ge [sflag:s16], $0x800  }
0x20d: {  	[sflag:s16] =	ssyncset.done $0x0  }
0x20e: {  	[sflag:s16] =	ssyncadd.s32 $0xFFFFF800  }
0x20f: {  	_ =	swait.ge [sflag:s16], $0x800  }
0x210: {  	[sflag:s16] =	ssyncset.done $0x0  }
0x211: {  	[sflag:s16] =	ssyncadd.s32 $0xFFFFF800  }
0x212: {  	_ =	swait.ge [sflag:s16], $0x800  }
0x213: {  	[sflag:s16] =	ssyncset.done $0x0  }
0x214: {  	[sflag:s16] =	ssyncadd.s32 $0xFFFFF800  }
0x215: {  	_ =	swait.ge [sflag:s16], $0x800  }
0x216: {  	[sflag:s16] =	ssyncset.done $0x0  }
0x217: {  	[sflag:s16] =	ssyncadd.s32 $0xFFFFF800  }
0x218: {  	_ =	swait.ge [sflag:s16], $0x800  }
0x219: {  	[sflag:s16] =	ssyncset.done $0x0  }
0x21a: {  	[sflag:s16] =	ssyncadd.s32 $0xFFFFF800  }
0x21b: {  	_ =	swait.ge [sflag:s16], $0x800  }
0x21c: {  	[sflag:s16] =	ssyncset.done $0x0  }
0x21d: {  	[sflag:s16] =	ssyncadd.s32 $0xFFFFF800  }
0x21e: {  	_ =	swait.ge [sflag:s16], $0x800  }
0x21f: {  	[sflag:s16] =	ssyncset.done $0x0  }
0x220: {  	[sflag:s16] =	ssyncadd.s32 $0xFFFFF800  }
0x221: {  	[spmem:s2] =	stream.indirect.scatter.add.f32 [tilespmem:s25], [sflag:$0x3], $0x10, s31, s26, $0xb8;
	[tilespmem:$0x1A880] =	vst v63  }
0x222: {  	_ = 	snop  }
0x223: {  	[spmem:s2] =	stream.indirect.scatter.add.f32 [tilespmem:s10], [sflag:$0x3], $0x10, s1, s26, $0xb8;
	[tilespmem:$0x1A880] =	vst v63  }
0x224: {  	_ = 	snop  }
0x225: {  	[spmem:s2] =	stream.indirect.scatter.add.f32 [tilespmem:s11], [sflag:$0x3], $0x10, s20, s26, $0xb8;
	[tilespmem:$0x1A880] =	vst v63  }
0x226: {  	_ = 	snop  }
0x227: {  	[spmem:s2] =	stream.indirect.scatter.add.f32 [tilespmem:s12], [sflag:$0x3], $0x10, s22, s26, $0xb8;
	[tilespmem:$0x1A880] =	vst v63  }
0x228: {  	_ = 	snop  }
0x229: {  	[spmem:s2] =	stream.indirect.scatter.add.f32 [tilespmem:s13], [sflag:$0x3], $0x10, s24, s26, $0xb8;
	[tilespmem:$0x1A880] =	vst v63  }
0x22a: {  	_ = 	snop  }
0x22b: {  	[spmem:s2] =	stream.indirect.scatter.add.f32 [tilespmem:s14], [sflag:$0x3], $0x10, s0, s26, $0xb8;
	[tilespmem:$0x1A880] =	vst v63  }
0x22c: {  	_ = 	snop  }
0x22d: {  	[spmem:s2] =	stream.indirect.scatter.add.f32 [tilespmem:s15], [sflag:$0x3], $0x10, s28, s26, $0xb8;
	[tilespmem:$0x1A880] =	vst v63  }
0x22e: {  	_ = 	snop  }
0x22f: {  	[spmem:s2] =	stream.indirect.scatter.add.f32 [tilespmem:s30], [sflag:$0x3], $0x10, s29, s26, $0xb8;
	[tilespmem:$0x1A880] =	vst v63  }
0x230: {  	_ =	swait.ge [sflag:s17], $0x800  }
0x231: {  	[sflag:s17] =	ssyncset.done $0x0  }
0x232: {  	[sflag:s17] =	ssyncadd.s32 $0xFFFFF800  }
0x233: {  	_ =	swait.ge [sflag:s17], $0x800  }
0x234: {  	[sflag:s17] =	ssyncset.done $0x0  }
0x235: {  	[sflag:s17] =	ssyncadd.s32 $0xFFFFF800  }
0x236: {  	_ =	swait.ge [sflag:s17], $0x800  }
0x237: {  	[sflag:s17] =	ssyncset.done $0x0  }
0x238: {  	[sflag:s17] =	ssyncadd.s32 $0xFFFFF800  }
0x239: {  	_ =	swait.ge [sflag:s17], $0x800  }
0x23a: {  	[sflag:s17] =	ssyncset.done $0x0  }
0x23b: {  	[sflag:s17] =	ssyncadd.s32 $0xFFFFF800  }
0x23c: {  	_ =	swait.ge [sflag:s17], $0x800  }
0x23d: {  	[sflag:s17] =	ssyncset.done $0x0  }
0x23e: {  	[sflag:s17] =	ssyncadd.s32 $0xFFFFF800  }
0x23f: {  	_ =	swait.ge [sflag:s17], $0x800  }
0x240: {  	[sflag:s17] =	ssyncset.done $0x0  }
0x241: {  	[sflag:s17] =	ssyncadd.s32 $0xFFFFF800  }
0x242: {  	_ =	swait.ge [sflag:s17], $0x800  }
0x243: {  	[sflag:s17] =	ssyncset.done $0x0  }
0x244: {  	[sflag:s17] =	ssyncadd.s32 $0xFFFFF800  }
0x245: {  	_ =	swait.ge [sflag:s17], $0x800  }
0x246: {  	[sflag:s17] =	ssyncset.done $0x0  }
0x247: {  	[sflag:s17] =	ssyncadd.s32 $0xFFFFF800  }
0x248: {  	[bflag:$0x0] =	sbarrier.arrive $0xFFFF  }
0x249: {  	s18 =	rddreg [dreg:$0x9]  }
0x24a: {  	s28 =	rddreg [dreg:$0x12]  }
0x24b: {  	s1 =	simm.s32 $0x4;
	s29 =	rddreg [dreg:$0x15]  }
0x24c: {  	[hbm:s28], [sflag:s18] =	dma.local [spmem:s29], $0x500  }
0x24d: {  	_ =	swait.ge [sflag:s1], $0x500  }
0x24e: {  	s30 =	rddreg [dreg:$0x14]  }
0x24f: {  	s31 =	rddreg [dreg:$0x13];
	s0 =	sadd.s32 $0x1, s30  }
0x250: {  	p1 =	sne.s32 s0, s31  }
.Ltmp2:
0x251: {  	_ = 	snop;
	(pc) =	sbr.rel @p1 .LBB2_1-.Ltmp2, $3  }
0x252: {  	_ =	sdelay $0x1  }
0x253: {  	[sflag:s1] =	ssyncset.done $0x0  }
0x254: {  	[sflag:s1] =	ssyncadd.s32 $0xFFFFFB00  }
0x255: {  	_ =	sfence.sel $0x180000  }
0x256: {  	[bflag:$0x0] =	sbarrier.arrive $0xFFFF  }
0x257: {  	_ =	strace $0x9000004A  }
0x258: {  	s0 =	stileid.u32;
	[bflag:$0x2] =	sbarrier.arrive $0xFFFF  }
0x259: {  	p0 =	sne.s32 s0, $0x0;
	s0 =	rddreg [dreg:$0x4]  }
0x25a: {  	s0 =	sadd.s32 @!p0 $0x100000, s0  }
0x25b: {  	[sflag:s0] =	ssyncadd.tile.s32 @!p0 $0x1;
	_ =	shalt  }
.Lfunc_end2:
_tile_overlayer_lowered:
.L_overlay_start_2:
0x25c: {  	(tag) =	ssettag $0x2  }
0x25d: {  	s0 =	rddreg [dreg:$0x0];
	s2 =	stileid.u32  }
0x25e: {  	s1 =	rddreg [dreg:$0x1];
	p0 =	sne.s32 s2, $0x0  }
0x25f: {  	s3 =	rddreg [dreg:$0x2];
	[bflag:$0x3] =	sbarrier.arrive $0xFFFF;
	s2 =	simm.s32 @!p0 $0x1C04  }
0x260: {  	[timem:s3], [sflag:s2] =	dma.local @!p0 [hbm:s0], s1  }
0x261: {  	s0 =	simm.s32 @!p0 $0x4  }
0x262: {  	_ =	swait.ge @!p0 [sflag:s0], s1  }
0x263: {  	s1 =	ssub.s32 @!p0 $0x0, s1;
	[sflag:s0] =	ssyncset.done @!p0 $0x0  }
0x264: {  	[sflag:s0] =	ssyncadd.s32 @!p0 s1  }
0x265: {  	[bflag:$0x3] =	sbarrier.arrive $0xFFFF  }
0x266: {  	_ =	shalt  }

// kernel: kernel.7.cloned.1.call-start
scs
__scs_entry_jumppad:
0x0: {  	(pc) =	sbr.rel $0x88, $3  }
0x1: {  	(tag) =	ssettag $0x0;
	lr =	simm.s32 $0x1  }
0x2: {  	[smem:$0x3F93] =	sst lr;
	_ =	strace $0xD0000000  }
0x3: {  	_ = 	snop  }
0x4: {  	_ = 	snop  }
0x5: {  	_ = 	snop  }
0x6: {  	_ = 	snop  }
0x7: {  	_ = 	snop  }
__scs_overlays_trampoline_lowered:
0x8: {  	[smem:$0x3FA2] =	sst s0  }
0x9: {  	[smem:$0x3FA3] =	sst s1  }
0xa: {  	[smem:$0x3FA4] =	sst s2  }
0xb: {  	[smem:$0x3FA5] =	sst s3  }
0xc: {  	[smem:$0x3FA6] =	sst s4  }
0xd: {  	[smem:$0x3FA7] =	sst s5  }
0xe: {  	[smem:$0x3FA8] =	sst s6  }
0xf: {  	[smem:$0x3FA9] =	sst s7  }
0x10: {  	[smem:$0x3FAA] =	sst s8  }
0x11: {  	[smem:$0x3FAB] =	sst s9;
	s0 =	simm.s32 @!p0 $0x0  }
0x12: {  	s1 =	sld [smem:$0x3F91];
	s0 =	simm.s32 @p0 $0x1  }
0x13: {  	[smem:$0x3FAC] =	sst s0;
	s0 =	simm.s32 @!p1 $0x0  }
0x14: {  	s2 =	sld [smem:$0x3F90];
	s0 =	simm.s32 @p1 $0x1  }
0x15: {  	[smem:$0x3FAD] =	sst s0;
	s0 =	simm.s32 @!p2 $0x0  }
0x16: {  	s3 =	sld [smem:$0x3FDB];
	s0 =	simm.s32 @p2 $0x1  }
0x17: {  	s4 =	simm.s32 $0x1BF5;
	[smem:$0x3FAF] =	sst s0  }
0x18: {  	s0 =	sld [smem:$0x3F92];
	_ =	swait.ge [sflag:s4], $0x0  }
0x19: {  	s7 =	sld [smem:$0x3F93]  }
0x1a: {  	s8 =	sadd.s32 $0xFFFFE003, lr  }
0x1b: {  	s9 =	sadd.s32 $0xFFFFFEF7, lr;
	s5 =	simm.s32 $0xFFFFFFFF;
	p2 =	slt.u32 s8, $0xFFFFF086  }
0x1c: {  	p1 =	slt.u32 s9, $0xF7A;
	s5 =	simm.s32 @!p2 $0x0  }
0x1d: {  	s5 =	simm.s32 @p1 $0x1;
	p0 =	seq.s32 s7, s2  }
0x1e: {  	s7 =	smul.u32 @!p0 $0xF7A, s2;
	p2 =	seq.s32 @!p0 s5, $0x0  }
0x1f: {  	s9 =	smul.u32 $0xF7A, s1;
	s8 =	simm.s32 @!p0 $0x1BF5;
	p2 =	por !p2, p0  }
0x20: {  	[sflag:s8] =	ssyncset.s32 @!p0 $0xFFFFF086;
	s6 =	sadd.s32 @!p0 s3, s7;
	s7 =	simm.s32 @!p0 $0x108  }
0x21: {  	s3 =	sadd.s32 s3, s9;
	s6 =	sadd.s32 @!p0 $0x88, s6;
	s7 =	simm.s32 @p2 $0x1082  }
0x22: {  	[simem:s7], [sflag:s8] =	dma.local @!p0 [hbm:s6], $0xF7A  }
0x23: {  	s9 =	sor.u32 $0xD0000000, s2;
	s6 =	simm.s32 $0x108;
	_ =	swait.ge @!p0 [sflag:s8], $0x0  }
0x24: {  	s3 =	sadd.s32 $0x88, s3;
	s6 =	simm.s32 @!p1 $0x1082;
	[sflag:s4] =	ssyncset.s32 $0xFFFFF086  }
0x25: {  	[simem:s6], [sflag:s4] =	dma.local [hbm:s3], $0xF7A  }
0x26: {  	[smem:$0x3F93] =	sst s1;
	(tag) =	ssettag s2;
	_ =	strace s9  }
0x27: {  	s1 =	sld [smem:$0x3FA3]  }
0x28: {  	s2 =	sld [smem:$0x3FA4]  }
0x29: {  	s4 =	sld [smem:$0x3FA6]  }
0x2a: {  	p0 =	seq.s32 s5, $0x0;
	s5 =	sld [smem:$0x3FA7]  }
0x2b: {  	s6 =	sld [smem:$0x3FA8]  }
0x2c: {  	s7 =	sld [smem:$0x3FA9]  }
0x2d: {  	s3 =	simm.s32 $0x108;
	s8 =	sld [smem:$0x3FAA]  }
0x2e: {  	s3 =	simm.s32 @!p0 $0x1082;
	s9 =	sld [smem:$0x3FAB]  }
0x2f: {  	lr =	sadd.s32 s0, s3;
	s0 =	sld [smem:$0x3FA2]  }
0x30: {  	s3 =	sld [smem:$0x3FA5]  }
0x31: {  	[smem:$0x3FAE] =	sst s10  }
0x32: {  	s10 =	sld [smem:$0x3FAC];
	_ =	sdelay $0x3  }
0x33: {  	p0 =	seq.s32 s10, $0x1;
	s10 =	sld [smem:$0x3FAE];
	_ =	sdelay $0x3  }
0x34: {  	[smem:$0x3FAE] =	sst s10  }
0x35: {  	s10 =	sld [smem:$0x3FAD];
	_ =	sdelay $0x3  }
0x36: {  	p1 =	seq.s32 s10, $0x1;
	s10 =	sld [smem:$0x3FAE];
	_ =	sdelay $0x3  }
0x37: {  	[smem:$0x3FAE] =	sst s10  }
0x38: {  	s10 =	sld [smem:$0x3FAF]  }
0x39: {  	_ = 	snop;
	(pc) =	sbr.ind lr, $3  }
0x3a: {  	_ = 	snop  }
0x3b: {  	_ = 	snop  }
0x3c: {  	p2 =	seq.s32 s10, $0x1;
	s10 =	sld [smem:$0x3FAE]  }
0x3d: {  	_ =	shalt  }
0x3e: {  	_ =	shalt  }
0x3f: {  	_ =	shalt  }
0x40: {  	_ =	shalt  }
0x41: {  	_ =	shalt  }
0x42: {  	_ =	shalt  }
0x43: {  	_ =	shalt  }
0x44: {  	_ =	shalt  }
0x45: {  	_ =	shalt  }
0x46: {  	_ =	shalt  }
0x47: {  	_ =	shalt  }
0x48: {  	_ =	shalt  }
0x49: {  	_ =	shalt  }
0x4a: {  	_ =	shalt  }
0x4b: {  	_ =	shalt  }
0x4c: {  	_ =	shalt  }
0x4d: {  	_ =	shalt  }
0x4e: {  	_ =	shalt  }
0x4f: {  	_ =	shalt  }
0x50: {  	_ =	shalt  }
0x51: {  	_ =	shalt  }
0x52: {  	_ =	shalt  }
0x53: {  	_ =	shalt  }
0x54: {  	_ =	shalt  }
0x55: {  	_ =	shalt  }
0x56: {  	_ =	shalt  }
0x57: {  	_ =	shalt  }
0x58: {  	_ =	shalt  }
0x59: {  	_ =	shalt  }
0x5a: {  	_ =	shalt  }
0x5b: {  	_ =	shalt  }
0x5c: {  	_ =	shalt  }
0x5d: {  	_ =	shalt  }
0x5e: {  	_ =	shalt  }
0x5f: {  	_ =	shalt  }
0x60: {  	_ =	shalt  }
0x61: {  	_ =	shalt  }
0x62: {  	_ =	shalt  }
0x63: {  	_ =	shalt  }
0x64: {  	_ =	shalt  }
0x65: {  	_ =	shalt  }
0x66: {  	_ =	shalt  }
0x67: {  	_ =	shalt  }
0x68: {  	_ =	shalt  }
0x69: {  	_ =	shalt  }
0x6a: {  	_ =	shalt  }
0x6b: {  	_ =	shalt  }
0x6c: {  	_ =	shalt  }
0x6d: {  	_ =	shalt  }
0x6e: {  	_ =	shalt  }
0x6f: {  	_ =	shalt  }
0x70: {  	_ =	shalt  }
0x71: {  	_ =	shalt  }
0x72: {  	_ =	shalt  }
0x73: {  	_ =	shalt  }
0x74: {  	_ =	shalt  }
0x75: {  	_ =	shalt  }
0x76: {  	_ =	shalt  }
0x77: {  	_ =	shalt  }
0x78: {  	_ =	shalt  }
0x79: {  	_ =	shalt  }
0x7a: {  	_ =	shalt  }
0x7b: {  	_ =	shalt  }
0x7c: {  	_ =	shalt  }
0x7d: {  	_ =	shalt  }
0x7e: {  	_ =	shalt  }
0x7f: {  	_ =	shalt  }
0x80: {  	_ =	shalt  }
0x81: {  	_ =	shalt  }
0x82: {  	_ =	shalt  }
0x83: {  	_ =	shalt  }
0x84: {  	_ =	shalt  }
0x85: {  	_ =	shalt  }
0x86: {  	_ =	shalt  }
0x87: {  	_ =	shalt  }
.Lfunc_end0:
.L_simem_size_0:
called_computation_lowered:
.L_overlay_start_0:
0x88: {  	s2 =	sld [smem:$0x3FD9]  }
0x89: {  	s3 =	sld [smem:$0x3FFE];
	_ =	sdelay $0x1  }
0x8a: {  	s1 =	srdreg.scid  }
0x8b: {  	s0 =	sand.u32 $0x1, s1  }
0x8c: {  	s17 =	sshll.u32 s0, $0xA;
	s2 =	sadd.s32 s3, s2  }
0x8d: {  	s2 =	sadd.s32 s2, s17  }
0x8e: {  	[smem:$0x3FBA] =	sst s2  }
0x8f: {  	_ = 	snop  }
0x90: {  	s2 =	sld [smem:$0x3FD0];
	(tm) =	ssettm $0x1  }
0x91: {  	s18 =	sld [smem:$0x3FFB];
	_ =	sdelay $0x3  }
0x92: {  	_ =	strace s18  }
0x93: {  	s3 =	sld [smem:$0x3FFC];
	_ =	sdelay $0x3  }
0x94: {  	_ =	strace s3  }
0x95: {  	s3 =	sld [smem:$0x3FFD];
	_ =	sdelay $0x3  }
0x96: {  	_ =	strace s3  }
0x97: {  	_ =	strace $0x8FFFFFFF  }
0x98: {  	s19 =	sld [smem:$0x3FDB];
	_ =	sdelay $0x1  }
0x99: {  	s4 =	simm.s32 $_scs_section_size  }
0x9a: {  	s5 =	simm.s32 $_size__tile_overlayer_lowered;
	s6 =	simm.s32 $_tile_overlayer_lowered  }
0x9b: {  	s22 =	simm.s32 $0x1BFF;
	s21 =	sshll.u32 s6, $0x1;
	s3 =	sadd.s32 s4, s19  }
0x9c: {  	s7 =	simm.s32 $0x0;
	s20 =	sshll.u32 s5, $0x1;
	s5 =	sadd.s32 s21, s3  }
0x9d: {  	[timem:s7], [sflag:s22] =	dma.local [hbm:s5], s20  }
0x9e: {  	_ =	swait.ge [sflag:s22], s20  }
0x9f: {  	s4 =	ssub.s32 $0x0, s20;
	[sflag:s22] =	ssyncset.done $0x0  }
0xa0: {  	[sflag:s22] =	ssyncadd.s32 s4;
	_ =	sdelay $0x1  }
0xa1: {  	s23 =	simm.s32 $0x1B8B  }
0xa2: {  	_ =	swait.ge [sflag:s23], $0x1  }
0xa3: {  	[sflag:s23] =	ssyncset.done $0x0  }
0xa4: {  	s25 =	simm.s32 $0x1B8E;
	s24 =	sld [smem:$0x3FFE];
	[sflag:s23] =	ssyncadd.s32 $0xFFFFFFFF  }
0xa5: {  	s26 =	simm.s32 $execute0_lowered;
	[smem:$0x3FD2] =	sst s25  }
0xa6: {  	s5 =	sshll.u32 s26, $0x1;
	_ =	strace $0x80000046;
	[dreg:$0x1] =	wrdreg $0xFFFFFFFF  }
0xa7: {  	s28 =	simm.s32 $_size_execute0_lowered;
	s3 =	sadd.s32 s3, s5;
	[dreg:$0x0] =	wrdreg $0x0  }
0xa8: {  	s5 =	sshll.u32 s28, $0x1;
	[dreg:$0x2] =	wrdreg s3  }
0xa9: {  	[dreg:$0x3] =	wrdreg s5  }
0xaa: {  	[dreg:$0x4] =	wrdreg $0xC0  }
0xab: {  	_ =	task [dreg:s7], $0x5FFFF  }
0xac: {  	[dreg:$0x1] =	wrdreg $0xFFFFFFFF  }
0xad: {  	[dreg:$0x0] =	wrdreg $0x60  }
0xae: {  	[dreg:$0x2] =	wrdreg s24  }
0xaf: {  	[dreg:$0x3] =	wrdreg s2  }
0xb0: {  	[dreg:$0x4] =	wrdreg $0x50000  }
0xb1: {  	[dreg:$0x5] =	wrdreg $0x78000  }
0xb2: {  	[dreg:$0x6] =	wrdreg $0xA0000  }
0xb3: {  	[dreg:$0x7] =	wrdreg $0x9  }
0xb4: {  	_ =	task.clear_ibuf [dreg:s7], $0x8FFFF;
	_ =	strace $0x90000046  }
0xb5: {  	s29 =	simm.s32 $0x9;
	_ =	strace $0x80000048  }
0xb6: {  	_ =	swait.ge [sflag:s29], $0x1  }
0xb7: {  	[sflag:s29] =	ssyncadd.s32 $0xFFFFFFFF  }
0xb8: {  	_ =	strace $0x90000048  }
0xb9: {  	_ =	sfence  }
0xba: {  	s30 =	sld [smem:$0x0];
	_ =	sdelay $0x2  }
0xbb: {  	s31 =	sshll.u32 s1, $0xD;
	s1 =	sshrl.u32 s1, $0x2  }
0xbc: {  	s3 =	sand.u32 $0x4000, s31;
	s1 =	sadd.s32 s1, s30  }
0xbd: {  	s0 =	sor.u32 s3, s0;
	s1 =	sshll.u32 s1, $0x11  }
0xbe: {  	s0 =	sor.u32 s1, s0  }
0xbf: {  	s0 =	sadd.s32 $0x8F2B, s0  }
0xc0: {  	[sflag:s0] =	ssyncadd.remote.s32 $0x1  }
0xc1: {  	_ =	sfence.sel $0xFFFF  }
0xc2: {  	[dreg:$0x0] =	wrdreg $0xFFFFFFFF;
	(pc) =	sbr.abs _section_cstart, $3  }
0xc3: {  	[dreg:$0x1] =	wrdreg $0xFFFFFFFF  }
0xc4: {  	_ =	task.clear_ibuf [dreg:s7], $0x2FFFF;
	_ =	strace $0x9FFFFFFF  }
0xc5: {  	(tm) =	ssettm $0x7FFFFFFF  }
tec
execute0_lowered:
.L_overlay_start_1:
0x0: {  	(tag) =	ssettag $0x1  }
0x1: {  	s0 =	rddreg [dreg:$0x0]  }
0x2: {  	s3 =	rddreg [dreg:$0x1]  }
0x3: {  	s1 =	rddreg [dreg:$0x2]  }
0x4: {  	s2 =	rddreg [dreg:$0x3];
	s14 =	stileid.u32  }
0x5: {  	s5 =	srdreg.scid;
	s4 =	rddreg [dreg:$0x4]  }
0x6: {  	s28 =	simm.s32 $0x5;
	s16 =	simm.s32 $0x4800;
	s29 =	simm.s32 $0x680  }
0x7: {  	s31 =	simm.s32 $0x700;
	s15 =	simm.s32 $0x4000;
	s6 =	smul.u32 $0x2710, s14  }
0x8: {  	s7 =	sand.u32 $0x1, s5;
	s8 =	smul.u32 $0x2800, s14;
	s5 =	simm.s32 $0x0  }
0x9: {  	s13 =	sadd.s32 $0x11000, s0;
	s20 =	sshll.u32 s14, $0x6;
	s14 =	smul.u32 $0x500, s14  }
0xa: {  	s18 =	sadd.s32 $0x11600, s0;
	s9 =	smul.u32 $0x28000, s7;
	[smem:$0x7FF] =	sst s5  }
0xb: {  	s11 =	smul.u32 $0x5000, s7;
	s7 =	ssub.s32 $0x2, s7;
	s23 =	sor.u32 $0x1C05, s20  }
0xc: {  	s20 =	simm.s32 $0x480;
	_ =	strace $0x80000047;
	[dreg:$0x8] =	wrdreg s13  }
0xd: {  	s10 =	sshrl.u32 s6, $0x3;
	[dreg:$0x9] =	wrdreg s18;
	s19 =	sshrl.u32 s7, $0x1  }
0xe: {  	s21 =	sadd.s32 s8, s1;
	s6 =	sadd.s32 s6, s4;
	s18 =	simm.s32 $0x400  }
0xf: {  	s13 =	simm.s32 $0x3800;
	[dreg:$0xa] =	wrdreg s23;
	s10 =	sadd.s32 s10, s0  }
0x10: {  	s9 =	sadd.s32 s8, s9;
	s12 =	sadd.s32 s11, s0;
	s7 =	ssub.s32 s7, s19  }
0x11: {  	s8 =	sadd.s32 s8, s2;
	s3 =	sadd.s32 s11, s3;
	s26 =	sshrl.u32 s6, $0x3  }
0x12: {  	s19 =	simm.s32 $0x80;
	s6 =	simm.s32 $0x0;
	s9 =	sshrl.u32 s9, $0x3  }
0x13: {  	s12 =	sadd.s32 s14, s12;
	s10 =	sadd.s32 $0x2000, s10;
	[dreg:$0x11] =	wrdreg s26  }
0x14: {  	s3 =	sadd.s32 s14, s3;
	s25 =	smax.u32 s7, $0x1;
	[dreg:$0xb] =	wrdreg s10  }
0x15: {  	s30 =	sshrl.u32 s8, $0x3;
	s26 =	simm.s32 $0x600;
	[dreg:$0xe] =	wrdreg s25  }
0x16: {  	s7 =	simm.s32 $0x1;
	s8 =	simm.s32 $0x2;
	[dreg:$0x7] =	wrdreg s3  }
0x17: {  	s14 =	simm.s32 $0x3;
	s22 =	sadd.s32 $0x7000, s12;
	[dreg:$0x10] =	wrdreg s30  }
0x18: {  	s0 =	sadd.s32 s9, s0;
	s25 =	sshrl.u32 s21, $0x3;
	[dreg:$0x6] =	wrdreg s22  }
0x19: {  	s21 =	simm.s32 $0x4;
	s24 =	sadd.s32 $0x11800, s0;
	[dreg:$0xf] =	wrdreg s25  }
0x1a: {  	s0 =	sadd.s32 $0x1B800, s0;
	s22 =	simm.s32 $0x500;
	[dreg:$0xc] =	wrdreg s24  }
0x1b: {  	[dreg:$0xd] =	wrdreg s0;
	s24 =	simm.s32 $0x580;
	s0 =	simm.s32 $0x780  }
.LBB2_1:
0x1c: {  	[dreg:$0x12] =	wrdreg s6  }
0x1d: {  	s3 =	rddreg [dreg:$0x8]  }
0x1e: {  	[spmem:s25], [sflag:s23] =	dma.local [hbm:s3], $0x500  }
0x1f: {  	_ =	swait.ge [sflag:s28], $0x500  }
0x20: {  	[sflag:s28] =	ssyncset.done $0x0  }
0x21: {  	[sflag:s28] =	ssyncadd.s32 $0xFFFFFB00  }
0x22: {  	[spmem:s30], [sflag:s23] =	dma.local [hbm:s3], $0x500  }
0x23: {  	_ =	swait.ge [sflag:s28], $0x500  }
0x24: {  	[sflag:s28] =	ssyncset.done $0x0  }
0x25: {  	s9 =	rddreg [dreg:$0x9];
	[sflag:s28] =	ssyncadd.s32 $0xFFFFFB00  }
0x26: {  	[tilespmem:s16], [sflag:$0x5] =	stream.linear.gather [hbm4b:s9+s5], $0x800, $0x38;
	[tilespmem:$0xC710] =	vst v63  }
0x27: {  	_ =	swait.ge [sflag:s28], $0x800  }
0x28: {  	[sflag:s28] =	ssyncset.done $0x0;
	s10 =	rddreg [dreg:$0xb]  }
0x29: {  	s11 =	rddreg [dreg:$0x11];
	[sflag:s28] =	ssyncadd.s32 $0xFFFFF800  }
0x2a: {  	[spmem:s11], [sflag:s23] =	dma.local [hbm:s10], $0x4E2  }
0x2b: {  	_ =	swait.ge [sflag:s28], $0x4E2  }
0x2c: {  	[sflag:s28] =	ssyncset.done $0x0  }
0x2d: {  	[sflag:s28] =	ssyncadd.s32 $0xFFFFFB1E  }
0x2e: {  	[bflag:$0x0] =	sbarrier.arrive $0xFFFF  }
0x2f: {  	s12 =	rddreg [dreg:$0x7]  }
0x30: {  	s17 =	rddreg [dreg:$0x6];
	s23 =	sadd.s32 $0x0, s12  }
0x31: {  	[tilespmem:s5], [sflag:$0x1] =	stream.linear.gather [hbm4b:s23+s5], $0x80, $0x38;
	[tilespmem:$0xC710] =	vst v63  }
0x32: {  	s25 =	sadd.s32 $0x0, s17  }
0x33: {  	[tilespmem:s18], [sflag:$0x1] =	stream.linear.gather [hbm4b:s25+s5], $0x80, $0x38;
	[tilespmem:$0xC710] =	vst v63  }
0x34: {  	s28 =	sadd.s32 $0x10, s23  }
0x35: {  	[tilespmem:s19], [sflag:$0x1] =	stream.linear.gather [hbm4b:s28+s5], $0x80, $0x38;
	[tilespmem:$0xC710] =	vst v63  }
0x36: {  	s28 =	sadd.s32 $0x10, s25  }
0x37: {  	[tilespmem:s20], [sflag:$0x1] =	stream.linear.gather [hbm4b:s28+s5], $0x80, $0x38;
	[tilespmem:$0xC710] =	vst v63  }
0x38: {  	s30 =	simm.s32 $0x100;
	s28 =	sadd.s32 $0x20, s23  }
0x39: {  	[tilespmem:s30], [sflag:$0x1] =	stream.linear.gather [hbm4b:s28+s5], $0x80, $0x38;
	[tilespmem:$0xC710] =	vst v63  }
0x3a: {  	s28 =	sadd.s32 $0x20, s25  }
0x3b: {  	[tilespmem:s22], [sflag:$0x1] =	stream.linear.gather [hbm4b:s28+s5], $0x80, $0x38;
	[tilespmem:$0xC710] =	vst v63  }
0x3c: {  	s9 =	simm.s32 $0x180;
	s28 =	sadd.s32 $0x30, s23  }
0x3d: {  	[tilespmem:s9], [sflag:$0x1] =	stream.linear.gather [hbm4b:s28+s5], $0x80, $0x38;
	[tilespmem:$0xC710] =	vst v63  }
0x3e: {  	s28 =	sadd.s32 $0x30, s25  }
0x3f: {  	[tilespmem:s24], [sflag:$0x1] =	stream.linear.gather [hbm4b:s28+s5], $0x80, $0x38;
	[tilespmem:$0xC710] =	vst v63  }
0x40: {  	s10 =	simm.s32 $0x200;
	s28 =	sadd.s32 $0x40, s23  }
0x41: {  	[tilespmem:s10], [sflag:$0x1] =	stream.linear.gather [hbm4b:s28+s5], $0x80, $0x38;
	[tilespmem:$0xC710] =	vst v63  }
0x42: {  	s28 =	sadd.s32 $0x40, s25  }
0x43: {  	[tilespmem:s26], [sflag:$0x1] =	stream.linear.gather [hbm4b:s28+s5], $0x80, $0x38;
	[tilespmem:$0xC710] =	vst v63  }
0x44: {  	s11 =	simm.s32 $0x280;
	s28 =	sadd.s32 $0x50, s23  }
0x45: {  	[tilespmem:s11], [sflag:$0x1] =	stream.linear.gather [hbm4b:s28+s5], $0x80, $0x38;
	[tilespmem:$0xC710] =	vst v63  }
0x46: {  	s28 =	sadd.s32 $0x50, s25  }
0x47: {  	[tilespmem:s29], [sflag:$0x1] =	stream.linear.gather [hbm4b:s28+s5], $0x80, $0x38;
	[tilespmem:$0xC710] =	vst v63  }
0x48: {  	s12 =	simm.s32 $0x300;
	s28 =	sadd.s32 $0x60, s23  }
0x49: {  	[tilespmem:s12], [sflag:$0x1] =	stream.linear.gather [hbm4b:s28+s5], $0x80, $0x38;
	[tilespmem:$0xC710] =	vst v63  }
0x4a: {  	s28 =	sadd.s32 $0x60, s25  }
0x4b: {  	[tilespmem:s31], [sflag:$0x1] =	stream.linear.gather [hbm4b:s28+s5], $0x80, $0x38;
	[tilespmem:$0xC710] =	vst v63  }
0x4c: {  	s17 =	simm.s32 $0x380;
	s23 =	sadd.s32 $0x70, s23  }
0x4d: {  	[tilespmem:s17], [sflag:$0x1] =	stream.linear.gather [hbm4b:s23+s5], $0x80, $0x38;
	[tilespmem:$0xC710] =	vst v63  }
0x4e: {  	s25 =	sadd.s32 $0x70, s25  }
0x4f: {  	[tilespmem:s0], [sflag:$0x1] =	stream.linear.gather [hbm4b:s25+s5], $0x80, $0x38;
	[tilespmem:$0xC710] =	vst v63  }
0x50: {  	_ =	swait.ge [sflag:s7], $0x80  }
0x51: {  	[sflag:s7] =	ssyncset.done $0x0  }
0x52: {  	[sflag:s7] =	ssyncadd.s32 $0xFFFFFF80  }
0x53: {  	_ =	swait.ge [sflag:s7], $0x80  }
0x54: {  	[sflag:s7] =	ssyncset.done $0x0  }
0x55: {  	[sflag:s7] =	ssyncadd.s32 $0xFFFFFF80  }
0x56: {  	_ =	swait.ge [sflag:s7], $0x80  }
0x57: {  	[sflag:s7] =	ssyncset.done $0x0  }
0x58: {  	[sflag:s7] =	ssyncadd.s32 $0xFFFFFF80  }
0x59: {  	_ =	swait.ge [sflag:s7], $0x80  }
0x5a: {  	[sflag:s7] =	ssyncset.done $0x0  }
0x5b: {  	[sflag:s7] =	ssyncadd.s32 $0xFFFFFF80  }
0x5c: {  	_ =	swait.ge [sflag:s7], $0x80  }
0x5d: {  	[sflag:s7] =	ssyncset.done $0x0  }
0x5e: {  	[sflag:s7] =	ssyncadd.s32 $0xFFFFFF80  }
0x5f: {  	_ =	swait.ge [sflag:s7], $0x80  }
0x60: {  	[sflag:s7] =	ssyncset.done $0x0  }
0x61: {  	[sflag:s7] =	ssyncadd.s32 $0xFFFFFF80  }
0x62: {  	_ =	swait.ge [sflag:s7], $0x80  }
0x63: {  	[sflag:s7] =	ssyncset.done $0x0  }
0x64: {  	[sflag:s7] =	ssyncadd.s32 $0xFFFFFF80  }
0x65: {  	_ =	swait.ge [sflag:s7], $0x80  }
0x66: {  	[sflag:s7] =	ssyncset.done $0x0  }
0x67: {  	[sflag:s7] =	ssyncadd.s32 $0xFFFFFF80  }
0x68: {  	_ =	swait.ge [sflag:s7], $0x80  }
0x69: {  	[sflag:s7] =	ssyncset.done $0x0  }
0x6a: {  	[sflag:s7] =	ssyncadd.s32 $0xFFFFFF80  }
0x6b: {  	_ =	swait.ge [sflag:s7], $0x80  }
0x6c: {  	[sflag:s7] =	ssyncset.done $0x0  }
0x6d: {  	[sflag:s7] =	ssyncadd.s32 $0xFFFFFF80  }
0x6e: {  	_ =	swait.ge [sflag:s7], $0x80  }
0x6f: {  	[sflag:s7] =	ssyncset.done $0x0  }
0x70: {  	[sflag:s7] =	ssyncadd.s32 $0xFFFFFF80  }
0x71: {  	_ =	swait.ge [sflag:s7], $0x80  }
0x72: {  	[sflag:s7] =	ssyncset.done $0x0  }
0x73: {  	[sflag:s7] =	ssyncadd.s32 $0xFFFFFF80  }
0x74: {  	_ =	swait.ge [sflag:s7], $0x80  }
0x75: {  	[sflag:s7] =	ssyncset.done $0x0  }
0x76: {  	[sflag:s7] =	ssyncadd.s32 $0xFFFFFF80  }
0x77: {  	_ =	swait.ge [sflag:s7], $0x80  }
0x78: {  	[sflag:s7] =	ssyncset.done $0x0  }
0x79: {  	[sflag:s7] =	ssyncadd.s32 $0xFFFFFF80  }
0x7a: {  	_ =	swait.ge [sflag:s7], $0x80  }
0x7b: {  	[sflag:s7] =	ssyncset.done $0x0  }
0x7c: {  	[sflag:s7] =	ssyncadd.s32 $0xFFFFFF80  }
0x7d: {  	_ =	swait.ge [sflag:s7], $0x80  }
0x7e: {  	[sflag:s7] =	ssyncset.done $0x0  }
0x7f: {  	s23 =	simm.s32 $0x800;
	[sflag:s7] =	ssyncadd.s32 $0xFFFFFF80  }
0x80: {  	[tilespmem:s23], [sflag:$0x2] =	stream.indirect.gather [spmem:s4], $0x10, s5, s19, $0xb8;
	[tilespmem:$0xC710] =	vst v63  }
0x81: {  	s25 =	simm.s32 $0x1000  }
0x82: {  	[tilespmem:s25], [sflag:$0x2] =	stream.indirect.gather [spmem:s4], $0x10, s19, s19, $0xb8;
	[tilespmem:$0xC710] =	vst v63  }
0x83: {  	s6 =	simm.s32 $0x1800  }
0x84: {  	[tilespmem:s6], [sflag:$0x2] =	stream.indirect.gather [spmem:s4], $0x10, s30, s19, $0xb8;
	[tilespmem:$0xC710] =	vst v63  }
0x85: {  	s3 =	simm.s32 $0x2000  }
0x86: {  	[tilespmem:s3], [sflag:$0x2] =	stream.indirect.gather [spmem:s4], $0x10, s9, s19, $0xb8;
	[tilespmem:$0xC710] =	vst v63  }
0x87: {  	s9 =	simm.s32 $0x2800  }
0x88: {  	[tilespmem:s9], [sflag:$0x2] =	stream.indirect.gather [spmem:s4], $0x10, s10, s19, $0xb8;
	[tilespmem:$0xC710] =	vst v63  }
0x89: {  	s30 =	simm.s32 $0x3000  }
0x8a: {  	[tilespmem:s30], [sflag:$0x2] =	stream.indirect.gather [spmem:s4], $0x10, s11, s19, $0xb8;
	[tilespmem:$0xC710] =	vst v63  }
0x8b: {  	_ = 	snop  }
0x8c: {  	[tilespmem:s13], [sflag:$0x2] =	stream.indirect.gather [spmem:s4], $0x10, s12, s19, $0xb8;
	[tilespmem:$0xC710] =	vst v63  }
0x8d: {  	_ = 	snop  }
0x8e: {  	[tilespmem:s15], [sflag:$0x2] =	stream.indirect.gather [spmem:s4], $0x10, s17, s19, $0xb8;
	[tilespmem:$0xC710] =	vst v63  }
0x8f: {  	_ =	swait.ge [sflag:s8], $0x800  }
0x90: {  	[sflag:s8] =	ssyncset.done $0x0  }
0x91: {  	[sflag:s8] =	ssyncadd.s32 $0xFFFFF800  }
0x92: {  	_ =	swait.ge [sflag:s8], $0x800  }
0x93: {  	[sflag:s8] =	ssyncset.done $0x0  }
0x94: {  	[sflag:s8] =	ssyncadd.s32 $0xFFFFF800  }
0x95: {  	_ =	swait.ge [sflag:s8], $0x800  }
0x96: {  	[sflag:s8] =	ssyncset.done $0x0  }
0x97: {  	[sflag:s8] =	ssyncadd.s32 $0xFFFFF800  }
0x98: {  	_ =	swait.ge [sflag:s8], $0x800  }
0x99: {  	[sflag:s8] =	ssyncset.done $0x0  }
0x9a: {  	[sflag:s8] =	ssyncadd.s32 $0xFFFFF800  }
0x9b: {  	_ =	swait.ge [sflag:s8], $0x800  }
0x9c: {  	[sflag:s8] =	ssyncset.done $0x0  }
0x9d: {  	[sflag:s8] =	ssyncadd.s32 $0xFFFFF800  }
0x9e: {  	_ =	swait.ge [sflag:s8], $0x800  }
0x9f: {  	[sflag:s8] =	ssyncset.done $0x0  }
0xa0: {  	[sflag:s8] =	ssyncadd.s32 $0xFFFFF800  }
0xa1: {  	_ =	swait.ge [sflag:s8], $0x800  }
0xa2: {  	[sflag:s8] =	ssyncset.done $0x0  }
0xa3: {  	[sflag:s8] =	ssyncadd.s32 $0xFFFFF800  }
0xa4: {  	_ =	swait.ge [sflag:s8], $0x800  }
0xa5: {  	[sflag:s8] =	ssyncset.done $0x0  }
0xa6: {  	[sflag:s8] =	ssyncadd.s32 $0xFFFFF800  }
0xa7: {  	[spmem:s1] =	stream.indirect.scatter.add.f32 [tilespmem:s23], [sflag:$0x3], $0x10, s18, s19, $0xb8;
	[tilespmem:$0xC710] =	vst v63  }
0xa8: {  	_ = 	snop  }
0xa9: {  	[spmem:s1] =	stream.indirect.scatter.add.f32 [tilespmem:s25], [sflag:$0x3], $0x10, s20, s19, $0xb8;
	[tilespmem:$0xC710] =	vst v63  }
0xaa: {  	_ = 	snop  }
0xab: {  	[spmem:s1] =	stream.indirect.scatter.add.f32 [tilespmem:s6], [sflag:$0x3], $0x10, s22, s19, $0xb8;
	[tilespmem:$0xC710] =	vst v63  }
0xac: {  	_ = 	snop  }
0xad: {  	[spmem:s1] =	stream.indirect.scatter.add.f32 [tilespmem:s3], [sflag:$0x3], $0x10, s24, s19, $0xb8;
	[tilespmem:$0xC710] =	vst v63  }
0xae: {  	_ = 	snop  }
0xaf: {  	[spmem:s1] =	stream.indirect.scatter.add.f32 [tilespmem:s9], [sflag:$0x3], $0x10, s26, s19, $0xb8;
	[tilespmem:$0xC710] =	vst v63  }
0xb0: {  	_ = 	snop  }
0xb1: {  	[spmem:s1] =	stream.indirect.scatter.add.f32 [tilespmem:s30], [sflag:$0x3], $0x10, s29, s19, $0xb8;
	[tilespmem:$0xC710] =	vst v63  }
0xb2: {  	_ = 	snop  }
0xb3: {  	[spmem:s1] =	stream.indirect.scatter.add.f32 [tilespmem:s13], [sflag:$0x3], $0x10, s31, s19, $0xb8;
	[tilespmem:$0xC710] =	vst v63  }
0xb4: {  	_ = 	snop  }
0xb5: {  	[spmem:s1] =	stream.indirect.scatter.add.f32 [tilespmem:s15], [sflag:$0x3], $0x10, s0, s19, $0xb8;
	[tilespmem:$0xC710] =	vst v63  }
0xb6: {  	_ = 	snop  }
0xb7: {  	[spmem:s2] =	stream.indirect.scatter.add.f32 [tilespmem:s16], [sflag:$0x4], $0x10, s18, s19, $0xb8;
	[tilespmem:$0xC710] =	vst v63  }
0xb8: {  	_ = 	snop  }
0xb9: {  	[spmem:s2] =	stream.indirect.scatter.add.f32 [tilespmem:s16], [sflag:$0x4], $0x10, s20, s19, $0xb8;
	[tilespmem:$0xC710] =	vst v63  }
0xba: {  	_ = 	snop  }
0xbb: {  	[spmem:s2] =	stream.indirect.scatter.add.f32 [tilespmem:s16], [sflag:$0x4], $0x10, s22, s19, $0xb8;
	[tilespmem:$0xC710] =	vst v63  }
0xbc: {  	_ = 	snop  }
0xbd: {  	[spmem:s2] =	stream.indirect.scatter.add.f32 [tilespmem:s16], [sflag:$0x4], $0x10, s24, s19, $0xb8;
	[tilespmem:$0xC710] =	vst v63  }
0xbe: {  	_ = 	snop  }
0xbf: {  	[spmem:s2] =	stream.indirect.scatter.add.f32 [tilespmem:s16], [sflag:$0x4], $0x10, s26, s19, $0xb8;
	[tilespmem:$0xC710] =	vst v63  }
0xc0: {  	_ = 	snop  }
0xc1: {  	[spmem:s2] =	stream.indirect.scatter.add.f32 [tilespmem:s16], [sflag:$0x4], $0x10, s29, s19, $0xb8;
	[tilespmem:$0xC710] =	vst v63  }
0xc2: {  	_ = 	snop  }
0xc3: {  	[spmem:s2] =	stream.indirect.scatter.add.f32 [tilespmem:s16], [sflag:$0x4], $0x10, s31, s19, $0xb8;
	[tilespmem:$0xC710] =	vst v63  }
0xc4: {  	_ = 	snop  }
0xc5: {  	[spmem:s2] =	stream.indirect.scatter.add.f32 [tilespmem:s16], [sflag:$0x4], $0x10, s0, s19, $0xb8;
	[tilespmem:$0xC710] =	vst v63  }
0xc6: {  	_ =	swait.ge [sflag:s14], $0x800  }
0xc7: {  	[sflag:s14] =	ssyncset.done $0x0  }
0xc8: {  	[sflag:s14] =	ssyncadd.s32 $0xFFFFF800  }
0xc9: {  	_ =	swait.ge [sflag:s14], $0x800  }
0xca: {  	[sflag:s14] =	ssyncset.done $0x0  }
0xcb: {  	[sflag:s14] =	ssyncadd.s32 $0xFFFFF800  }
0xcc: {  	_ =	swait.ge [sflag:s14], $0x800  }
0xcd: {  	[sflag:s14] =	ssyncset.done $0x0  }
0xce: {  	[sflag:s14] =	ssyncadd.s32 $0xFFFFF800  }
0xcf: {  	_ =	swait.ge [sflag:s14], $0x800  }
0xd0: {  	[sflag:s14] =	ssyncset.done $0x0  }
0xd1: {  	[sflag:s14] =	ssyncadd.s32 $0xFFFFF800  }
0xd2: {  	_ =	swait.ge [sflag:s14], $0x800  }
0xd3: {  	[sflag:s14] =	ssyncset.done $0x0  }
0xd4: {  	[sflag:s14] =	ssyncadd.s32 $0xFFFFF800  }
0xd5: {  	_ =	swait.ge [sflag:s14], $0x800  }
0xd6: {  	[sflag:s14] =	ssyncset.done $0x0  }
0xd7: {  	[sflag:s14] =	ssyncadd.s32 $0xFFFFF800  }
0xd8: {  	_ =	swait.ge [sflag:s14], $0x800  }
0xd9: {  	[sflag:s14] =	ssyncset.done $0x0  }
0xda: {  	[sflag:s14] =	ssyncadd.s32 $0xFFFFF800  }
0xdb: {  	_ =	swait.ge [sflag:s14], $0x800  }
0xdc: {  	[sflag:s14] =	ssyncset.done $0x0  }
0xdd: {  	[sflag:s14] =	ssyncadd.s32 $0xFFFFF800  }
0xde: {  	_ =	swait.ge [sflag:s21], $0x800  }
0xdf: {  	[sflag:s21] =	ssyncset.done $0x0  }
0xe0: {  	[sflag:s21] =	ssyncadd.s32 $0xFFFFF800  }
0xe1: {  	_ =	swait.ge [sflag:s21], $0x800  }
0xe2: {  	[sflag:s21] =	ssyncset.done $0x0  }
0xe3: {  	[sflag:s21] =	ssyncadd.s32 $0xFFFFF800  }
0xe4: {  	_ =	swait.ge [sflag:s21], $0x800  }
0xe5: {  	[sflag:s21] =	ssyncset.done $0x0  }
0xe6: {  	[sflag:s21] =	ssyncadd.s32 $0xFFFFF800  }
0xe7: {  	_ =	swait.ge [sflag:s21], $0x800  }
0xe8: {  	[sflag:s21] =	ssyncset.done $0x0  }
0xe9: {  	[sflag:s21] =	ssyncadd.s32 $0xFFFFF800  }
0xea: {  	_ =	swait.ge [sflag:s21], $0x800  }
0xeb: {  	[sflag:s21] =	ssyncset.done $0x0  }
0xec: {  	[sflag:s21] =	ssyncadd.s32 $0xFFFFF800  }
0xed: {  	_ =	swait.ge [sflag:s21], $0x800  }
0xee: {  	[sflag:s21] =	ssyncset.done $0x0  }
0xef: {  	[sflag:s21] =	ssyncadd.s32 $0xFFFFF800  }
0xf0: {  	_ =	swait.ge [sflag:s21], $0x800  }
0xf1: {  	[sflag:s21] =	ssyncset.done $0x0  }
0xf2: {  	[sflag:s21] =	ssyncadd.s32 $0xFFFFF800  }
0xf3: {  	s23 =	simm.s32 $0x80;
	_ =	swait.ge [sflag:s21], $0x800  }
0xf4: {  	s25 =	simm.s32 $0x100;
	s28 =	rddreg [dreg:$0x7];
	[sflag:s21] =	ssyncset.done $0x0  }
.LBB2_2:
0xf5: {  	[sflag:s21] =	ssyncadd.s32 $0xFFFFF800;
	s3 =	rddreg [dreg:$0x6];
	s28 =	sadd.s32 s23, s28  }
0xf6: {  	[tilespmem:s5], [sflag:$0x1] =	stream.linear.gather [hbm4b:s28+s5], $0x80, $0x38;
	[tilespmem:$0xC710] =	vst v63  }
0xf7: {  	s3 =	sadd.s32 s23, s3  }
0xf8: {  	[tilespmem:s18], [sflag:$0x1] =	stream.linear.gather [hbm4b:s3+s5], $0x80, $0x38;
	[tilespmem:$0xC710] =	vst v63  }
0xf9: {  	s10 =	sadd.s32 $0x10, s28  }
0xfa: {  	[tilespmem:s19], [sflag:$0x1] =	stream.linear.gather [hbm4b:s10+s5], $0x80, $0x38;
	[tilespmem:$0xC710] =	vst v63  }
0xfb: {  	s11 =	sadd.s32 $0x10, s3  }
0xfc: {  	[tilespmem:s20], [sflag:$0x1] =	stream.linear.gather [hbm4b:s11+s5], $0x80, $0x38;
	[tilespmem:$0xC710] =	vst v63  }
0xfd: {  	s9 =	simm.s32 $0x100;
	s12 =	sadd.s32 $0x20, s28  }
0xfe: {  	[tilespmem:s9], [sflag:$0x1] =	stream.linear.gather [hbm4b:s12+s5], $0x80, $0x38;
	[tilespmem:$0xC710] =	vst v63  }
0xff: {  	s17 =	sadd.s32 $0x20, s3  }
0x100: {  	[tilespmem:s22], [sflag:$0x1] =	stream.linear.gather [hbm4b:s17+s5], $0x80, $0x38;
	[tilespmem:$0xC710] =	vst v63  }
0x101: {  	s6 =	sadd.s32 $0x30, s28;
	s10 =	simm.s32 $0x180  }
0x102: {  	[tilespmem:s10], [sflag:$0x1] =	stream.linear.gather [hbm4b:s6+s5], $0x80, $0x38;
	[tilespmem:$0xC710] =	vst v63  }
0x103: {  	s11 =	sadd.s32 $0x30, s3  }
0x104: {  	[tilespmem:s24], [sflag:$0x1] =	stream.linear.gather [hbm4b:s11+s5], $0x80, $0x38;
	[tilespmem:$0xC710] =	vst v63  }
0x105: {  	s12 =	sadd.s32 $0x40, s28;
	s11 =	simm.s32 $0x200  }
0x106: {  	[tilespmem:s11], [sflag:$0x1] =	stream.linear.gather [hbm4b:s12+s5], $0x80, $0x38;
	[tilespmem:$0xC710] =	vst v63  }
0x107: {  	s17 =	sadd.s32 $0x40, s3  }
0x108: {  	[tilespmem:s26], [sflag:$0x1] =	stream.linear.gather [hbm4b:s17+s5], $0x80, $0x38;
	[tilespmem:$0xC710] =	vst v63  }
0x109: {  	s6 =	sadd.s32 $0x50, s28;
	s12 =	simm.s32 $0x280  }
0x10a: {  	[tilespmem:s12], [sflag:$0x1] =	stream.linear.gather [hbm4b:s6+s5], $0x80, $0x38;
	[tilespmem:$0xC710] =	vst v63  }
0x10b: {  	s17 =	sadd.s32 $0x50, s3  }
0x10c: {  	[tilespmem:s29], [sflag:$0x1] =	stream.linear.gather [hbm4b:s17+s5], $0x80, $0x38;
	[tilespmem:$0xC710] =	vst v63  }
0x10d: {  	s6 =	sadd.s32 $0x60, s28;
	s17 =	simm.s32 $0x300  }
0x10e: {  	[tilespmem:s17], [sflag:$0x1] =	stream.linear.gather [hbm4b:s6+s5], $0x80, $0x38;
	[tilespmem:$0xC710] =	vst v63  }
0x10f: {  	s30 =	smov.u32 s25;
	s6 =	sadd.s32 $0x60, s3  }
0x110: {  	[tilespmem:s31], [sflag:$0x1] =	stream.linear.gather [hbm4b:s6+s5], $0x80, $0x38;
	[tilespmem:$0xC710] =	vst v63  }
0x111: {  	s23 =	smov.u32 s30;
	s30 =	simm.s32 $0x380;
	s28 =	sadd.s32 $0x70, s28  }
0x112: {  	[tilespmem:s30], [sflag:$0x1] =	stream.linear.gather [hbm4b:s28+s5], $0x80, $0x38;
	[tilespmem:$0xC710] =	vst v63  }
0x113: {  	s3 =	sadd.s32 $0x70, s3  }
0x114: {  	[tilespmem:s0], [sflag:$0x1] =	stream.linear.gather [hbm4b:s3+s5], $0x80, $0x38;
	[tilespmem:$0xC710] =	vst v63  }
0x115: {  	_ =	swait.ge [sflag:s7], $0x80  }
0x116: {  	[sflag:s7] =	ssyncset.done $0x0  }
0x117: {  	[sflag:s7] =	ssyncadd.s32 $0xFFFFFF80  }
0x118: {  	_ =	swait.ge [sflag:s7], $0x80  }
0x119: {  	[sflag:s7] =	ssyncset.done $0x0  }
0x11a: {  	[sflag:s7] =	ssyncadd.s32 $0xFFFFFF80  }
0x11b: {  	_ =	swait.ge [sflag:s7], $0x80  }
0x11c: {  	[sflag:s7] =	ssyncset.done $0x0  }
0x11d: {  	[sflag:s7] =	ssyncadd.s32 $0xFFFFFF80  }
0x11e: {  	_ =	swait.ge [sflag:s7], $0x80  }
0x11f: {  	[sflag:s7] =	ssyncset.done $0x0  }
0x120: {  	[sflag:s7] =	ssyncadd.s32 $0xFFFFFF80  }
0x121: {  	_ =	swait.ge [sflag:s7], $0x80  }
0x122: {  	[sflag:s7] =	ssyncset.done $0x0  }
0x123: {  	[sflag:s7] =	ssyncadd.s32 $0xFFFFFF80  }
0x124: {  	_ =	swait.ge [sflag:s7], $0x80  }
0x125: {  	[sflag:s7] =	ssyncset.done $0x0  }
0x126: {  	[sflag:s7] =	ssyncadd.s32 $0xFFFFFF80  }
0x127: {  	_ =	swait.ge [sflag:s7], $0x80  }
0x128: {  	[sflag:s7] =	ssyncset.done $0x0  }
0x129: {  	[sflag:s7] =	ssyncadd.s32 $0xFFFFFF80  }
0x12a: {  	_ =	swait.ge [sflag:s7], $0x80  }
0x12b: {  	[sflag:s7] =	ssyncset.done $0x0  }
0x12c: {  	[sflag:s7] =	ssyncadd.s32 $0xFFFFFF80  }
0x12d: {  	_ =	swait.ge [sflag:s7], $0x80  }
0x12e: {  	[sflag:s7] =	ssyncset.done $0x0  }
0x12f: {  	[sflag:s7] =	ssyncadd.s32 $0xFFFFFF80  }
0x130: {  	_ =	swait.ge [sflag:s7], $0x80  }
0x131: {  	[sflag:s7] =	ssyncset.done $0x0  }
0x132: {  	[sflag:s7] =	ssyncadd.s32 $0xFFFFFF80  }
0x133: {  	_ =	swait.ge [sflag:s7], $0x80  }
0x134: {  	[sflag:s7] =	ssyncset.done $0x0  }
0x135: {  	[sflag:s7] =	ssyncadd.s32 $0xFFFFFF80  }
0x136: {  	_ =	swait.ge [sflag:s7], $0x80  }
0x137: {  	[sflag:s7] =	ssyncset.done $0x0  }
0x138: {  	[sflag:s7] =	ssyncadd.s32 $0xFFFFFF80  }
0x139: {  	_ =	swait.ge [sflag:s7], $0x80  }
0x13a: {  	[sflag:s7] =	ssyncset.done $0x0  }
0x13b: {  	[sflag:s7] =	ssyncadd.s32 $0xFFFFFF80  }
0x13c: {  	_ =	swait.ge [sflag:s7], $0x80  }
0x13d: {  	[sflag:s7] =	ssyncset.done $0x0  }
0x13e: {  	[sflag:s7] =	ssyncadd.s32 $0xFFFFFF80  }
0x13f: {  	_ =	swait.ge [sflag:s7], $0x80  }
0x140: {  	[sflag:s7] =	ssyncset.done $0x0  }
0x141: {  	[sflag:s7] =	ssyncadd.s32 $0xFFFFFF80  }
0x142: {  	_ =	swait.ge [sflag:s7], $0x80  }
0x143: {  	[sflag:s7] =	ssyncset.done $0x0  }
0x144: {  	s3 =	simm.s32 $0x800;
	[sflag:s7] =	ssyncadd.s32 $0xFFFFFF80  }
0x145: {  	[tilespmem:s3], [sflag:$0x2] =	stream.indirect.gather [spmem:s4], $0x10, s5, s19, $0xb8;
	[tilespmem:$0xC710] =	vst v63  }
0x146: {  	s28 =	simm.s32 $0x1000  }
0x147: {  	[tilespmem:s28], [sflag:$0x2] =	stream.indirect.gather [spmem:s4], $0x10, s19, s19, $0xb8;
	[tilespmem:$0xC710] =	vst v63  }
0x148: {  	s6 =	simm.s32 $0x1800  }
0x149: {  	[tilespmem:s6], [sflag:$0x2] =	stream.indirect.gather [spmem:s4], $0x10, s9, s19, $0xb8;
	[tilespmem:$0xC710] =	vst v63  }
0x14a: {  	s9 =	simm.s32 $0x2000  }
0x14b: {  	[tilespmem:s9], [sflag:$0x2] =	stream.indirect.gather [spmem:s4], $0x10, s10, s19, $0xb8;
	[tilespmem:$0xC710] =	vst v63  }
0x14c: {  	s10 =	simm.s32 $0x2800  }
0x14d: {  	[tilespmem:s10], [sflag:$0x2] =	stream.indirect.gather [spmem:s4], $0x10, s11, s19, $0xb8;
	[tilespmem:$0xC710] =	vst v63  }
0x14e: {  	s11 =	simm.s32 $0x3000  }
0x14f: {  	[tilespmem:s11], [sflag:$0x2] =	stream.indirect.gather [spmem:s4], $0x10, s12, s19, $0xb8;
	[tilespmem:$0xC710] =	vst v63  }
0x150: {  	_ = 	snop  }
0x151: {  	[tilespmem:s13], [sflag:$0x2] =	stream.indirect.gather [spmem:s4], $0x10, s17, s19, $0xb8;
	[tilespmem:$0xC710] =	vst v63  }
0x152: {  	_ = 	snop  }
0x153: {  	[tilespmem:s15], [sflag:$0x2] =	stream.indirect.gather [spmem:s4], $0x10, s30, s19, $0xb8;
	[tilespmem:$0xC710] =	vst v63  }
0x154: {  	_ =	swait.ge [sflag:s8], $0x800  }
0x155: {  	[sflag:s8] =	ssyncset.done $0x0  }
0x156: {  	[sflag:s8] =	ssyncadd.s32 $0xFFFFF800  }
0x157: {  	_ =	swait.ge [sflag:s8], $0x800  }
0x158: {  	[sflag:s8] =	ssyncset.done $0x0  }
0x159: {  	[sflag:s8] =	ssyncadd.s32 $0xFFFFF800  }
0x15a: {  	_ =	swait.ge [sflag:s8], $0x800  }
0x15b: {  	[sflag:s8] =	ssyncset.done $0x0  }
0x15c: {  	[sflag:s8] =	ssyncadd.s32 $0xFFFFF800  }
0x15d: {  	_ =	swait.ge [sflag:s8], $0x800  }
0x15e: {  	[sflag:s8] =	ssyncset.done $0x0  }
0x15f: {  	[sflag:s8] =	ssyncadd.s32 $0xFFFFF800  }
0x160: {  	_ =	swait.ge [sflag:s8], $0x800  }
0x161: {  	[sflag:s8] =	ssyncset.done $0x0  }
0x162: {  	[sflag:s8] =	ssyncadd.s32 $0xFFFFF800  }
0x163: {  	_ =	swait.ge [sflag:s8], $0x800  }
0x164: {  	[sflag:s8] =	ssyncset.done $0x0  }
0x165: {  	[sflag:s8] =	ssyncadd.s32 $0xFFFFF800  }
0x166: {  	_ =	swait.ge [sflag:s8], $0x800  }
0x167: {  	[sflag:s8] =	ssyncset.done $0x0  }
0x168: {  	[sflag:s8] =	ssyncadd.s32 $0xFFFFF800  }
0x169: {  	_ =	swait.ge [sflag:s8], $0x800  }
0x16a: {  	[sflag:s8] =	ssyncset.done $0x0  }
0x16b: {  	[sflag:s8] =	ssyncadd.s32 $0xFFFFF800  }
0x16c: {  	[spmem:s1] =	stream.indirect.scatter.add.f32 [tilespmem:s3], [sflag:$0x3], $0x10, s18, s19, $0xb8;
	[tilespmem:$0xC710] =	vst v63  }
0x16d: {  	_ = 	snop  }
0x16e: {  	[spmem:s1] =	stream.indirect.scatter.add.f32 [tilespmem:s28], [sflag:$0x3], $0x10, s20, s19, $0xb8;
	[tilespmem:$0xC710] =	vst v63  }
0x16f: {  	_ = 	snop  }
0x170: {  	[spmem:s1] =	stream.indirect.scatter.add.f32 [tilespmem:s6], [sflag:$0x3], $0x10, s22, s19, $0xb8;
	[tilespmem:$0xC710] =	vst v63  }
0x171: {  	_ = 	snop  }
0x172: {  	[spmem:s1] =	stream.indirect.scatter.add.f32 [tilespmem:s9], [sflag:$0x3], $0x10, s24, s19, $0xb8;
	[tilespmem:$0xC710] =	vst v63  }
0x173: {  	_ = 	snop  }
0x174: {  	[spmem:s1] =	stream.indirect.scatter.add.f32 [tilespmem:s10], [sflag:$0x3], $0x10, s26, s19, $0xb8;
	[tilespmem:$0xC710] =	vst v63  }
0x175: {  	_ = 	snop  }
0x176: {  	[spmem:s1] =	stream.indirect.scatter.add.f32 [tilespmem:s11], [sflag:$0x3], $0x10, s29, s19, $0xb8;
	[tilespmem:$0xC710] =	vst v63  }
0x177: {  	_ = 	snop  }
0x178: {  	[spmem:s1] =	stream.indirect.scatter.add.f32 [tilespmem:s13], [sflag:$0x3], $0x10, s31, s19, $0xb8;
	[tilespmem:$0xC710] =	vst v63  }
0x179: {  	_ = 	snop  }
0x17a: {  	[spmem:s1] =	stream.indirect.scatter.add.f32 [tilespmem:s15], [sflag:$0x3], $0x10, s0, s19, $0xb8;
	[tilespmem:$0xC710] =	vst v63  }
0x17b: {  	_ = 	snop  }
0x17c: {  	[spmem:s2] =	stream.indirect.scatter.add.f32 [tilespmem:s16], [sflag:$0x4], $0x10, s18, s19, $0xb8;
	[tilespmem:$0xC710] =	vst v63  }
0x17d: {  	_ = 	snop  }
0x17e: {  	[spmem:s2] =	stream.indirect.scatter.add.f32 [tilespmem:s16], [sflag:$0x4], $0x10, s20, s19, $0xb8;
	[tilespmem:$0xC710] =	vst v63  }
0x17f: {  	_ = 	snop  }
0x180: {  	[spmem:s2] =	stream.indirect.scatter.add.f32 [tilespmem:s16], [sflag:$0x4], $0x10, s22, s19, $0xb8;
	[tilespmem:$0xC710] =	vst v63  }
0x181: {  	_ = 	snop  }
0x182: {  	[spmem:s2] =	stream.indirect.scatter.add.f32 [tilespmem:s16], [sflag:$0x4], $0x10, s24, s19, $0xb8;
	[tilespmem:$0xC710] =	vst v63  }
0x183: {  	_ = 	snop  }
0x184: {  	[spmem:s2] =	stream.indirect.scatter.add.f32 [tilespmem:s16], [sflag:$0x4], $0x10, s26, s19, $0xb8;
	[tilespmem:$0xC710] =	vst v63  }
0x185: {  	_ = 	snop  }
0x186: {  	[spmem:s2] =	stream.indirect.scatter.add.f32 [tilespmem:s16], [sflag:$0x4], $0x10, s29, s19, $0xb8;
	[tilespmem:$0xC710] =	vst v63  }
0x187: {  	_ = 	snop  }
0x188: {  	[spmem:s2] =	stream.indirect.scatter.add.f32 [tilespmem:s16], [sflag:$0x4], $0x10, s31, s19, $0xb8;
	[tilespmem:$0xC710] =	vst v63  }
0x189: {  	_ = 	snop  }
0x18a: {  	[spmem:s2] =	stream.indirect.scatter.add.f32 [tilespmem:s16], [sflag:$0x4], $0x10, s0, s19, $0xb8;
	[tilespmem:$0xC710] =	vst v63  }
0x18b: {  	_ =	swait.ge [sflag:s14], $0x800  }
0x18c: {  	[sflag:s14] =	ssyncset.done $0x0  }
0x18d: {  	[sflag:s14] =	ssyncadd.s32 $0xFFFFF800  }
0x18e: {  	_ =	swait.ge [sflag:s14], $0x800  }
0x18f: {  	[sflag:s14] =	ssyncset.done $0x0  }
0x190: {  	[sflag:s14] =	ssyncadd.s32 $0xFFFFF800  }
0x191: {  	_ =	swait.ge [sflag:s14], $0x800  }
0x192: {  	[sflag:s14] =	ssyncset.done $0x0  }
0x193: {  	[sflag:s14] =	ssyncadd.s32 $0xFFFFF800  }
0x194: {  	_ =	swait.ge [sflag:s14], $0x800  }
0x195: {  	[sflag:s14] =	ssyncset.done $0x0  }
0x196: {  	[sflag:s14] =	ssyncadd.s32 $0xFFFFF800  }
0x197: {  	_ =	swait.ge [sflag:s14], $0x800  }
0x198: {  	[sflag:s14] =	ssyncset.done $0x0  }
0x199: {  	[sflag:s14] =	ssyncadd.s32 $0xFFFFF800  }
0x19a: {  	_ =	swait.ge [sflag:s14], $0x800  }
0x19b: {  	[sflag:s14] =	ssyncset.done $0x0  }
0x19c: {  	[sflag:s14] =	ssyncadd.s32 $0xFFFFF800  }
0x19d: {  	_ =	swait.ge [sflag:s14], $0x800  }
0x19e: {  	[sflag:s14] =	ssyncset.done $0x0  }
0x19f: {  	[sflag:s14] =	ssyncadd.s32 $0xFFFFF800  }
0x1a0: {  	_ =	swait.ge [sflag:s14], $0x800  }
0x1a1: {  	[sflag:s14] =	ssyncset.done $0x0  }
0x1a2: {  	[sflag:s14] =	ssyncadd.s32 $0xFFFFF800  }
0x1a3: {  	_ =	swait.ge [sflag:s21], $0x800  }
0x1a4: {  	[sflag:s21] =	ssyncset.done $0x0  }
0x1a5: {  	[sflag:s21] =	ssyncadd.s32 $0xFFFFF800  }
0x1a6: {  	_ =	swait.ge [sflag:s21], $0x800  }
0x1a7: {  	[sflag:s21] =	ssyncset.done $0x0  }
0x1a8: {  	[sflag:s21] =	ssyncadd.s32 $0xFFFFF800  }
0x1a9: {  	_ =	swait.ge [sflag:s21], $0x800  }
0x1aa: {  	[sflag:s21] =	ssyncset.done $0x0  }
0x1ab: {  	[sflag:s21] =	ssyncadd.s32 $0xFFFFF800  }
0x1ac: {  	_ =	swait.ge [sflag:s21], $0x800  }
0x1ad: {  	[sflag:s21] =	ssyncset.done $0x0  }
0x1ae: {  	[sflag:s21] =	ssyncadd.s32 $0xFFFFF800  }
0x1af: {  	_ =	swait.ge [sflag:s21], $0x800  }
0x1b0: {  	[sflag:s21] =	ssyncset.done $0x0  }
0x1b1: {  	[sflag:s21] =	ssyncadd.s32 $0xFFFFF800  }
0x1b2: {  	_ =	swait.ge [sflag:s21], $0x800  }
0x1b3: {  	[sflag:s21] =	ssyncset.done $0x0  }
0x1b4: {  	p0 =	sne.s32 s25, $0x480;
	[sflag:s21] =	ssyncadd.s32 $0xFFFFF800  }
.Ltmp0:
0x1b5: {  	_ =	swait.ge [sflag:s21], $0x800;
	(pc) =	sbr.rel @p0 .LBB2_2-.Ltmp0, $4  }
0x1b6: {  	[sflag:s21] =	ssyncset.done $0x0  }
0x1b7: {  	[sflag:s21] =	ssyncadd.s32 $0xFFFFF800  }
0x1b8: {  	_ =	swait.ge [sflag:s21], $0x800  }
0x1b9: {  	s25 =	sadd.s32 $0x80, s25;
	s28 =	rddreg [dreg:$0x7];
	[sflag:s21] =	ssyncset.done $0x0  }
0x1ba: {  	s3 =	rddreg [dreg:$0x6];
	[sflag:s21] =	ssyncadd.s32 $0xFFFFF800;
	s25 =	sadd.s32 s23, s28  }
0x1bb: {  	[tilespmem:s5], [sflag:$0x1] =	stream.linear.gather [hbm4b:s25+s5], $0x80, $0x38;
	[tilespmem:$0xC710] =	vst v63  }
0x1bc: {  	s3 =	sadd.s32 s23, s3  }
0x1bd: {  	[tilespmem:s18], [sflag:$0x1] =	stream.linear.gather [hbm4b:s3+s5], $0x80, $0x38;
	[tilespmem:$0xC710] =	vst v63  }
0x1be: {  	s10 =	sadd.s32 $0x10, s25  }
0x1bf: {  	[tilespmem:s19], [sflag:$0x1] =	stream.linear.gather [hbm4b:s10+s5], $0x80, $0x38;
	[tilespmem:$0xC710] =	vst v63  }
0x1c0: {  	s11 =	sadd.s32 $0x10, s3  }
0x1c1: {  	[tilespmem:s20], [sflag:$0x1] =	stream.linear.gather [hbm4b:s11+s5], $0x80, $0x38;
	[tilespmem:$0xC710] =	vst v63  }
0x1c2: {  	s9 =	simm.s32 $0x100;
	s12 =	sadd.s32 $0x20, s25  }
0x1c3: {  	[tilespmem:s9], [sflag:$0x1] =	stream.linear.gather [hbm4b:s12+s5], $0x80, $0x38;
	[tilespmem:$0xC710] =	vst v63  }
0x1c4: {  	s17 =	sadd.s32 $0x20, s3  }
0x1c5: {  	[tilespmem:s22], [sflag:$0x1] =	stream.linear.gather [hbm4b:s17+s5], $0x80, $0x38;
	[tilespmem:$0xC710] =	vst v63  }
0x1c6: {  	s6 =	sadd.s32 $0x30, s25;
	s10 =	simm.s32 $0x180  }
0x1c7: {  	[tilespmem:s10], [sflag:$0x1] =	stream.linear.gather [hbm4b:s6+s5], $0x80, $0x38;
	[tilespmem:$0xC710] =	vst v63  }
0x1c8: {  	s11 =	sadd.s32 $0x30, s3  }
0x1c9: {  	[tilespmem:s24], [sflag:$0x1] =	stream.linear.gather [hbm4b:s11+s5], $0x80, $0x38;
	[tilespmem:$0xC710] =	vst v63  }
0x1ca: {  	s12 =	sadd.s32 $0x40, s25;
	s11 =	simm.s32 $0x200  }
0x1cb: {  	[tilespmem:s11], [sflag:$0x1] =	stream.linear.gather [hbm4b:s12+s5], $0x80, $0x38;
	[tilespmem:$0xC710] =	vst v63  }
0x1cc: {  	s17 =	sadd.s32 $0x40, s3  }
0x1cd: {  	[tilespmem:s26], [sflag:$0x1] =	stream.linear.gather [hbm4b:s17+s5], $0x80, $0x38;
	[tilespmem:$0xC710] =	vst v63  }
0x1ce: {  	s6 =	sadd.s32 $0x50, s25;
	s12 =	simm.s32 $0x280  }
0x1cf: {  	[tilespmem:s12], [sflag:$0x1] =	stream.linear.gather [hbm4b:s6+s5], $0x80, $0x38;
	[tilespmem:$0xC710] =	vst v63  }
0x1d0: {  	s17 =	sadd.s32 $0x50, s3  }
0x1d1: {  	[tilespmem:s29], [sflag:$0x1] =	stream.linear.gather [hbm4b:s17+s5], $0x80, $0x38;
	[tilespmem:$0xC710] =	vst v63  }
0x1d2: {  	s6 =	sadd.s32 $0x60, s25;
	s17 =	simm.s32 $0x300  }
0x1d3: {  	[tilespmem:s17], [sflag:$0x1] =	stream.linear.gather [hbm4b:s6+s5], $0x80, $0x38;
	[tilespmem:$0xC710] =	vst v63  }
0x1d4: {  	s6 =	sadd.s32 $0x60, s3  }
0x1d5: {  	[tilespmem:s31], [sflag:$0x1] =	stream.linear.gather [hbm4b:s6+s5], $0x80, $0x38;
	[tilespmem:$0xC710] =	vst v63  }
0x1d6: {  	s6 =	sadd.s32 $0x70, s25;
	s25 =	simm.s32 $0x380  }
0x1d7: {  	[tilespmem:s25], [sflag:$0x1] =	stream.linear.gather [hbm4b:s6+s5], $0x80, $0x38;
	[tilespmem:$0xC710] =	vst v63  }
0x1d8: {  	s3 =	sadd.s32 $0x70, s3  }
0x1d9: {  	[tilespmem:s0], [sflag:$0x1] =	stream.linear.gather [hbm4b:s3+s5], $0x80, $0x38;
	[tilespmem:$0xC710] =	vst v63  }
0x1da: {  	_ =	swait.ge [sflag:s7], $0x80  }
0x1db: {  	[sflag:s7] =	ssyncset.done $0x0  }
0x1dc: {  	[sflag:s7] =	ssyncadd.s32 $0xFFFFFF80  }
0x1dd: {  	_ =	swait.ge [sflag:s7], $0x80  }
0x1de: {  	[sflag:s7] =	ssyncset.done $0x0  }
0x1df: {  	[sflag:s7] =	ssyncadd.s32 $0xFFFFFF80  }
0x1e0: {  	_ =	swait.ge [sflag:s7], $0x80  }
0x1e1: {  	[sflag:s7] =	ssyncset.done $0x0  }
0x1e2: {  	[sflag:s7] =	ssyncadd.s32 $0xFFFFFF80  }
0x1e3: {  	_ =	swait.ge [sflag:s7], $0x80  }
0x1e4: {  	[sflag:s7] =	ssyncset.done $0x0  }
0x1e5: {  	[sflag:s7] =	ssyncadd.s32 $0xFFFFFF80  }
0x1e6: {  	_ =	swait.ge [sflag:s7], $0x80  }
0x1e7: {  	[sflag:s7] =	ssyncset.done $0x0  }
0x1e8: {  	[sflag:s7] =	ssyncadd.s32 $0xFFFFFF80  }
0x1e9: {  	_ =	swait.ge [sflag:s7], $0x80  }
0x1ea: {  	[sflag:s7] =	ssyncset.done $0x0  }
0x1eb: {  	[sflag:s7] =	ssyncadd.s32 $0xFFFFFF80  }
0x1ec: {  	_ =	swait.ge [sflag:s7], $0x80  }
0x1ed: {  	[sflag:s7] =	ssyncset.done $0x0  }
0x1ee: {  	[sflag:s7] =	ssyncadd.s32 $0xFFFFFF80  }
0x1ef: {  	_ =	swait.ge [sflag:s7], $0x80  }
0x1f0: {  	[sflag:s7] =	ssyncset.done $0x0  }
0x1f1: {  	[sflag:s7] =	ssyncadd.s32 $0xFFFFFF80  }
0x1f2: {  	_ =	swait.ge [sflag:s7], $0x80  }
0x1f3: {  	[sflag:s7] =	ssyncset.done $0x0  }
0x1f4: {  	[sflag:s7] =	ssyncadd.s32 $0xFFFFFF80  }
0x1f5: {  	_ =	swait.ge [sflag:s7], $0x80  }
0x1f6: {  	[sflag:s7] =	ssyncset.done $0x0  }
0x1f7: {  	[sflag:s7] =	ssyncadd.s32 $0xFFFFFF80  }
0x1f8: {  	_ =	swait.ge [sflag:s7], $0x80  }
0x1f9: {  	[sflag:s7] =	ssyncset.done $0x0  }
0x1fa: {  	[sflag:s7] =	ssyncadd.s32 $0xFFFFFF80  }
0x1fb: {  	_ =	swait.ge [sflag:s7], $0x80  }
0x1fc: {  	[sflag:s7] =	ssyncset.done $0x0  }
0x1fd: {  	[sflag:s7] =	ssyncadd.s32 $0xFFFFFF80  }
0x1fe: {  	_ =	swait.ge [sflag:s7], $0x80  }
0x1ff: {  	[sflag:s7] =	ssyncset.done $0x0  }
0x200: {  	[sflag:s7] =	ssyncadd.s32 $0xFFFFFF80  }
0x201: {  	_ =	swait.ge [sflag:s7], $0x80  }
0x202: {  	[sflag:s7] =	ssyncset.done $0x0  }
0x203: {  	[sflag:s7] =	ssyncadd.s32 $0xFFFFFF80  }
0x204: {  	_ =	swait.ge [sflag:s7], $0x80  }
0x205: {  	[sflag:s7] =	ssyncset.done $0x0  }
0x206: {  	[sflag:s7] =	ssyncadd.s32 $0xFFFFFF80  }
0x207: {  	_ =	swait.ge [sflag:s7], $0x80  }
0x208: {  	[sflag:s7] =	ssyncset.done $0x0  }
0x209: {  	s3 =	simm.s32 $0x800;
	[sflag:s7] =	ssyncadd.s32 $0xFFFFFF80  }
0x20a: {  	[tilespmem:s3], [sflag:$0x2] =	stream.indirect.gather [spmem:s4], $0x10, s5, s19, $0xb8;
	[tilespmem:$0xC710] =	vst v63  }
0x20b: {  	s23 =	simm.s32 $0x1000  }
0x20c: {  	[tilespmem:s23], [sflag:$0x2] =	stream.indirect.gather [spmem:s4], $0x10, s19, s19, $0xb8;
	[tilespmem:$0xC710] =	vst v63  }
0x20d: {  	s6 =	simm.s32 $0x1800  }
0x20e: {  	[tilespmem:s6], [sflag:$0x2] =	stream.indirect.gather [spmem:s4], $0x10, s9, s19, $0xb8;
	[tilespmem:$0xC710] =	vst v63  }
0x20f: {  	s9 =	simm.s32 $0x2000  }
0x210: {  	[tilespmem:s9], [sflag:$0x2] =	stream.indirect.gather [spmem:s4], $0x10, s10, s19, $0xb8;
	[tilespmem:$0xC710] =	vst v63  }
0x211: {  	s10 =	simm.s32 $0x2800  }
0x212: {  	[tilespmem:s10], [sflag:$0x2] =	stream.indirect.gather [spmem:s4], $0x10, s11, s19, $0xb8;
	[tilespmem:$0xC710] =	vst v63  }
0x213: {  	s11 =	simm.s32 $0x3000  }
0x214: {  	[tilespmem:s11], [sflag:$0x2] =	stream.indirect.gather [spmem:s4], $0x10, s12, s19, $0xb8;
	[tilespmem:$0xC710] =	vst v63  }
0x215: {  	_ = 	snop  }
0x216: {  	[tilespmem:s13], [sflag:$0x2] =	stream.indirect.gather [spmem:s4], $0x10, s17, s19, $0xb8;
	[tilespmem:$0xC710] =	vst v63  }
0x217: {  	_ = 	snop  }
0x218: {  	[tilespmem:s15], [sflag:$0x2] =	stream.indirect.gather [spmem:s4], $0x10, s25, s19, $0xb8;
	[tilespmem:$0xC710] =	vst v63  }
0x219: {  	_ =	swait.ge [sflag:s8], $0x800  }
0x21a: {  	[sflag:s8] =	ssyncset.done $0x0  }
0x21b: {  	[sflag:s8] =	ssyncadd.s32 $0xFFFFF800  }
0x21c: {  	_ =	swait.ge [sflag:s8], $0x800  }
0x21d: {  	[sflag:s8] =	ssyncset.done $0x0  }
0x21e: {  	[sflag:s8] =	ssyncadd.s32 $0xFFFFF800  }
0x21f: {  	_ =	swait.ge [sflag:s8], $0x800  }
0x220: {  	[sflag:s8] =	ssyncset.done $0x0  }
0x221: {  	[sflag:s8] =	ssyncadd.s32 $0xFFFFF800  }
0x222: {  	_ =	swait.ge [sflag:s8], $0x800  }
0x223: {  	[sflag:s8] =	ssyncset.done $0x0  }
0x224: {  	[sflag:s8] =	ssyncadd.s32 $0xFFFFF800  }
0x225: {  	_ =	swait.ge [sflag:s8], $0x800  }
0x226: {  	[sflag:s8] =	ssyncset.done $0x0  }
0x227: {  	[sflag:s8] =	ssyncadd.s32 $0xFFFFF800  }
0x228: {  	_ =	swait.ge [sflag:s8], $0x800  }
0x229: {  	[sflag:s8] =	ssyncset.done $0x0  }
0x22a: {  	[sflag:s8] =	ssyncadd.s32 $0xFFFFF800  }
0x22b: {  	_ =	swait.ge [sflag:s8], $0x800  }
0x22c: {  	[sflag:s8] =	ssyncset.done $0x0  }
0x22d: {  	[sflag:s8] =	ssyncadd.s32 $0xFFFFF800  }
0x22e: {  	_ =	swait.ge [sflag:s8], $0x800  }
0x22f: {  	[sflag:s8] =	ssyncset.done $0x0  }
0x230: {  	[sflag:s8] =	ssyncadd.s32 $0xFFFFF800  }
0x231: {  	[spmem:s1] =	stream.indirect.scatter.add.f32 [tilespmem:s3], [sflag:$0x3], $0x10, s18, s19, $0xb8;
	[tilespmem:$0xC710] =	vst v63  }
0x232: {  	_ = 	snop  }
0x233: {  	[spmem:s1] =	stream.indirect.scatter.add.f32 [tilespmem:s23], [sflag:$0x3], $0x10, s20, s19, $0xb8;
	[tilespmem:$0xC710] =	vst v63  }
0x234: {  	_ = 	snop  }
0x235: {  	[spmem:s1] =	stream.indirect.scatter.add.f32 [tilespmem:s6], [sflag:$0x3], $0x10, s22, s19, $0xb8;
	[tilespmem:$0xC710] =	vst v63  }
0x236: {  	_ = 	snop  }
0x237: {  	[spmem:s1] =	stream.indirect.scatter.add.f32 [tilespmem:s9], [sflag:$0x3], $0x10, s24, s19, $0xb8;
	[tilespmem:$0xC710] =	vst v63  }
0x238: {  	_ = 	snop  }
0x239: {  	[spmem:s1] =	stream.indirect.scatter.add.f32 [tilespmem:s10], [sflag:$0x3], $0x10, s26, s19, $0xb8;
	[tilespmem:$0xC710] =	vst v63  }
0x23a: {  	_ = 	snop  }
0x23b: {  	[spmem:s1] =	stream.indirect.scatter.add.f32 [tilespmem:s11], [sflag:$0x3], $0x10, s29, s19, $0xb8;
	[tilespmem:$0xC710] =	vst v63  }
0x23c: {  	_ = 	snop  }
0x23d: {  	[spmem:s1] =	stream.indirect.scatter.add.f32 [tilespmem:s13], [sflag:$0x3], $0x10, s31, s19, $0xb8;
	[tilespmem:$0xC710] =	vst v63  }
0x23e: {  	_ = 	snop  }
0x23f: {  	[spmem:s1] =	stream.indirect.scatter.add.f32 [tilespmem:s15], [sflag:$0x3], $0x10, s0, s19, $0xb8;
	[tilespmem:$0xC710] =	vst v63  }
0x240: {  	_ = 	snop  }
0x241: {  	[spmem:s2] =	stream.indirect.scatter.add.f32 [tilespmem:s16], [sflag:$0x4], $0x10, s18, s19, $0xb8;
	[tilespmem:$0xC710] =	vst v63  }
0x242: {  	_ = 	snop  }
0x243: {  	[spmem:s2] =	stream.indirect.scatter.add.f32 [tilespmem:s16], [sflag:$0x4], $0x10, s20, s19, $0xb8;
	[tilespmem:$0xC710] =	vst v63  }
0x244: {  	_ = 	snop  }
0x245: {  	[spmem:s2] =	stream.indirect.scatter.add.f32 [tilespmem:s16], [sflag:$0x4], $0x10, s22, s19, $0xb8;
	[tilespmem:$0xC710] =	vst v63  }
0x246: {  	_ = 	snop  }
0x247: {  	[spmem:s2] =	stream.indirect.scatter.add.f32 [tilespmem:s16], [sflag:$0x4], $0x10, s24, s19, $0xb8;
	[tilespmem:$0xC710] =	vst v63  }
0x248: {  	_ = 	snop  }
0x249: {  	[spmem:s2] =	stream.indirect.scatter.add.f32 [tilespmem:s16], [sflag:$0x4], $0x10, s26, s19, $0xb8;
	[tilespmem:$0xC710] =	vst v63  }
0x24a: {  	_ = 	snop  }
0x24b: {  	[spmem:s2] =	stream.indirect.scatter.add.f32 [tilespmem:s16], [sflag:$0x4], $0x10, s29, s19, $0xb8;
	[tilespmem:$0xC710] =	vst v63  }
0x24c: {  	_ = 	snop  }
0x24d: {  	[spmem:s2] =	stream.indirect.scatter.add.f32 [tilespmem:s16], [sflag:$0x4], $0x10, s31, s19, $0xb8;
	[tilespmem:$0xC710] =	vst v63  }
0x24e: {  	_ = 	snop  }
0x24f: {  	[spmem:s2] =	stream.indirect.scatter.add.f32 [tilespmem:s16], [sflag:$0x4], $0x10, s0, s19, $0xb8;
	[tilespmem:$0xC710] =	vst v63  }
0x250: {  	_ =	swait.ge [sflag:s14], $0x800  }
0x251: {  	[sflag:s14] =	ssyncset.done $0x0  }
0x252: {  	[sflag:s14] =	ssyncadd.s32 $0xFFFFF800  }
0x253: {  	_ =	swait.ge [sflag:s14], $0x800  }
0x254: {  	[sflag:s14] =	ssyncset.done $0x0  }
0x255: {  	[sflag:s14] =	ssyncadd.s32 $0xFFFFF800  }
0x256: {  	_ =	swait.ge [sflag:s14], $0x800  }
0x257: {  	[sflag:s14] =	ssyncset.done $0x0  }
0x258: {  	[sflag:s14] =	ssyncadd.s32 $0xFFFFF800  }
0x259: {  	_ =	swait.ge [sflag:s14], $0x800  }
0x25a: {  	[sflag:s14] =	ssyncset.done $0x0  }
0x25b: {  	[sflag:s14] =	ssyncadd.s32 $0xFFFFF800  }
0x25c: {  	_ =	swait.ge [sflag:s14], $0x800  }
0x25d: {  	[sflag:s14] =	ssyncset.done $0x0  }
0x25e: {  	[sflag:s14] =	ssyncadd.s32 $0xFFFFF800  }
0x25f: {  	_ =	swait.ge [sflag:s14], $0x800  }
0x260: {  	[sflag:s14] =	ssyncset.done $0x0  }
0x261: {  	[sflag:s14] =	ssyncadd.s32 $0xFFFFF800  }
0x262: {  	_ =	swait.ge [sflag:s14], $0x800  }
0x263: {  	[sflag:s14] =	ssyncset.done $0x0  }
0x264: {  	[sflag:s14] =	ssyncadd.s32 $0xFFFFF800  }
0x265: {  	_ =	swait.ge [sflag:s14], $0x800  }
0x266: {  	[sflag:s14] =	ssyncset.done $0x0  }
0x267: {  	[sflag:s14] =	ssyncadd.s32 $0xFFFFF800  }
0x268: {  	_ =	swait.ge [sflag:s21], $0x800  }
0x269: {  	[sflag:s21] =	ssyncset.done $0x0  }
0x26a: {  	[sflag:s21] =	ssyncadd.s32 $0xFFFFF800  }
0x26b: {  	_ =	swait.ge [sflag:s21], $0x800  }
0x26c: {  	[sflag:s21] =	ssyncset.done $0x0  }
0x26d: {  	[sflag:s21] =	ssyncadd.s32 $0xFFFFF800  }
0x26e: {  	_ =	swait.ge [sflag:s21], $0x800  }
0x26f: {  	[sflag:s21] =	ssyncset.done $0x0  }
0x270: {  	[sflag:s21] =	ssyncadd.s32 $0xFFFFF800  }
0x271: {  	_ =	swait.ge [sflag:s21], $0x800  }
0x272: {  	[sflag:s21] =	ssyncset.done $0x0  }
0x273: {  	[sflag:s21] =	ssyncadd.s32 $0xFFFFF800  }
0x274: {  	_ =	swait.ge [sflag:s21], $0x800  }
0x275: {  	[sflag:s21] =	ssyncset.done $0x0  }
0x276: {  	[sflag:s21] =	ssyncadd.s32 $0xFFFFF800  }
0x277: {  	_ =	swait.ge [sflag:s21], $0x800  }
0x278: {  	[sflag:s21] =	ssyncset.done $0x0  }
0x279: {  	[sflag:s21] =	ssyncadd.s32 $0xFFFFF800  }
0x27a: {  	_ =	swait.ge [sflag:s21], $0x800  }
0x27b: {  	[sflag:s21] =	ssyncset.done $0x0  }
0x27c: {  	[sflag:s21] =	ssyncadd.s32 $0xFFFFF800  }
0x27d: {  	_ =	swait.ge [sflag:s21], $0x800  }
0x27e: {  	[sflag:s21] =	ssyncset.done $0x0  }
0x27f: {  	[sflag:s21] =	ssyncadd.s32 $0xFFFFF800  }
0x280: {  	[bflag:$0x0] =	sbarrier.arrive $0xFFFF  }
0x281: {  	s23 =	rddreg [dreg:$0xa]  }
0x282: {  	s10 =	rddreg [dreg:$0xc]  }
0x283: {  	s28 =	simm.s32 $0x5;
	s25 =	rddreg [dreg:$0xf]  }
0x284: {  	[hbm:s10], [sflag:s23] =	dma.local [spmem:s25], $0x500  }
0x285: {  	_ =	swait.ge [sflag:s28], $0x500  }
0x286: {  	[sflag:s28] =	ssyncset.done $0x0;
	s11 =	rddreg [dreg:$0xd]  }
0x287: {  	s30 =	rddreg [dreg:$0x10];
	[sflag:s28] =	ssyncadd.s32 $0xFFFFFB00  }
0x288: {  	[hbm:s11], [sflag:s23] =	dma.local [spmem:s30], $0x500  }
0x289: {  	_ =	swait.ge [sflag:s28], $0x500  }
0x28a: {  	s12 =	rddreg [dreg:$0x12]  }
0x28b: {  	s17 =	rddreg [dreg:$0xe];
	s6 =	sadd.s32 $0x1, s12  }
0x28c: {  	p0 =	sne.s32 s6, s17  }
.Ltmp1:
0x28d: {  	_ = 	snop;
	(pc) =	sbr.rel @p0 .LBB2_1-.Ltmp1, $3  }
0x28e: {  	_ =	sdelay $0x1  }
0x28f: {  	[sflag:s28] =	ssyncset.done $0x0  }
0x290: {  	[sflag:s28] =	ssyncadd.s32 $0xFFFFFB00  }
0x291: {  	_ =	sfence.sel $0x180000  }
0x292: {  	[bflag:$0x0] =	sbarrier.arrive $0xFFFF  }
0x293: {  	_ =	strace $0x90000047  }
0x294: {  	s0 =	stileid.u32;
	[bflag:$0x2] =	sbarrier.arrive $0xFFFF  }
0x295: {  	p0 =	sne.s32 s0, $0x0;
	s0 =	rddreg [dreg:$0x5]  }
0x296: {  	s0 =	sadd.s32 @!p0 $0x100000, s0  }
0x297: {  	[sflag:s0] =	ssyncadd.tile.s32 @!p0 $0x1;
	_ =	shalt  }
.Lfunc_end2:
_tile_overlayer_lowered:
.L_overlay_start_2:
0x298: {  	(tag) =	ssettag $0x2  }
0x299: {  	s0 =	rddreg [dreg:$0x0];
	s2 =	stileid.u32  }
0x29a: {  	s1 =	rddreg [dreg:$0x1];
	p0 =	sne.s32 s2, $0x0  }
0x29b: {  	s3 =	rddreg [dreg:$0x2];
	[bflag:$0x3] =	sbarrier.arrive $0xFFFF;
	s2 =	simm.s32 @!p0 $0x1C05  }
0x29c: {  	[timem:s3], [sflag:s2] =	dma.local @!p0 [hbm:s0], s1  }
0x29d: {  	s0 =	simm.s32 @!p0 $0x5  }
0x29e: {  	_ =	swait.ge @!p0 [sflag:s0], s1  }
0x29f: {  	s1 =	ssub.s32 @!p0 $0x0, s1;
	[sflag:s0] =	ssyncset.done @!p0 $0x0  }
0x2a0: {  	[sflag:s0] =	ssyncadd.s32 @!p0 s1  }
0x2a1: {  	[bflag:$0x3] =	sbarrier.arrive $0xFFFF  }
0x2a2: {  	_ =	shalt  }

</sc_bundles>
